<compile_context>
chip_gen: v7x
topology: tpu7x:2x2x1
jax: 0.10.2.dev20260603
libtpu: 0.0.44.dev20260713+nightly
codegen_flags: <defaults>
</compile_context>

<pallas_src>
import functools

import jax
import jax.numpy as jnp
from jax import lax
from jax.experimental import pallas as pl
from jax.experimental.pallas import tpu as pltpu
from jax.experimental.pallas import tpu_sc as plsc

B = 4
N = 8192
NPOINT = 1024
NSAMPLE = 32
ALPHA = 0.2
EPS = 1e-5
QB = 128



_FR = 8
_FC = N // _FR


def _fps_body(xr_ref, cent_ref):
    xs = [[xr_ref[b, c] for c in range(3)] for b in range(B)]
    iota = (lax.broadcasted_iota(jnp.int32, (_FR, _FC), 0) * _FC
            + lax.broadcasted_iota(jnp.int32, (_FR, _FC), 1))

    def merge(va, ia, vb, ib):
        gt = va > vb
        eq = va == vb
        v = jnp.maximum(va, vb)
        ind = jnp.where(gt, ia, jnp.where(eq, jnp.minimum(ia, ib), ib))
        return v, ind

    def argmax_fold(dist):
        v, ind = dist, iota
        w = _FC
        while w > 128:
            w //= 2
            v, ind = merge(v[:, :w], ind[:, :w], v[:, w:], ind[:, w:])
        h = 64
        while h >= 1:
            v, ind = merge(v, ind, pltpu.roll(v, 128 - h, 1),
                           pltpu.roll(ind, 128 - h, 1))
            h //= 2
        h = 4
        while h >= 1:
            v, ind = merge(v, ind, pltpu.roll(v, 8 - h, 0),
                           pltpu.roll(ind, 8 - h, 0))
            h //= 2
        return ind[0:1, 0:1]

    def step(i, carry):
        dists, fars = carry
        new_dists = []
        new_fars = []
        for b in range(B):
            far = fars[b]
            cent_ref[b, pl.ds(i, 1), 0:1] = far
            sel = iota == far
            xb, yb, zb = xs[b]
            cx = jnp.sum(jnp.where(sel, xb, 0.0), axis=(0, 1), keepdims=True)
            cy = jnp.sum(jnp.where(sel, yb, 0.0), axis=(0, 1), keepdims=True)
            cz = jnp.sum(jnp.where(sel, zb, 0.0), axis=(0, 1), keepdims=True)
            dx = xb - cx
            dy = yb - cy
            dz = zb - cz
            d = (dx * dx + dz * dz) + dy * dy
            dist = jnp.minimum(dists[b], d)
            far = argmax_fold(dist)
            new_dists.append(dist)
            new_fars.append(far)
        return new_dists, new_fars

    def body(i2, carry):
        carry = step(i2 * 2, carry)
        return step(i2 * 2 + 1, carry)

    dist0 = [jnp.full((_FR, _FC), 1e10, dtype=jnp.float32) for _ in range(B)]
    far0 = [jnp.zeros((1, 1), dtype=jnp.int32) for _ in range(B)]
    lax.fori_loop(0, NPOINT // 2, body, (dist0, far0))


def _fps(xr):
    return pl.pallas_call(
        _fps_body,
        out_shape=jax.ShapeDtypeStruct((B, NPOINT, 8), jnp.int32),
    )(xr)



def _knn_body(q_ref, x_ref, idx_ref):
    q = q_ref[0]
    xt = x_ref[0]
    qx = jnp.dot(q, xt, preferred_element_type=jnp.float32)
    sqq = jnp.sum(q * q, axis=1, keepdims=True)
    sqx = jnp.sum(xt * xt, axis=0, keepdims=True)
    score = 2.0 * qx - sqq - sqx
    iota = lax.broadcasted_iota(jnp.int32, (QB, N), 1)
    cols = []
    for k in range(NSAMPLE):
        m = jnp.max(score, axis=1, keepdims=True)
        sel = score == m
        j = jnp.min(jnp.where(sel, iota, jnp.int32(N)), axis=1, keepdims=True)
        cols.append(j)
        if k + 1 < NSAMPLE:
            score = jnp.where(sel, -jnp.inf, score)
    idx_ref[0] = jnp.concatenate(cols, axis=1)


def _knn(q8, x8t):
    return pl.pallas_call(
        _knn_body,
        grid=(B, NPOINT // QB),
        in_specs=[
            pl.BlockSpec((1, QB, 8), lambda b, i: (b, i, 0)),
            pl.BlockSpec((1, 8, N), lambda b, i: (b, 0, 0)),
        ],
        out_specs=pl.BlockSpec((1, QB, NSAMPLE), lambda b, i: (b, i, 0)),
        out_shape=jax.ShapeDtypeStruct((B, NPOINT, NSAMPLE), jnp.int32),
    )(q8, x8t)



def _make_sc_gather(rows_total, depth):
    NW = 32
    CH = 128
    nc = rows_total // (CH * NW)
    mesh = plsc.VectorSubcoreMesh(core_axis_name="c", subcore_axis_name="s")

    @functools.partial(
        pl.kernel,
        mesh=mesh,
        out_type=jax.ShapeDtypeStruct((rows_total, depth), jnp.float32),
        scratch_types=[
            pltpu.VMEM((nc, CH), jnp.int32),
            pltpu.VMEM((CH, depth), jnp.float32),
            pltpu.SemaphoreType.DMA,
        ],
    )
    def k(table_hbm, idx_hbm, out_hbm, idx_v, rows_v, sem):
        wid = lax.axis_index("s") * 2 + lax.axis_index("c")
        base_c = wid * nc
        pltpu.sync_copy(idx_hbm.at[pl.ds(base_c, nc)], idx_v)

        def body(j, carry):
            pltpu.async_copy(table_hbm.at[idx_v.at[j]], rows_v, sem).wait()
            pltpu.sync_copy(rows_v, out_hbm.at[pl.ds((base_c + j) * CH, CH)])
            return carry

        lax.fori_loop(0, nc, body, 0)

    return k



def _attn_body(g_ref, f_ref, w0_ref, w1_ref, sc0_ref, sh0_ref, sc1_ref,
               sh1_ref, ap_ref, ah_ref, o_ref):
    F = f_ref[0][:, 0:64]
    nx = F[:, 0:3]
    w0 = w0_ref[...]
    w1 = w1_ref[...]
    sc0 = sc0_ref[...]
    sh0 = sh0_ref[...]
    sc1 = sc1_ref[...]
    sh1 = sh1_ref[...]
    ah = ah_ref[...]

    def layer(v, w, sc, sh):
        y = jnp.dot(v, w, preferred_element_type=jnp.float32) * sc + sh
        return jnp.maximum(y, 0.0)

    fh = layer(layer(F, w0, sc0, sh0), w1, sc1, sh1)
    nxpad = jnp.concatenate([nx, jnp.zeros((QB, 61), jnp.float32)], axis=1)
    ap0 = ap_ref[0:1, :]
    ap1 = ap_ref[1:2, :]
    ap2 = ap_ref[2:3, :]

    G = g_ref[0][:, :, 0:64]
    X = (G - nxpad[None]).reshape(NSAMPLE * QB, 64)
    h2 = layer(layer(X, w0, sc0, sh0), w1, sc1, sh1)
    h23 = h2.reshape(NSAMPLE, QB, 128)
    dh = (fh[None] - h23).reshape(NSAMPLE * QB, 128)
    dp = nx[None] - G[:, :, 0:3]
    e3 = (jnp.dot(dh, ah, preferred_element_type=jnp.float32)
          .reshape(NSAMPLE, QB, 128)
          + dp[:, :, 0:1] * ap0[None] + dp[:, :, 1:2] * ap1[None]
          + dp[:, :, 2:3] * ap2[None])
    e3 = jnp.where(e3 >= 0.0, e3, ALPHA * e3)
    m = jnp.max(e3, axis=0)
    p3 = jnp.exp(e3 - m[None])
    den = jnp.sum(p3, axis=0)
    num = jnp.sum(p3 * h23, axis=0)
    o_ref[0] = num / den


def _attention(grouped, fpsc, w0t, w1t, sc0, sh0, sc1, sh1, ap, ah):
    return pl.pallas_call(
        _attn_body,
        grid=(B, NPOINT // QB),
        in_specs=[
            pl.BlockSpec((1, NSAMPLE, QB, 128), lambda b, i: (b, 0, i, 0)),
            pl.BlockSpec((1, QB, 128), lambda b, i: (b, i, 0)),
            pl.BlockSpec((64, 64), lambda b, i: (0, 0)),
            pl.BlockSpec((64, 128), lambda b, i: (0, 0)),
            pl.BlockSpec((1, 64), lambda b, i: (0, 0)),
            pl.BlockSpec((1, 64), lambda b, i: (0, 0)),
            pl.BlockSpec((1, 128), lambda b, i: (0, 0)),
            pl.BlockSpec((1, 128), lambda b, i: (0, 0)),
            pl.BlockSpec((8, 128), lambda b, i: (0, 0)),
            pl.BlockSpec((128, 128), lambda b, i: (0, 0)),
        ],
        out_specs=pl.BlockSpec((1, QB, 128), lambda b, i: (b, i, 0)),
        out_shape=jax.ShapeDtypeStruct((B, NPOINT, 128), jnp.float32),
    )(grouped, fpsc, w0t, w1t, sc0, sh0, sc1, sh1, ap, ah)



def kernel(xyz, points, W0, b0, g0, be0, W1, b1, g1, be1, a):
    xt = jnp.transpose(xyz, (0, 2, 1))
    x8t = jnp.zeros((B, 8, N), jnp.float32).at[:, 0:3, :].set(xt)
    xr = xt.reshape(B, 3, _FR, _FC)
    table = jnp.concatenate(
        [xyz, points, jnp.zeros((B, N, 64), jnp.float32)],
        axis=-1).reshape(B * N, 128)
    offs = (jnp.arange(B, dtype=jnp.int32) * N)[:, None]

    cent = _fps(xr)[:, :, 0]

    fps_idx = (cent + offs).reshape(B * NPOINT // 128, 128)
    fpsc = _make_sc_gather(B * NPOINT, 128)(table, fps_idx)
    fpsc = fpsc.reshape(B, NPOINT, 128)
    new_xyz = fpsc[:, :, 0:3]

    q8 = jnp.zeros((B, NPOINT, 8), jnp.float32).at[:, :, 0:3].set(new_xyz)
    idx = _knn(q8, x8t)

    gidx = (jnp.transpose(idx, (0, 2, 1)) + offs[:, None]).reshape(
        B * NSAMPLE * NPOINT // 128, 128)
    grouped = _make_sc_gather(B * NSAMPLE * NPOINT, 128)(table, gidx)
    grouped = grouped.reshape(B, NSAMPLE, NPOINT, 128)

    rs = 1.0 / jnp.sqrt(jnp.float32(1.0) + EPS)
    sc0 = (g0 * rs)[None, :]
    sh0 = (b0 * g0 * rs + be0)[None, :]
    sc1 = (g1 * rs)[None, :]
    sh1 = (b1 * g1 * rs + be1)[None, :]
    ap = jnp.zeros((8, 128), jnp.float32).at[0:3, :].set(a[0:3, :])
    ah = a[3:, :]
    pooled = _attention(grouped, fpsc, W0.T, W1.T, sc0, sh0, sc1, sh1, ap, ah)
    return (new_xyz, pooled)

# --- scband reference (transcript-rebuilt; emitter-appended) ---
"""Pipeline reference for scband-graph-attention-conv-layer-62062277427564 (READ-ONLY COPY).

The authoritative reference and input builder live on the scoring server;
editing this copy changes nothing except your own understanding.
"""

import jax, jax.numpy as jnp
import numpy as np

NPOINT = 1024
NSAMPLE = 32
ALPHA = 0.2
EPS = 1e-5

def square_distance(src, dst):
    dist = -2.0 * jnp.matmul(src, jnp.transpose(dst, (0, 2, 1)))
    dist = dist + jnp.sum(src ** 2, -1)[..., None]
    dist = dist + jnp.sum(dst ** 2, -1)[:, None, :]
    return dist

def index_points(points, idx):
    B = points.shape[0]
    flat = idx.reshape(B, -1)
    out = jnp.take_along_axis(points, flat[..., None], axis=1)
    return out.reshape(idx.shape + (points.shape[-1],))

def farthest_point_sample(xyz, npoint):
    B, N, C = xyz.shape
    def body(i, carry):
        centroids, distance, farthest = carry
        centroids = centroids.at[:, i].set(farthest)
        centroid = jnp.take_along_axis(xyz, farthest[:, None, None], axis=1)
        dist = jnp.sum((xyz - centroid) ** 2, -1)
        distance = jnp.minimum(distance, dist)
        farthest = jnp.argmax(distance, axis=-1).astype(jnp.int32)
        return (centroids, distance, farthest)
    centroids0 = jnp.zeros((B, npoint), dtype=jnp.int32)
    distance0 = jnp.full((B, N), 1e10, dtype=xyz.dtype)
    farthest0 = jnp.zeros((B,), dtype=jnp.int32)  # deterministic start (torch uses randint)
    centroids, _, _ = jax.lax.fori_loop(0, npoint, body, (centroids0, distance0, farthest0))
    return centroids

def knn_point(nsample, xyz, new_xyz):
    sqrdists = -square_distance(new_xyz, xyz)
    vals, idx = jax.lax.top_k(sqrdists, nsample)
    return -vals, idx

def sample_and_group(npoint, nsample, xyz, points):
    fps_idx = farthest_point_sample(xyz, npoint)
    new_xyz = index_points(xyz, fps_idx)
    _, idx = knn_point(nsample, xyz, new_xyz)
    grouped_xyz = index_points(xyz, idx)
    grouped_xyz_norm = grouped_xyz - new_xyz[:, :, None, :]
    grouped_points = index_points(points, idx)
    fps_points = index_points(points, fps_idx)
    fps_points = jnp.concatenate([new_xyz, fps_points], axis=-1)
    new_points = jnp.concatenate([grouped_xyz_norm, grouped_points], axis=-1)
    return new_xyz, new_points, grouped_xyz, fps_points

def conv_bn_relu(x, W, b, gamma, beta):
    # 1x1 Conv2d in channels-last form + BatchNorm2d in eval mode (running mean 0, var 1)
    y = jnp.matmul(x, W.T) + b
    y = gamma * y / jnp.sqrt(1.0 + EPS) + beta
    return jax.nn.relu(y)

def setup_inputs(seed: int = 0):
    key = jax.random.key(seed)
    ks = jax.random.split(key, 8)
    xyz = jax.random.uniform(ks[0], (4, 8192, 3), dtype=jnp.float32)
    points = jax.random.normal(ks[1], (4, 8192, 61), dtype=jnp.float32)
    W0 = jax.random.normal(ks[2], (64, 64), dtype=jnp.float32) * (1.0 / np.sqrt(64.0))
    b0 = jnp.zeros((64,), dtype=jnp.float32)
    g0 = jnp.ones((64,), dtype=jnp.float32)
    be0 = jnp.zeros((64,), dtype=jnp.float32)
    W1 = jax.random.normal(ks[3], (128, 64), dtype=jnp.float32) * (1.0 / np.sqrt(64.0))
    b1 = jnp.zeros((128,), dtype=jnp.float32)
    g1 = jnp.ones((128,), dtype=jnp.float32)
    be1 = jnp.zeros((128,), dtype=jnp.float32)
    bound = 1.414 * np.sqrt(6.0 / (131.0 + 128.0))
    a = jax.random.uniform(ks[4], (131, 128), dtype=jnp.float32, minval=-bound, maxval=bound)
    return {"xyz": xyz, "points": points, "W0": W0, "b0": b0, "g0": g0, "be0": be0, "W1": W1, "b1": b1, "g1": g1, "be1": be1, "a": a}

def reference(xyz, points, W0, b0, g0, be0, W1, b1, g1, be1, a):
    new_xyz, new_points, grouped_xyz, fps_points = sample_and_group(NPOINT, NSAMPLE, xyz, points)
    for (W, b, g, be) in ((W0, b0, g0, be0), (W1, b1, g1, be1)):
        fps_points = conv_bn_relu(fps_points, W, b, g, be)
        new_points = conv_bn_relu(new_points, W, b, g, be)
    # GraphAttention (eval mode: dropout is identity)
    delta_p = new_xyz[:, :, None, :] - grouped_xyz
    delta_h = fps_points[:, :, None, :] - new_points
    cat = jnp.concatenate([delta_p, delta_h], axis=-1)
    e = jax.nn.leaky_relu(jnp.matmul(cat, a), ALPHA)
    attention = jax.nn.softmax(e, axis=2)
    graph_pooling = jnp.sum(attention * new_points, axis=2)
    return (new_xyz, graph_pooling)

if __name__ == "__main__":
    import jax
    _d = setup_inputs()
    print(jax.jit(kernel)(*tuple(_d.values())))

</pallas_src>

<mosaic_0001>
#map = affine_map<(d0, d1) -> (0, 0)>
module attributes {stable_mosaic.version = 14 : i64} {
  func.func @k(%arg0: i32, %arg1: i32, %arg2: memref<32768x128xf32, #tpu.memory_space<hbm>>, %arg3: memref<32x128xi32, #tpu.memory_space<hbm>>, %arg4: memref<4096x128xf32, #tpu.memory_space<hbm>>, %arg5: memref<1x128xi32, #tpu.memory_space<vmem>>, %arg6: memref<128x128xf32, #tpu.memory_space<vmem>>, %arg7: memref<!tpu.dma_semaphore, #tpu.memory_space<semaphore_mem>>) attributes {dimension_semantics = [#tpu.dimension_semantics<core_parallel>, #tpu.dimension_semantics<subcore_parallel>], iteration_bounds = array<i64: 2, 16>, scalar_prefetch = 0 : i64, scratch_operands = 3 : i64, tpu.core_type = #tpu.core_type<sc_vector_subcore>, window_params = [{transform_indices = #map}, {transform_indices = #map}, {transform_indices = #map}]} {
    %mul3A = arith.constant 2 : i32
    %mul3A_0 = arith.muli %arg1, %mul3A : i32
    %add3A = arith.addi %mul3A_0, %arg0 : i32
    %mul3A_1 = arith.constant 1 : i32
    %mul3A_2 = arith.muli %add3A, %mul3A_1 : i32
    "tpu.region"() ({
      %run_scoped3A = tpu.sem_alloc : memref<!tpu.dma_semaphore, #tpu.memory_space<semaphore_mem>>
      %dma_start3A_18 = arith.constant 0 : i32
      %dma_start3A_19 = tpu.memref_slice %arg3[%mul3A_2, %dma_start3A_18] : memref<32x128xi32, #tpu.memory_space<hbm>> -> memref<1x128xi32, #tpu.memory_space<hbm>>
      %dma_start3A_20 = arith.constant 0 : i32
      %dma_start3A_21 = tpu.memref_slice %arg3[%mul3A_2, %dma_start3A_20] : memref<32x128xi32, #tpu.memory_space<hbm>> -> memref<1x128xi32, #tpu.memory_space<hbm>>
      tpu.enqueue_dma source(%dma_start3A_21 : memref<1x128xi32, #tpu.memory_space<hbm>>) target(%arg5 : memref<1x128xi32, #tpu.memory_space<vmem>>) target_semaphore(%run_scoped3A : memref<!tpu.dma_semaphore, #tpu.memory_space<semaphore_mem>>)
      %dma_wait3A_22 = arith.constant 0 : i32
      %dma_wait3A_23 = tpu.memref_slice %arg3[%mul3A_2, %dma_wait3A_22] : memref<32x128xi32, #tpu.memory_space<hbm>> -> memref<1x128xi32, #tpu.memory_space<hbm>>
      %dma_wait3A_24 = arith.constant 0 : i32
      %dma_wait3A_25 = tpu.memref_slice %arg3[%mul3A_2, %dma_wait3A_24] : memref<32x128xi32, #tpu.memory_space<hbm>> -> memref<1x128xi32, #tpu.memory_space<hbm>>
      tpu.wait_dma2 semaphore(%run_scoped3A : memref<!tpu.dma_semaphore, #tpu.memory_space<semaphore_mem>>) src(%dma_wait3A_25 : memref<1x128xi32, #tpu.memory_space<hbm>>) dst(%arg5 : memref<1x128xi32, #tpu.memory_space<vmem>>)
      tpu.yield
    }) : () -> ()
    %scan3A = arith.constant 0 : i32
    %scan3A_3 = arith.constant 0 : i32
    %dma_start3A = arith.constant 0 : i32
    %dma_start3A_4 = tpu.memref_slice %arg5[%scan3A_3, %dma_start3A] : memref<1x128xi32, #tpu.memory_space<vmem>> -> memref<1x128xi32, #tpu.memory_space<vmem>>
    %dma_start3A_5 = tpu.memref_squeeze %dma_start3A_4 : memref<1x128xi32, #tpu.memory_space<vmem>> -> memref<128xi32, #tpu.memory_space<vmem>>
    %dma_start3A_6 = arith.constant 0 : i32
    %dma_start3A_7 = arith.constant 0 : i32
    %dma_start3A_8 = tpu.memref_slice %arg2[%dma_start3A_6, %dma_start3A_7] : memref<32768x128xf32, #tpu.memory_space<hbm>> -> memref<32768x128xf32, #tpu.memory_space<hbm>>
    tpu.enqueue_indirect_dma source(%dma_start3A_8 : memref<32768x128xf32, #tpu.memory_space<hbm>>) target(%arg6 : memref<128x128xf32, #tpu.memory_space<vmem>>) offsets(%dma_start3A_5 : memref<128xi32, #tpu.memory_space<vmem>>) semaphore(%arg7 : memref<!tpu.dma_semaphore, #tpu.memory_space<semaphore_mem>>)
    %dma_wait3A = arith.constant 0 : i32
    %dma_wait3A_9 = tpu.memref_slice %arg5[%scan3A_3, %dma_wait3A] : memref<1x128xi32, #tpu.memory_space<vmem>> -> memref<1x128xi32, #tpu.memory_space<vmem>>
    %dma_wait3A_10 = tpu.memref_squeeze %dma_wait3A_9 : memref<1x128xi32, #tpu.memory_space<vmem>> -> memref<128xi32, #tpu.memory_space<vmem>>
    %dma_wait3A_11 = arith.constant 0 : i32
    %dma_wait3A_12 = arith.constant 0 : i32
    %dma_wait3A_13 = tpu.memref_slice %arg2[%dma_wait3A_11, %dma_wait3A_12] : memref<32768x128xf32, #tpu.memory_space<hbm>> -> memref<32768x128xf32, #tpu.memory_space<hbm>>
    tpu.wait_indirect_dma semaphore(%arg7 : memref<!tpu.dma_semaphore, #tpu.memory_space<semaphore_mem>>) src(%dma_wait3A_13 : memref<32768x128xf32, #tpu.memory_space<hbm>>) dst(%arg6 : memref<128x128xf32, #tpu.memory_space<vmem>>)
    %add3A_14 = arith.addi %mul3A_2, %scan3A_3 : i32
    %mul3A_15 = arith.constant 128 : i32
    %mul3A_16 = arith.muli %add3A_14, %mul3A_15 : i32
    "tpu.region"() ({
      %run_scoped3A = tpu.sem_alloc : memref<!tpu.dma_semaphore, #tpu.memory_space<semaphore_mem>>
      %dma_start3A_18 = arith.constant 0 : i32
      %dma_start3A_19 = tpu.memref_slice %arg4[%mul3A_16, %dma_start3A_18] : memref<4096x128xf32, #tpu.memory_space<hbm>> -> memref<128x128xf32, #tpu.memory_space<hbm>>
      %dma_start3A_20 = arith.constant 0 : i32
      %dma_start3A_21 = tpu.memref_slice %arg4[%mul3A_16, %dma_start3A_20] : memref<4096x128xf32, #tpu.memory_space<hbm>> -> memref<128x128xf32, #tpu.memory_space<hbm>>
      tpu.enqueue_dma source(%arg6 : memref<128x128xf32, #tpu.memory_space<vmem>>) target(%dma_start3A_21 : memref<128x128xf32, #tpu.memory_space<hbm>>) target_semaphore(%run_scoped3A : memref<!tpu.dma_semaphore, #tpu.memory_space<semaphore_mem>>)
      %dma_wait3A_22 = arith.constant 0 : i32
      %dma_wait3A_23 = tpu.memref_slice %arg4[%mul3A_16, %dma_wait3A_22] : memref<4096x128xf32, #tpu.memory_space<hbm>> -> memref<128x128xf32, #tpu.memory_space<hbm>>
      %dma_wait3A_24 = arith.constant 0 : i32
      %dma_wait3A_25 = tpu.memref_slice %arg4[%mul3A_16, %dma_wait3A_24] : memref<4096x128xf32, #tpu.memory_space<hbm>> -> memref<128x128xf32, #tpu.memory_space<hbm>>
      tpu.wait_dma2 semaphore(%run_scoped3A : memref<!tpu.dma_semaphore, #tpu.memory_space<semaphore_mem>>) src(%arg6 : memref<128x128xf32, #tpu.memory_space<vmem>>) dst(%dma_wait3A_25 : memref<128x128xf32, #tpu.memory_space<hbm>>)
      tpu.yield
    }) : () -> ()
    %scan3A_17 = arith.constant 1 : i32
    return
  }
}

#map = affine_map<(d0, d1) -> (0, 0)>
module attributes {stable_mosaic.version = 14 : i64} {
  func.func @k(%arg0: i32, %arg1: i32, %arg2: memref<32768x128xf32, #tpu.memory_space<hbm>>, %arg3: memref<1024x128xi32, #tpu.memory_space<hbm>>, %arg4: memref<131072x128xf32, #tpu.memory_space<hbm>>, %arg5: memref<32x128xi32, #tpu.memory_space<vmem>>, %arg6: memref<128x128xf32, #tpu.memory_space<vmem>>, %arg7: memref<!tpu.dma_semaphore, #tpu.memory_space<semaphore_mem>>) attributes {dimension_semantics = [#tpu.dimension_semantics<core_parallel>, #tpu.dimension_semantics<subcore_parallel>], iteration_bounds = array<i64: 2, 16>, scalar_prefetch = 0 : i64, scratch_operands = 3 : i64, tpu.core_type = #tpu.core_type<sc_vector_subcore>, window_params = [{transform_indices = #map}, {transform_indices = #map}, {transform_indices = #map}]} {
    %mul3A = arith.constant 2 : i32
    %mul3A_0 = arith.muli %arg1, %mul3A : i32
    %add3A = arith.addi %mul3A_0, %arg0 : i32
    %mul3A_1 = arith.constant 32 : i32
    %mul3A_2 = arith.muli %add3A, %mul3A_1 : i32
    "tpu.region"() ({
      %run_scoped3A = tpu.sem_alloc : memref<!tpu.dma_semaphore, #tpu.memory_space<semaphore_mem>>
      %dma_start3A = arith.constant 0 : i32
      %dma_start3A_8 = tpu.memref_slice %arg3[%mul3A_2, %dma_start3A] : memref<1024x128xi32, #tpu.memory_space<hbm>> -> memref<32x128xi32, #tpu.memory_space<hbm>>
      %dma_start3A_9 = arith.constant 0 : i32
      %dma_start3A_10 = tpu.memref_slice %arg3[%mul3A_2, %dma_start3A_9] : memref<1024x128xi32, #tpu.memory_space<hbm>> -> memref<32x128xi32, #tpu.memory_space<hbm>>
      tpu.enqueue_dma source(%dma_start3A_10 : memref<32x128xi32, #tpu.memory_space<hbm>>) target(%arg5 : memref<32x128xi32, #tpu.memory_space<vmem>>) target_semaphore(%run_scoped3A : memref<!tpu.dma_semaphore, #tpu.memory_space<semaphore_mem>>)
      %dma_wait3A = arith.constant 0 : i32
      %dma_wait3A_11 = tpu.memref_slice %arg3[%mul3A_2, %dma_wait3A] : memref<1024x128xi32, #tpu.memory_space<hbm>> -> memref<32x128xi32, #tpu.memory_space<hbm>>
      %dma_wait3A_12 = arith.constant 0 : i32
      %dma_wait3A_13 = tpu.memref_slice %arg3[%mul3A_2, %dma_wait3A_12] : memref<1024x128xi32, #tpu.memory_space<hbm>> -> memref<32x128xi32, #tpu.memory_space<hbm>>
      tpu.wait_dma2 semaphore(%run_scoped3A : memref<!tpu.dma_semaphore, #tpu.memory_space<semaphore_mem>>) src(%dma_wait3A_13 : memref<32x128xi32, #tpu.memory_space<hbm>>) dst(%arg5 : memref<32x128xi32, #tpu.memory_space<vmem>>)
      tpu.yield
    }) : () -> ()
    %scan3A = arith.constant 0 : i32
    %scan3A_3 = arith.constant 0 : i32
    %scan3A_4 = arith.constant 32 : i32
    %scan3A_5 = arith.addi %scan3A_3, %scan3A_4 : i32
    %scan3A_6 = arith.constant 1 : i32
    scf.for %scan3A_8 = %scan3A_3 to %scan3A_5 step %scan3A_6  : i32 {
      %dma_start3A = arith.constant 0 : i32
      %dma_start3A_9 = tpu.memref_slice %arg5[%scan3A_8, %dma_start3A] : memref<32x128xi32, #tpu.memory_space<vmem>> -> memref<1x128xi32, #tpu.memory_space<vmem>>
      %dma_start3A_10 = tpu.memref_squeeze %dma_start3A_9 : memref<1x128xi32, #tpu.memory_space<vmem>> -> memref<128xi32, #tpu.memory_space<vmem>>
      %dma_start3A_11 = arith.constant 0 : i32
      %dma_start3A_12 = arith.constant 0 : i32
      %dma_start3A_13 = tpu.memref_slice %arg2[%dma_start3A_11, %dma_start3A_12] : memref<32768x128xf32, #tpu.memory_space<hbm>> -> memref<32768x128xf32, #tpu.memory_space<hbm>>
      tpu.enqueue_indirect_dma source(%dma_start3A_13 : memref<32768x128xf32, #tpu.memory_space<hbm>>) target(%arg6 : memref<128x128xf32, #tpu.memory_space<vmem>>) offsets(%dma_start3A_10 : memref<128xi32, #tpu.memory_space<vmem>>) semaphore(%arg7 : memref<!tpu.dma_semaphore, #tpu.memory_space<semaphore_mem>>)
      %dma_wait3A = arith.constant 0 : i32
      %dma_wait3A_14 = tpu.memref_slice %arg5[%scan3A_8, %dma_wait3A] : memref<32x128xi32, #tpu.memory_space<vmem>> -> memref<1x128xi32, #tpu.memory_space<vmem>>
      %dma_wait3A_15 = tpu.memref_squeeze %dma_wait3A_14 : memref<1x128xi32, #tpu.memory_space<vmem>> -> memref<128xi32, #tpu.memory_space<vmem>>
      %dma_wait3A_16 = arith.constant 0 : i32
      %dma_wait3A_17 = arith.constant 0 : i32
      %dma_wait3A_18 = tpu.memref_slice %arg2[%dma_wait3A_16, %dma_wait3A_17] : memref<32768x128xf32, #tpu.memory_space<hbm>> -> memref<32768x128xf32, #tpu.memory_space<hbm>>
      tpu.wait_indirect_dma semaphore(%arg7 : memref<!tpu.dma_semaphore, #tpu.memory_space<semaphore_mem>>) src(%dma_wait3A_18 : memref<32768x128xf32, #tpu.memory_space<hbm>>) dst(%arg6 : memref<128x128xf32, #tpu.memory_space<vmem>>)
      %add3A_19 = arith.addi %mul3A_2, %scan3A_8 : i32
      %mul3A_20 = arith.constant 128 : i32
      %mul3A_21 = arith.muli %add3A_19, %mul3A_20 : i32
      "tpu.region"() ({
        %run_scoped3A = tpu.sem_alloc : memref<!tpu.dma_semaphore, #tpu.memory_space<semaphore_mem>>
        %dma_start3A_22 = arith.constant 0 : i32
        %dma_start3A_23 = tpu.memref_slice %arg4[%mul3A_21, %dma_start3A_22] : memref<131072x128xf32, #tpu.memory_space<hbm>> -> memref<128x128xf32, #tpu.memory_space<hbm>>
        %dma_start3A_24 = arith.constant 0 : i32
        %dma_start3A_25 = tpu.memref_slice %arg4[%mul3A_21, %dma_start3A_24] : memref<131072x128xf32, #tpu.memory_space<hbm>> -> memref<128x128xf32, #tpu.memory_space<hbm>>
        tpu.enqueue_dma source(%arg6 : memref<128x128xf32, #tpu.memory_space<vmem>>) target(%dma_start3A_25 : memref<128x128xf32, #tpu.memory_space<hbm>>) target_semaphore(%run_scoped3A : memref<!tpu.dma_semaphore, #tpu.memory_space<semaphore_mem>>)
        %dma_wait3A_26 = arith.constant 0 : i32
        %dma_wait3A_27 = tpu.memref_slice %arg4[%mul3A_21, %dma_wait3A_26] : memref<131072x128xf32, #tpu.memory_space<hbm>> -> memref<128x128xf32, #tpu.memory_space<hbm>>
        %dma_wait3A_28 = arith.constant 0 : i32
        %dma_wait3A_29 = tpu.memref_slice %arg4[%mul3A_21, %dma_wait3A_28] : memref<131072x128xf32, #tpu.memory_space<hbm>> -> memref<128x128xf32, #tpu.memory_space<hbm>>
        tpu.wait_dma2 semaphore(%run_scoped3A : memref<!tpu.dma_semaphore, #tpu.memory_space<semaphore_mem>>) src(%arg6 : memref<128x128xf32, #tpu.memory_space<vmem>>) dst(%dma_wait3A_29 : memref<128x128xf32, #tpu.memory_space<hbm>>)
        tpu.yield
      }) : () -> ()
    }
    %scan3A_7 = arith.constant 32 : i32
    return
  }
}

module attributes {stable_mosaic.version = 14 : i64} {
  func.func @_fps_body(%arg0: memref<4x3x8x1024xf32, #tpu.memory_space<vmem>>, %arg1: memref<4x1024x8xi32, #tpu.memory_space<vmem>>) attributes {dimension_semantics = [], scalar_prefetch = 0 : i64, scratch_operands = 0 : i64, tpu.core_type = #tpu.core_type<tc>} {
    %get3A = arith.constant 0 : index
    %get3A_0 = arith.constant 0 : index
    %get3A_1 = arith.constant 0 : index
    %get3A_2 = arith.constant 0 : index
    %get3A_3 = vector.load %arg0[%get3A, %get3A_0, %get3A_1, %get3A_2] : memref<4x3x8x1024xf32, #tpu.memory_space<vmem>>, vector<1x1x8x1024xf32>
    %get3A_4 = vector.shape_cast %get3A_3 : vector<1x1x8x1024xf32> to vector<8x1024xf32>
    %get3A_5 = arith.constant 0 : index
    %get3A_6 = arith.constant 1 : index
    %get3A_7 = arith.constant 0 : index
    %get3A_8 = arith.constant 0 : index
    %get3A_9 = vector.load %arg0[%get3A_5, %get3A_6, %get3A_7, %get3A_8] : memref<4x3x8x1024xf32, #tpu.memory_space<vmem>>, vector<1x1x8x1024xf32>
    %get3A_10 = vector.shape_cast %get3A_9 : vector<1x1x8x1024xf32> to vector<8x1024xf32>
    %get3A_11 = arith.constant 0 : index
    %get3A_12 = arith.constant 2 : index
    %get3A_13 = arith.constant 0 : index
    %get3A_14 = arith.constant 0 : index
    %get3A_15 = vector.load %arg0[%get3A_11, %get3A_12, %get3A_13, %get3A_14] : memref<4x3x8x1024xf32, #tpu.memory_space<vmem>>, vector<1x1x8x1024xf32>
    %get3A_16 = vector.shape_cast %get3A_15 : vector<1x1x8x1024xf32> to vector<8x1024xf32>
    %get3A_17 = arith.constant 1 : index
    %get3A_18 = arith.constant 0 : index
    %get3A_19 = arith.constant 0 : index
    %get3A_20 = arith.constant 0 : index
    %get3A_21 = vector.load %arg0[%get3A_17, %get3A_18, %get3A_19, %get3A_20] : memref<4x3x8x1024xf32, #tpu.memory_space<vmem>>, vector<1x1x8x1024xf32>
    %get3A_22 = vector.shape_cast %get3A_21 : vector<1x1x8x1024xf32> to vector<8x1024xf32>
    %get3A_23 = arith.constant 1 : index
    %get3A_24 = arith.constant 1 : index
    %get3A_25 = arith.constant 0 : index
    %get3A_26 = arith.constant 0 : index
    %get3A_27 = vector.load %arg0[%get3A_23, %get3A_24, %get3A_25, %get3A_26] : memref<4x3x8x1024xf32, #tpu.memory_space<vmem>>, vector<1x1x8x1024xf32>
    %get3A_28 = vector.shape_cast %get3A_27 : vector<1x1x8x1024xf32> to vector<8x1024xf32>
    %get3A_29 = arith.constant 1 : index
    %get3A_30 = arith.constant 2 : index
    %get3A_31 = arith.constant 0 : index
    %get3A_32 = arith.constant 0 : index
    %get3A_33 = vector.load %arg0[%get3A_29, %get3A_30, %get3A_31, %get3A_32] : memref<4x3x8x1024xf32, #tpu.memory_space<vmem>>, vector<1x1x8x1024xf32>
    %get3A_34 = vector.shape_cast %get3A_33 : vector<1x1x8x1024xf32> to vector<8x1024xf32>
    %get3A_35 = arith.constant 2 : index
    %get3A_36 = arith.constant 0 : index
    %get3A_37 = arith.constant 0 : index
    %get3A_38 = arith.constant 0 : index
    %get3A_39 = vector.load %arg0[%get3A_35, %get3A_36, %get3A_37, %get3A_38] : memref<4x3x8x1024xf32, #tpu.memory_space<vmem>>, vector<1x1x8x1024xf32>
    %get3A_40 = vector.shape_cast %get3A_39 : vector<1x1x8x1024xf32> to vector<8x1024xf32>
    %get3A_41 = arith.constant 2 : index
    %get3A_42 = arith.constant 1 : index
    %get3A_43 = arith.constant 0 : index
    %get3A_44 = arith.constant 0 : index
    %get3A_45 = vector.load %arg0[%get3A_41, %get3A_42, %get3A_43, %get3A_44] : memref<4x3x8x1024xf32, #tpu.memory_space<vmem>>, vector<1x1x8x1024xf32>
    %get3A_46 = vector.shape_cast %get3A_45 : vector<1x1x8x1024xf32> to vector<8x1024xf32>
    %get3A_47 = arith.constant 2 : index
    %get3A_48 = arith.constant 2 : index
    %get3A_49 = arith.constant 0 : index
    %get3A_50 = arith.constant 0 : index
    %get3A_51 = vector.load %arg0[%get3A_47, %get3A_48, %get3A_49, %get3A_50] : memref<4x3x8x1024xf32, #tpu.memory_space<vmem>>, vector<1x1x8x1024xf32>
    %get3A_52 = vector.shape_cast %get3A_51 : vector<1x1x8x1024xf32> to vector<8x1024xf32>
    %get3A_53 = arith.constant 3 : index
    %get3A_54 = arith.constant 0 : index
    %get3A_55 = arith.constant 0 : index
    %get3A_56 = arith.constant 0 : index
    %get3A_57 = vector.load %arg0[%get3A_53, %get3A_54, %get3A_55, %get3A_56] : memref<4x3x8x1024xf32, #tpu.memory_space<vmem>>, vector<1x1x8x1024xf32>
    %get3A_58 = vector.shape_cast %get3A_57 : vector<1x1x8x1024xf32> to vector<8x1024xf32>
    %get3A_59 = arith.constant 3 : index
    %get3A_60 = arith.constant 1 : index
    %get3A_61 = arith.constant 0 : index
    %get3A_62 = arith.constant 0 : index
    %get3A_63 = vector.load %arg0[%get3A_59, %get3A_60, %get3A_61, %get3A_62] : memref<4x3x8x1024xf32, #tpu.memory_space<vmem>>, vector<1x1x8x1024xf32>
    %get3A_64 = vector.shape_cast %get3A_63 : vector<1x1x8x1024xf32> to vector<8x1024xf32>
    %get3A_65 = arith.constant 3 : index
    %get3A_66 = arith.constant 2 : index
    %get3A_67 = arith.constant 0 : index
    %get3A_68 = arith.constant 0 : index
    %get3A_69 = vector.load %arg0[%get3A_65, %get3A_66, %get3A_67, %get3A_68] : memref<4x3x8x1024xf32, #tpu.memory_space<vmem>>, vector<1x1x8x1024xf32>
    %get3A_70 = vector.shape_cast %get3A_69 : vector<1x1x8x1024xf32> to vector<8x1024xf32>
    %iota3A = tpu.iota {dimensions = array<i32: 0>} : vector<8x1024xi32>
    %mul3A = arith.constant 1024 : i32
    %mul3A_71 = vector.broadcast %mul3A : i32 to vector<8x1024xi32>
    %mul3A_72 = arith.muli %iota3A, %mul3A_71 : vector<8x1024xi32>
    %iota3A_73 = tpu.iota {dimensions = array<i32: 1>} : vector<8x1024xi32>
    %add3A = arith.addi %mul3A_72, %iota3A_73 : vector<8x1024xi32>
    %broadcast_in_dim3A = arith.constant 1.000000e+10 : f32
    %broadcast_in_dim3A_74 = vector.broadcast %broadcast_in_dim3A : f32 to vector<8x1024xf32>
    %broadcast_in_dim3A_75 = arith.constant 1.000000e+10 : f32
    %broadcast_in_dim3A_76 = vector.broadcast %broadcast_in_dim3A_75 : f32 to vector<8x1024xf32>
    %broadcast_in_dim3A_77 = arith.constant 1.000000e+10 : f32
    %broadcast_in_dim3A_78 = vector.broadcast %broadcast_in_dim3A_77 : f32 to vector<8x1024xf32>
    %broadcast_in_dim3A_79 = arith.constant 1.000000e+10 : f32
    %broadcast_in_dim3A_80 = vector.broadcast %broadcast_in_dim3A_79 : f32 to vector<8x1024xf32>
    %broadcast_in_dim3A_81 = arith.constant 0 : i32
    %broadcast_in_dim3A_82 = vector.broadcast %broadcast_in_dim3A_81 : i32 to vector<1x1xi32>
    %broadcast_in_dim3A_83 = arith.constant 0 : i32
    %broadcast_in_dim3A_84 = vector.broadcast %broadcast_in_dim3A_83 : i32 to vector<1x1xi32>
    %broadcast_in_dim3A_85 = arith.constant 0 : i32
    %broadcast_in_dim3A_86 = vector.broadcast %broadcast_in_dim3A_85 : i32 to vector<1x1xi32>
    %broadcast_in_dim3A_87 = arith.constant 0 : i32
    %broadcast_in_dim3A_88 = vector.broadcast %broadcast_in_dim3A_87 : i32 to vector<1x1xi32>
    %scan3A = arith.constant 0 : i32
    %scan3A_89 = arith.constant 512 : i32
    %scan3A_90 = arith.addi %scan3A, %scan3A_89 : i32
    %scan3A_91 = arith.constant 1 : i32
    %scan3A_92:8 = scf.for %scan3A_94 = %scan3A to %scan3A_90 step %scan3A_91 iter_args(%scan3A_95 = %broadcast_in_dim3A_74, %scan3A_96 = %broadcast_in_dim3A_76, %scan3A_97 = %broadcast_in_dim3A_78, %scan3A_98 = %broadcast_in_dim3A_80, %scan3A_99 = %broadcast_in_dim3A_82, %scan3A_100 = %broadcast_in_dim3A_84, %scan3A_101 = %broadcast_in_dim3A_86, %scan3A_102 = %broadcast_in_dim3A_88) -> (vector<8x1024xf32>, vector<8x1024xf32>, vector<8x1024xf32>, vector<8x1024xf32>, vector<1x1xi32>, vector<1x1xi32>, vector<1x1xi32>, vector<1x1xi32>)  : i32 {
      %mul3A_103 = arith.constant 2 : i32
      %mul3A_104 = arith.muli %scan3A_94, %mul3A_103 : i32
      %swap3A = arith.constant 0 : index
      %swap3A_105 = arith.index_cast %mul3A_104 : i32 to index
      %swap3A_106 = arith.constant 0 : index
      %swap3A_107 = vector.load %arg1[%swap3A, %swap3A_105, %swap3A_106] : memref<4x1024x8xi32, #tpu.memory_space<vmem>>, vector<1x1x1xi32>
      %swap3A_108 = vector.shape_cast %swap3A_107 : vector<1x1x1xi32> to vector<1x1xi32>
      %swap3A_109 = vector.shape_cast %scan3A_99 : vector<1x1xi32> to vector<1x1x1xi32>
      tpu.vector_store %arg1[%swap3A, %swap3A_105, %swap3A_106], %swap3A_109 {strides = array<i32>} : memref<4x1024x8xi32, #tpu.memory_space<vmem>>, vector<1x1x1xi32>,
      %eq3A = vector.broadcast %scan3A_99 : vector<1x1xi32> to vector<8x1024xi32>
      %eq3A_110 = arith.cmpi eq, %add3A, %eq3A : vector<8x1024xi32>
      %jit3A = arith.constant 0.000000e+00 : f32
      %broadcast_in_dim3A_111 = vector.broadcast %jit3A : f32 to vector<8x1024xf32>
      %select_n3A = arith.select %eq3A_110, %get3A_4, %broadcast_in_dim3A_111 : vector<8x1024xi1>, vector<8x1024xf32>
      %reduce_sum3A = vector.shape_cast %select_n3A : vector<8x1024xf32> to vector<1x8x1024xf32>
      %reduce_sum3A_112 = arith.constant dense<0.000000e+00> : vector<1xf32>
      %reduce_sum3A_113 = vector.multi_reduction <add>, %reduce_sum3A, %reduce_sum3A_112 [1, 2] : vector<1x8x1024xf32> to vector<1xf32>
      %reduce_sum3A_114 = vector.shape_cast %reduce_sum3A_113 : vector<1xf32> to vector<1x1x1xf32>
      %reduce_sum3A_115 = vector.extract %reduce_sum3A_114[0, 0, 0] : f32 from vector<1x1x1xf32>
      %broadcast_in_dim3A_116 = vector.broadcast %reduce_sum3A_115 : f32 to vector<1x1xf32>
      %jit3A_117 = arith.constant 0.000000e+00 : f32
      %broadcast_in_dim3A_118 = vector.broadcast %jit3A_117 : f32 to vector<8x1024xf32>
      %select_n3A_119 = arith.select %eq3A_110, %get3A_10, %broadcast_in_dim3A_118 : vector<8x1024xi1>, vector<8x1024xf32>
      %reduce_sum3A_120 = vector.shape_cast %select_n3A_119 : vector<8x1024xf32> to vector<1x8x1024xf32>
      %reduce_sum3A_121 = arith.constant dense<0.000000e+00> : vector<1xf32>
      %reduce_sum3A_122 = vector.multi_reduction <add>, %reduce_sum3A_120, %reduce_sum3A_121 [1, 2] : vector<1x8x1024xf32> to vector<1xf32>
      %reduce_sum3A_123 = vector.shape_cast %reduce_sum3A_122 : vector<1xf32> to vector<1x1x1xf32>
      %reduce_sum3A_124 = vector.extract %reduce_sum3A_123[0, 0, 0] : f32 from vector<1x1x1xf32>
      %broadcast_in_dim3A_125 = vector.broadcast %reduce_sum3A_124 : f32 to vector<1x1xf32>
      %jit3A_126 = arith.constant 0.000000e+00 : f32
      %broadcast_in_dim3A_127 = vector.broadcast %jit3A_126 : f32 to vector<8x1024xf32>
      %select_n3A_128 = arith.select %eq3A_110, %get3A_16, %broadcast_in_dim3A_127 : vector<8x1024xi1>, vector<8x1024xf32>
      %reduce_sum3A_129 = vector.shape_cast %select_n3A_128 : vector<8x1024xf32> to vector<1x8x1024xf32>
      %reduce_sum3A_130 = arith.constant dense<0.000000e+00> : vector<1xf32>
      %reduce_sum3A_131 = vector.multi_reduction <add>, %reduce_sum3A_129, %reduce_sum3A_130 [1, 2] : vector<1x8x1024xf32> to vector<1xf32>
      %reduce_sum3A_132 = vector.shape_cast %reduce_sum3A_131 : vector<1xf32> to vector<1x1x1xf32>
      %reduce_sum3A_133 = vector.extract %reduce_sum3A_132[0, 0, 0] : f32 from vector<1x1x1xf32>
      %broadcast_in_dim3A_134 = vector.broadcast %reduce_sum3A_133 : f32 to vector<1x1xf32>
      %sub3A = vector.broadcast %broadcast_in_dim3A_116 : vector<1x1xf32> to vector<8x1024xf32>
      %sub3A_135 = arith.subf %get3A_4, %sub3A : vector<8x1024xf32>
      %sub3A_136 = vector.broadcast %broadcast_in_dim3A_125 : vector<1x1xf32> to vector<8x1024xf32>
      %sub3A_137 = arith.subf %get3A_10, %sub3A_136 : vector<8x1024xf32>
      %sub3A_138 = vector.broadcast %broadcast_in_dim3A_134 : vector<1x1xf32> to vector<8x1024xf32>
      %sub3A_139 = arith.subf %get3A_16, %sub3A_138 : vector<8x1024xf32>
      %mul3A_140 = arith.mulf %sub3A_135, %sub3A_135 : vector<8x1024xf32>
      %mul3A_141 = arith.mulf %sub3A_139, %sub3A_139 : vector<8x1024xf32>
      %add3A_142 = arith.addf %mul3A_140, %mul3A_141 : vector<8x1024xf32>
      %mul3A_143 = arith.mulf %sub3A_137, %sub3A_137 : vector<8x1024xf32>
      %add3A_144 = arith.addf %add3A_142, %mul3A_143 : vector<8x1024xf32>
      %min3A = arith.minimumf %scan3A_95, %add3A_144 : vector<8x1024xf32>
      %slice3A = vector.extract_strided_slice %min3A {offsets = [0, 0], sizes = [8, 512], strides = [1, 1]} : vector<8x1024xf32> to vector<8x512xf32>
      %slice3A_145 = vector.extract_strided_slice %add3A {offsets = [0, 0], sizes = [8, 512], strides = [1, 1]} : vector<8x1024xi32> to vector<8x512xi32>
      %slice3A_146 = vector.extract_strided_slice %min3A {offsets = [0, 512], sizes = [8, 512], strides = [1, 1]} : vector<8x1024xf32> to vector<8x512xf32>
      %slice3A_147 = vector.extract_strided_slice %add3A {offsets = [0, 512], sizes = [8, 512], strides = [1, 1]} : vector<8x1024xi32> to vector<8x512xi32>
      %gt3A = arith.cmpf ogt, %slice3A, %slice3A_146 : vector<8x512xf32>
      %eq3A_148 = arith.cmpf oeq, %slice3A, %slice3A_146 : vector<8x512xf32>
      %max3A = arith.maximumf %slice3A, %slice3A_146 : vector<8x512xf32>
      %min3A_149 = arith.minsi %slice3A_145, %slice3A_147 : vector<8x512xi32>
      %select_n3A_150 = arith.select %eq3A_148, %min3A_149, %slice3A_147 : vector<8x512xi1>, vector<8x512xi32>
      %select_n3A_151 = arith.select %gt3A, %slice3A_145, %select_n3A_150 : vector<8x512xi1>, vector<8x512xi32>
      %slice3A_152 = vector.extract_strided_slice %max3A {offsets = [0, 0], sizes = [8, 256], strides = [1, 1]} : vector<8x512xf32> to vector<8x256xf32>
      %slice3A_153 = vector.extract_strided_slice %select_n3A_151 {offsets = [0, 0], sizes = [8, 256], strides = [1, 1]} : vector<8x512xi32> to vector<8x256xi32>
      %slice3A_154 = vector.extract_strided_slice %max3A {offsets = [0, 256], sizes = [8, 256], strides = [1, 1]} : vector<8x512xf32> to vector<8x256xf32>
      %slice3A_155 = vector.extract_strided_slice %select_n3A_151 {offsets = [0, 256], sizes = [8, 256], strides = [1, 1]} : vector<8x512xi32> to vector<8x256xi32>
      %gt3A_156 = arith.cmpf ogt, %slice3A_152, %slice3A_154 : vector<8x256xf32>
      %eq3A_157 = arith.cmpf oeq, %slice3A_152, %slice3A_154 : vector<8x256xf32>
      %max3A_158 = arith.maximumf %slice3A_152, %slice3A_154 : vector<8x256xf32>
      %min3A_159 = arith.minsi %slice3A_153, %slice3A_155 : vector<8x256xi32>
      %select_n3A_160 = arith.select %eq3A_157, %min3A_159, %slice3A_155 : vector<8x256xi1>, vector<8x256xi32>
      %select_n3A_161 = arith.select %gt3A_156, %slice3A_153, %select_n3A_160 : vector<8x256xi1>, vector<8x256xi32>
      %slice3A_162 = vector.extract_strided_slice %max3A_158 {offsets = [0, 0], sizes = [8, 128], strides = [1, 1]} : vector<8x256xf32> to vector<8x128xf32>
      %slice3A_163 = vector.extract_strided_slice %select_n3A_161 {offsets = [0, 0], sizes = [8, 128], strides = [1, 1]} : vector<8x256xi32> to vector<8x128xi32>
      %slice3A_164 = vector.extract_strided_slice %max3A_158 {offsets = [0, 128], sizes = [8, 128], strides = [1, 1]} : vector<8x256xf32> to vector<8x128xf32>
      %slice3A_165 = vector.extract_strided_slice %select_n3A_161 {offsets = [0, 128], sizes = [8, 128], strides = [1, 1]} : vector<8x256xi32> to vector<8x128xi32>
      %gt3A_166 = arith.cmpf ogt, %slice3A_162, %slice3A_164 : vector<8x128xf32>
      %eq3A_167 = arith.cmpf oeq, %slice3A_162, %slice3A_164 : vector<8x128xf32>
      %max3A_168 = arith.maximumf %slice3A_162, %slice3A_164 : vector<8x128xf32>
      %min3A_169 = arith.minsi %slice3A_163, %slice3A_165 : vector<8x128xi32>
      %select_n3A_170 = arith.select %eq3A_167, %min3A_169, %slice3A_165 : vector<8x128xi1>, vector<8x128xi32>
      %select_n3A_171 = arith.select %gt3A_166, %slice3A_163, %select_n3A_170 : vector<8x128xi1>, vector<8x128xi32>
      %roll3A = arith.constant 64 : i32
      %roll3A_172 = tpu.dynamic_rotate %max3A_168 by %roll3A dim 1 : vector<8x128xf32>, i32 -> vector<8x128xf32>
      %roll3A_173 = arith.constant 64 : i32
      %roll3A_174 = tpu.dynamic_rotate %select_n3A_171 by %roll3A_173 dim 1 : vector<8x128xi32>, i32 -> vector<8x128xi32>
      %gt3A_175 = arith.cmpf ogt, %max3A_168, %roll3A_172 : vector<8x128xf32>
      %eq3A_176 = arith.cmpf oeq, %max3A_168, %roll3A_172 : vector<8x128xf32>
      %max3A_177 = arith.maximumf %max3A_168, %roll3A_172 : vector<8x128xf32>
      %min3A_178 = arith.minsi %select_n3A_171, %roll3A_174 : vector<8x128xi32>
      %select_n3A_179 = arith.select %eq3A_176, %min3A_178, %roll3A_174 : vector<8x128xi1>, vector<8x128xi32>
      %select_n3A_180 = arith.select %gt3A_175, %select_n3A_171, %select_n3A_179 : vector<8x128xi1>, vector<8x128xi32>
      %roll3A_181 = arith.constant 96 : i32
      %roll3A_182 = tpu.dynamic_rotate %max3A_177 by %roll3A_181 dim 1 : vector<8x128xf32>, i32 -> vector<8x128xf32>
      %roll3A_183 = arith.constant 96 : i32
      %roll3A_184 = tpu.dynamic_rotate %select_n3A_180 by %roll3A_183 dim 1 : vector<8x128xi32>, i32 -> vector<8x128xi32>
      %gt3A_185 = arith.cmpf ogt, %max3A_177, %roll3A_182 : vector<8x128xf32>
      %eq3A_186 = arith.cmpf oeq, %max3A_177, %roll3A_182 : vector<8x128xf32>
      %max3A_187 = arith.maximumf %max3A_177, %roll3A_182 : vector<8x128xf32>
      %min3A_188 = arith.minsi %select_n3A_180, %roll3A_184 : vector<8x128xi32>
      %select_n3A_189 = arith.select %eq3A_186, %min3A_188, %roll3A_184 : vector<8x128xi1>, vector<8x128xi32>
      %select_n3A_190 = arith.select %gt3A_185, %select_n3A_180, %select_n3A_189 : vector<8x128xi1>, vector<8x128xi32>
      %roll3A_191 = arith.constant 112 : i32
      %roll3A_192 = tpu.dynamic_rotate %max3A_187 by %roll3A_191 dim 1 : vector<8x128xf32>, i32 -> vector<8x128xf32>
      %roll3A_193 = arith.constant 112 : i32
      %roll3A_194 = tpu.dynamic_rotate %select_n3A_190 by %roll3A_193 dim 1 : vector<8x128xi32>, i32 -> vector<8x128xi32>
      %gt3A_195 = arith.cmpf ogt, %max3A_187, %roll3A_192 : vector<8x128xf32>
      %eq3A_196 = arith.cmpf oeq, %max3A_187, %roll3A_192 : vector<8x128xf32>
      %max3A_197 = arith.maximumf %max3A_187, %roll3A_192 : vector<8x128xf32>
      %min3A_198 = arith.minsi %select_n3A_190, %roll3A_194 : vector<8x128xi32>
      %select_n3A_199 = arith.select %eq3A_196, %min3A_198, %roll3A_194 : vector<8x128xi1>, vector<8x128xi32>
      %select_n3A_200 = arith.select %gt3A_195, %select_n3A_190, %select_n3A_199 : vector<8x128xi1>, vector<8x128xi32>
      %roll3A_201 = arith.constant 120 : i32
      %roll3A_202 = tpu.dynamic_rotate %max3A_197 by %roll3A_201 dim 1 : vector<8x128xf32>, i32 -> vector<8x128xf32>
      %roll3A_203 = arith.constant 120 : i32
      %roll3A_204 = tpu.dynamic_rotate %select_n3A_200 by %roll3A_203 dim 1 : vector<8x128xi32>, i32 -> vector<8x128xi32>
      %gt3A_205 = arith.cmpf ogt, %max3A_197, %roll3A_202 : vector<8x128xf32>
      %eq3A_206 = arith.cmpf oeq, %max3A_197, %roll3A_202 : vector<8x128xf32>
      %max3A_207 = arith.maximumf %max3A_197, %roll3A_202 : vector<8x128xf32>
      %min3A_208 = arith.minsi %select_n3A_200, %roll3A_204 : vector<8x128xi32>
      %select_n3A_209 = arith.select %eq3A_206, %min3A_208, %roll3A_204 : vector<8x128xi1>, vector<8x128xi32>
      %select_n3A_210 = arith.select %gt3A_205, %select_n3A_200, %select_n3A_209 : vector<8x128xi1>, vector<8x128xi32>
      %roll3A_211 = arith.constant 124 : i32
      %roll3A_212 = tpu.dynamic_rotate %max3A_207 by %roll3A_211 dim 1 : vector<8x128xf32>, i32 -> vector<8x128xf32>
      %roll3A_213 = arith.constant 124 : i32
      %roll3A_214 = tpu.dynamic_rotate %select_n3A_210 by %roll3A_213 dim 1 : vector<8x128xi32>, i32 -> vector<8x128xi32>
      %gt3A_215 = arith.cmpf ogt, %max3A_207, %roll3A_212 : vector<8x128xf32>
      %eq3A_216 = arith.cmpf oeq, %max3A_207, %roll3A_212 : vector<8x128xf32>
      %max3A_217 = arith.maximumf %max3A_207, %roll3A_212 : vector<8x128xf32>
      %min3A_218 = arith.minsi %select_n3A_210, %roll3A_214 : vector<8x128xi32>
      %select_n3A_219 = arith.select %eq3A_216, %min3A_218, %roll3A_214 : vector<8x128xi1>, vector<8x128xi32>
      %select_n3A_220 = arith.select %gt3A_215, %select_n3A_210, %select_n3A_219 : vector<8x128xi1>, vector<8x128xi32>
      %roll3A_221 = arith.constant 126 : i32
      %roll3A_222 = tpu.dynamic_rotate %max3A_217 by %roll3A_221 dim 1 : vector<8x128xf32>, i32 -> vector<8x128xf32>
      %roll3A_223 = arith.constant 126 : i32
      %roll3A_224 = tpu.dynamic_rotate %select_n3A_220 by %roll3A_223 dim 1 : vector<8x128xi32>, i32 -> vector<8x128xi32>
      %gt3A_225 = arith.cmpf ogt, %max3A_217, %roll3A_222 : vector<8x128xf32>
      %eq3A_226 = arith.cmpf oeq, %max3A_217, %roll3A_222 : vector<8x128xf32>
      %max3A_227 = arith.maximumf %max3A_217, %roll3A_222 : vector<8x128xf32>
      %min3A_228 = arith.minsi %select_n3A_220, %roll3A_224 : vector<8x128xi32>
      %select_n3A_229 = arith.select %eq3A_226, %min3A_228, %roll3A_224 : vector<8x128xi1>, vector<8x128xi32>
      %select_n3A_230 = arith.select %gt3A_225, %select_n3A_220, %select_n3A_229 : vector<8x128xi1>, vector<8x128xi32>
      %roll3A_231 = arith.constant 127 : i32
      %roll3A_232 = tpu.dynamic_rotate %max3A_227 by %roll3A_231 dim 1 : vector<8x128xf32>, i32 -> vector<8x128xf32>
      %roll3A_233 = arith.constant 127 : i32
      %roll3A_234 = tpu.dynamic_rotate %select_n3A_230 by %roll3A_233 dim 1 : vector<8x128xi32>, i32 -> vector<8x128xi32>
      %gt3A_235 = arith.cmpf ogt, %max3A_227, %roll3A_232 : vector<8x128xf32>
      %eq3A_236 = arith.cmpf oeq, %max3A_227, %roll3A_232 : vector<8x128xf32>
      %max3A_237 = arith.maximumf %max3A_227, %roll3A_232 : vector<8x128xf32>
      %min3A_238 = arith.minsi %select_n3A_230, %roll3A_234 : vector<8x128xi32>
      %select_n3A_239 = arith.select %eq3A_236, %min3A_238, %roll3A_234 : vector<8x128xi1>, vector<8x128xi32>
      %select_n3A_240 = arith.select %gt3A_235, %select_n3A_230, %select_n3A_239 : vector<8x128xi1>, vector<8x128xi32>
      %roll3A_241 = arith.constant 4 : i32
      %roll3A_242 = tpu.dynamic_rotate %max3A_237 by %roll3A_241 dim 0 : vector<8x128xf32>, i32 -> vector<8x128xf32>
      %roll3A_243 = arith.constant 4 : i32
      %roll3A_244 = tpu.dynamic_rotate %select_n3A_240 by %roll3A_243 dim 0 : vector<8x128xi32>, i32 -> vector<8x128xi32>
      %gt3A_245 = arith.cmpf ogt, %max3A_237, %roll3A_242 : vector<8x128xf32>
      %eq3A_246 = arith.cmpf oeq, %max3A_237, %roll3A_242 : vector<8x128xf32>
      %max3A_247 = arith.maximumf %max3A_237, %roll3A_242 : vector<8x128xf32>
      %min3A_248 = arith.minsi %select_n3A_240, %roll3A_244 : vector<8x128xi32>
      %select_n3A_249 = arith.select %eq3A_246, %min3A_248, %roll3A_244 : vector<8x128xi1>, vector<8x128xi32>
      %select_n3A_250 = arith.select %gt3A_245, %select_n3A_240, %select_n3A_249 : vector<8x128xi1>, vector<8x128xi32>
      %roll3A_251 = arith.constant 6 : i32
      %roll3A_252 = tpu.dynamic_rotate %max3A_247 by %roll3A_251 dim 0 : vector<8x128xf32>, i32 -> vector<8x128xf32>
      %roll3A_253 = arith.constant 6 : i32
      %roll3A_254 = tpu.dynamic_rotate %select_n3A_250 by %roll3A_253 dim 0 : vector<8x128xi32>, i32 -> vector<8x128xi32>
      %gt3A_255 = arith.cmpf ogt, %max3A_247, %roll3A_252 : vector<8x128xf32>
      %eq3A_256 = arith.cmpf oeq, %max3A_247, %roll3A_252 : vector<8x128xf32>
      %max3A_257 = arith.maximumf %max3A_247, %roll3A_252 : vector<8x128xf32>
      %min3A_258 = arith.minsi %select_n3A_250, %roll3A_254 : vector<8x128xi32>
      %select_n3A_259 = arith.select %eq3A_256, %min3A_258, %roll3A_254 : vector<8x128xi1>, vector<8x128xi32>
      %select_n3A_260 = arith.select %gt3A_255, %select_n3A_250, %select_n3A_259 : vector<8x128xi1>, vector<8x128xi32>
      %roll3A_261 = arith.constant 7 : i32
      %roll3A_262 = tpu.dynamic_rotate %max3A_257 by %roll3A_261 dim 0 : vector<8x128xf32>, i32 -> vector<8x128xf32>
      %roll3A_263 = arith.constant 7 : i32
      %roll3A_264 = tpu.dynamic_rotate %select_n3A_260 by %roll3A_263 dim 0 : vector<8x128xi32>, i32 -> vector<8x128xi32>
      %gt3A_265 = arith.cmpf ogt, %max3A_257, %roll3A_262 : vector<8x128xf32>
      %eq3A_266 = arith.cmpf oeq, %max3A_257, %roll3A_262 : vector<8x128xf32>
      %min3A_267 = arith.minsi %select_n3A_260, %roll3A_264 : vector<8x128xi32>
      %select_n3A_268 = arith.select %eq3A_266, %min3A_267, %roll3A_264 : vector<8x128xi1>, vector<8x128xi32>
      %select_n3A_269 = arith.select %gt3A_265, %select_n3A_260, %select_n3A_268 : vector<8x128xi1>, vector<8x128xi32>
      %slice3A_270 = vector.extract_strided_slice %select_n3A_269 {offsets = [0, 0], sizes = [1, 1], strides = [1, 1]} : vector<8x128xi32> to vector<1x1xi32>
      %swap3A_271 = arith.constant 1 : index
      %swap3A_272 = arith.index_cast %mul3A_104 : i32 to index
      %swap3A_273 = arith.constant 0 : index
      %swap3A_274 = vector.load %arg1[%swap3A_271, %swap3A_272, %swap3A_273] : memref<4x1024x8xi32, #tpu.memory_space<vmem>>, vector<1x1x1xi32>
      %swap3A_275 = vector.shape_cast %swap3A_274 : vector<1x1x1xi32> to vector<1x1xi32>
      %swap3A_276 = vector.shape_cast %scan3A_100 : vector<1x1xi32> to vector<1x1x1xi32>
      tpu.vector_store %arg1[%swap3A_271, %swap3A_272, %swap3A_273], %swap3A_276 {strides = array<i32>} : memref<4x1024x8xi32, #tpu.memory_space<vmem>>, vector<1x1x1xi32>,
      %eq3A_277 = vector.broadcast %scan3A_100 : vector<1x1xi32> to vector<8x1024xi32>
      %eq3A_278 = arith.cmpi eq, %add3A, %eq3A_277 : vector<8x1024xi32>
      %jit3A_279 = arith.constant 0.000000e+00 : f32
      %broadcast_in_dim3A_280 = vector.broadcast %jit3A_279 : f32 to vector<8x1024xf32>
      %select_n3A_281 = arith.select %eq3A_278, %get3A_22, %broadcast_in_dim3A_280 : vector<8x1024xi1>, vector<8x1024xf32>
      %reduce_sum3A_282 = vector.shape_cast %select_n3A_281 : vector<8x1024xf32> to vector<1x8x1024xf32>
      %reduce_sum3A_283 = arith.constant dense<0.000000e+00> : vector<1xf32>
      %reduce_sum3A_284 = vector.multi_reduction <add>, %reduce_sum3A_282, %reduce_sum3A_283 [1, 2] : vector<1x8x1024xf32> to vector<1xf32>
      %reduce_sum3A_285 = vector.shape_cast %reduce_sum3A_284 : vector<1xf32> to vector<1x1x1xf32>
      %reduce_sum3A_286 = vector.extract %reduce_sum3A_285[0, 0, 0] : f32 from vector<1x1x1xf32>
      %broadcast_in_dim3A_287 = vector.broadcast %reduce_sum3A_286 : f32 to vector<1x1xf32>
      %jit3A_288 = arith.constant 0.000000e+00 : f32
      %broadcast_in_dim3A_289 = vector.broadcast %jit3A_288 : f32 to vector<8x1024xf32>
      %select_n3A_290 = arith.select %eq3A_278, %get3A_28, %broadcast_in_dim3A_289 : vector<8x1024xi1>, vector<8x1024xf32>
      %reduce_sum3A_291 = vector.shape_cast %select_n3A_290 : vector<8x1024xf32> to vector<1x8x1024xf32>
      %reduce_sum3A_292 = arith.constant dense<0.000000e+00> : vector<1xf32>
      %reduce_sum3A_293 = vector.multi_reduction <add>, %reduce_sum3A_291, %reduce_sum3A_292 [1, 2] : vector<1x8x1024xf32> to vector<1xf32>
      %reduce_sum3A_294 = vector.shape_cast %reduce_sum3A_293 : vector<1xf32> to vector<1x1x1xf32>
      %reduce_sum3A_295 = vector.extract %reduce_sum3A_294[0, 0, 0] : f32 from vector<1x1x1xf32>
      %broadcast_in_dim3A_296 = vector.broadcast %reduce_sum3A_295 : f32 to vector<1x1xf32>
      %jit3A_297 = arith.constant 0.000000e+00 : f32
      %broadcast_in_dim3A_298 = vector.broadcast %jit3A_297 : f32 to vector<8x1024xf32>
      %select_n3A_299 = arith.select %eq3A_278, %get3A_34, %broadcast_in_dim3A_298 : vector<8x1024xi1>, vector<8x1024xf32>
      %reduce_sum3A_300 = vector.shape_cast %select_n3A_299 : vector<8x1024xf32> to vector<1x8x1024xf32>
      %reduce_sum3A_301 = arith.constant dense<0.000000e+00> : vector<1xf32>
      %reduce_sum3A_302 = vector.multi_reduction <add>, %reduce_sum3A_300, %reduce_sum3A_301 [1, 2] : vector<1x8x1024xf32> to vector<1xf32>
      %reduce_sum3A_303 = vector.shape_cast %reduce_sum3A_302 : vector<1xf32> to vector<1x1x1xf32>
      %reduce_sum3A_304 = vector.extract %reduce_sum3A_303[0, 0, 0] : f32 from vector<1x1x1xf32>
      %broadcast_in_dim3A_305 = vector.broadcast %reduce_sum3A_304 : f32 to vector<1x1xf32>
      %sub3A_306 = vector.broadcast %broadcast_in_dim3A_287 : vector<1x1xf32> to vector<8x1024xf32>
      %sub3A_307 = arith.subf %get3A_22, %sub3A_306 : vector<8x1024xf32>
      %sub3A_308 = vector.broadcast %broadcast_in_dim3A_296 : vector<1x1xf32> to vector<8x1024xf32>
      %sub3A_309 = arith.subf %get3A_28, %sub3A_308 : vector<8x1024xf32>
      %sub3A_310 = vector.broadcast %broadcast_in_dim3A_305 : vector<1x1xf32> to vector<8x1024xf32>
      %sub3A_311 = arith.subf %get3A_34, %sub3A_310 : vector<8x1024xf32>
      %mul3A_312 = arith.mulf %sub3A_307, %sub3A_307 : vector<8x1024xf32>
      %mul3A_313 = arith.mulf %sub3A_311, %sub3A_311 : vector<8x1024xf32>
      %add3A_314 = arith.addf %mul3A_312, %mul3A_313 : vector<8x1024xf32>
      %mul3A_315 = arith.mulf %sub3A_309, %sub3A_309 : vector<8x1024xf32>
      %add3A_316 = arith.addf %add3A_314, %mul3A_315 : vector<8x1024xf32>
      %min3A_317 = arith.minimumf %scan3A_96, %add3A_316 : vector<8x1024xf32>
      %slice3A_318 = vector.extract_strided_slice %min3A_317 {offsets = [0, 0], sizes = [8, 512], strides = [1, 1]} : vector<8x1024xf32> to vector<8x512xf32>
      %slice3A_319 = vector.extract_strided_slice %add3A {offsets = [0, 0], sizes = [8, 512], strides = [1, 1]} : vector<8x1024xi32> to vector<8x512xi32>
      %slice3A_320 = vector.extract_strided_slice %min3A_317 {offsets = [0, 512], sizes = [8, 512], strides = [1, 1]} : vector<8x1024xf32> to vector<8x512xf32>
      %slice3A_321 = vector.extract_strided_slice %add3A {offsets = [0, 512], sizes = [8, 512], strides = [1, 1]} : vector<8x1024xi32> to vector<8x512xi32>
      %gt3A_322 = arith.cmpf ogt, %slice3A_318, %slice3A_320 : vector<8x512xf32>
      %eq3A_323 = arith.cmpf oeq, %slice3A_318, %slice3A_320 : vector<8x512xf32>
      %max3A_324 = arith.maximumf %slice3A_318, %slice3A_320 : vector<8x512xf32>
      %min3A_325 = arith.minsi %slice3A_319, %slice3A_321 : vector<8x512xi32>
      %select_n3A_326 = arith.select %eq3A_323, %min3A_325, %slice3A_321 : vector<8x512xi1>, vector<8x512xi32>
      %select_n3A_327 = arith.select %gt3A_322, %slice3A_319, %select_n3A_326 : vector<8x512xi1>, vector<8x512xi32>
      %slice3A_328 = vector.extract_strided_slice %max3A_324 {offsets = [0, 0], sizes = [8, 256], strides = [1, 1]} : vector<8x512xf32> to vector<8x256xf32>
      %slice3A_329 = vector.extract_strided_slice %select_n3A_327 {offsets = [0, 0], sizes = [8, 256], strides = [1, 1]} : vector<8x512xi32> to vector<8x256xi32>
      %slice3A_330 = vector.extract_strided_slice %max3A_324 {offsets = [0, 256], sizes = [8, 256], strides = [1, 1]} : vector<8x512xf32> to vector<8x256xf32>
      %slice3A_331 = vector.extract_strided_slice %select_n3A_327 {offsets = [0, 256], sizes = [8, 256], strides = [1, 1]} : vector<8x512xi32> to vector<8x256xi32>
      %gt3A_332 = arith.cmpf ogt, %slice3A_328, %slice3A_330 : vector<8x256xf32>
      %eq3A_333 = arith.cmpf oeq, %slice3A_328, %slice3A_330 : vector<8x256xf32>
      %max3A_334 = arith.maximumf %slice3A_328, %slice3A_330 : vector<8x256xf32>
      %min3A_335 = arith.minsi %slice3A_329, %slice3A_331 : vector<8x256xi32>
      %select_n3A_336 = arith.select %eq3A_333, %min3A_335, %slice3A_331 : vector<8x256xi1>, vector<8x256xi32>
      %select_n3A_337 = arith.select %gt3A_332, %slice3A_329, %select_n3A_336 : vector<8x256xi1>, vector<8x256xi32>
      %slice3A_338 = vector.extract_strided_slice %max3A_334 {offsets = [0, 0], sizes = [8, 128], strides = [1, 1]} : vector<8x256xf32> to vector<8x128xf32>
      %slice3A_339 = vector.extract_strided_slice %select_n3A_337 {offsets = [0, 0], sizes = [8, 128], strides = [1, 1]} : vector<8x256xi32> to vector<8x128xi32>
      %slice3A_340 = vector.extract_strided_slice %max3A_334 {offsets = [0, 128], sizes = [8, 128], strides = [1, 1]} : vector<8x256xf32> to vector<8x128xf32>
      %slice3A_341 = vector.extract_strided_slice %select_n3A_337 {offsets = [0, 128], sizes = [8, 128], strides = [1, 1]} : vector<8x256xi32> to vector<8x128xi32>
      %gt3A_342 = arith.cmpf ogt, %slice3A_338, %slice3A_340 : vector<8x128xf32>
      %eq3A_343 = arith.cmpf oeq, %slice3A_338, %slice3A_340 : vector<8x128xf32>
      %max3A_344 = arith.maximumf %slice3A_338, %slice3A_340 : vector<8x128xf32>
      %min3A_345 = arith.minsi %slice3A_339, %slice3A_341 : vector<8x128xi32>
      %select_n3A_346 = arith.select %eq3A_343, %min3A_345, %slice3A_341 : vector<8x128xi1>, vector<8x128xi32>
      %select_n3A_347 = arith.select %gt3A_342, %slice3A_339, %select_n3A_346 : vector<8x128xi1>, vector<8x128xi32>
      %roll3A_348 = arith.constant 64 : i32
      %roll3A_349 = tpu.dynamic_rotate %max3A_344 by %roll3A_348 dim 1 : vector<8x128xf32>, i32 -> vector<8x128xf32>
      %roll3A_350 = arith.constant 64 : i32
      %roll3A_351 = tpu.dynamic_rotate %select_n3A_347 by %roll3A_350 dim 1 : vector<8x128xi32>, i32 -> vector<8x128xi32>
      %gt3A_352 = arith.cmpf ogt, %max3A_344, %roll3A_349 : vector<8x128xf32>
      %eq3A_353 = arith.cmpf oeq, %max3A_344, %roll3A_349 : vector<8x128xf32>
      %max3A_354 = arith.maximumf %max3A_344, %roll3A_349 : vector<8x128xf32>
      %min3A_355 = arith.minsi %select_n3A_347, %roll3A_351 : vector<8x128xi32>
      %select_n3A_356 = arith.select %eq3A_353, %min3A_355, %roll3A_351 : vector<8x128xi1>, vector<8x128xi32>
      %select_n3A_357 = arith.select %gt3A_352, %select_n3A_347, %select_n3A_356 : vector<8x128xi1>, vector<8x128xi32>
      %roll3A_358 = arith.constant 96 : i32
      %roll3A_359 = tpu.dynamic_rotate %max3A_354 by %roll3A_358 dim 1 : vector<8x128xf32>, i32 -> vector<8x128xf32>
      %roll3A_360 = arith.constant 96 : i32
      %roll3A_361 = tpu.dynamic_rotate %select_n3A_357 by %roll3A_360 dim 1 : vector<8x128xi32>, i32 -> vector<8x128xi32>
      %gt3A_362 = arith.cmpf ogt, %max3A_354, %roll3A_359 : vector<8x128xf32>
      %eq3A_363 = arith.cmpf oeq, %max3A_354, %roll3A_359 : vector<8x128xf32>
      %max3A_364 = arith.maximumf %max3A_354, %roll3A_359 : vector<8x128xf32>
      %min3A_365 = arith.minsi %select_n3A_357, %roll3A_361 : vector<8x128xi32>
      %select_n3A_366 = arith.select %eq3A_363, %min3A_365, %roll3A_361 : vector<8x128xi1>, vector<8x128xi32>
      %select_n3A_367 = arith.select %gt3A_362, %select_n3A_357, %select_n3A_366 : vector<8x128xi1>, vector<8x128xi32>
      %roll3A_368 = arith.constant 112 : i32
      %roll3A_369 = tpu.dynamic_rotate %max3A_364 by %roll3A_368 dim 1 : vector<8x128xf32>, i32 -> vector<8x128xf32>
      %roll3A_370 = arith.constant 112 : i32
      %roll3A_371 = tpu.dynamic_rotate %select_n3A_367 by %roll3A_370 dim 1 : vector<8x128xi32>, i32 -> vector<8x128xi32>
      %gt3A_372 = arith.cmpf ogt, %max3A_364, %roll3A_369 : vector<8x128xf32>
      %eq3A_373 = arith.cmpf oeq, %max3A_364, %roll3A_369 : vector<8x128xf32>
      %max3A_374 = arith.maximumf %max3A_364, %roll3A_369 : vector<8x128xf32>
      %min3A_375 = arith.minsi %select_n3A_367, %roll3A_371 : vector<8x128xi32>
      %select_n3A_376 = arith.select %eq3A_373, %min3A_375, %roll3A_371 : vector<8x128xi1>, vector<8x128xi32>
      %select_n3A_377 = arith.select %gt3A_372, %select_n3A_367, %select_n3A_376 : vector<8x128xi1>, vector<8x128xi32>
      %roll3A_378 = arith.constant 120 : i32
      %roll3A_379 = tpu.dynamic_rotate %max3A_374 by %roll3A_378 dim 1 : vector<8x128xf32>, i32 -> vector<8x128xf32>
      %roll3A_380 = arith.constant 120 : i32
      %roll3A_381 = tpu.dynamic_rotate %select_n3A_377 by %roll3A_380 dim 1 : vector<8x128xi32>, i32 -> vector<8x128xi32>
      %gt3A_382 = arith.cmpf ogt, %max3A_374, %roll3A_379 : vector<8x128xf32>
      %eq3A_383 = arith.cmpf oeq, %max3A_374, %roll3A_379 : vector<8x128xf32>
      %max3A_384 = arith.maximumf %max3A_374, %roll3A_379 : vector<8x128xf32>
      %min3A_385 = arith.minsi %select_n3A_377, %roll3A_381 : vector<8x128xi32>
      %select_n3A_386 = arith.select %eq3A_383, %min3A_385, %roll3A_381 : vector<8x128xi1>, vector<8x128xi32>
      %select_n3A_387 = arith.select %gt3A_382, %select_n3A_377, %select_n3A_386 : vector<8x128xi1>, vector<8x128xi32>
      %roll3A_388 = arith.constant 124 : i32
      %roll3A_389 = tpu.dynamic_rotate %max3A_384 by %roll3A_388 dim 1 : vector<8x128xf32>, i32 -> vector<8x128xf32>
      %roll3A_390 = arith.constant 124 : i32
      %roll3A_391 = tpu.dynamic_rotate %select_n3A_387 by %roll3A_390 dim 1 : vector<8x128xi32>, i32 -> vector<8x128xi32>
      %gt3A_392 = arith.cmpf ogt, %max3A_384, %roll3A_389 : vector<8x128xf32>
      %eq3A_393 = arith.cmpf oeq, %max3A_384, %roll3A_389 : vector<8x128xf32>
      %max3A_394 = arith.maximumf %max3A_384, %roll3A_389 : vector<8x128xf32>
      %min3A_395 = arith.minsi %select_n3A_387, %roll3A_391 : vector<8x128xi32>
      %select_n3A_396 = arith.select %eq3A_393, %min3A_395, %roll3A_391 : vector<8x128xi1>, vector<8x128xi32>
      %select_n3A_397 = arith.select %gt3A_392, %select_n3A_387, %select_n3A_396 : vector<8x128xi1>, vector<8x128xi32>
      %roll3A_398 = arith.constant 126 : i32
      %roll3A_399 = tpu.dynamic_rotate %max3A_394 by %roll3A_398 dim 1 : vector<8x128xf32>, i32 -> vector<8x128xf32>
      %roll3A_400 = arith.constant 126 : i32
      %roll3A_401 = tpu.dynamic_rotate %select_n3A_397 by %roll3A_400 dim 1 : vector<8x128xi32>, i32 -> vector<8x128xi32>
      %gt3A_402 = arith.cmpf ogt, %max3A_394, %roll3A_399 : vector<8x128xf32>
      %eq3A_403 = arith.cmpf oeq, %max3A_394, %roll3A_399 : vector<8x128xf32>
      %max3A_404 = arith.maximumf %max3A_394, %roll3A_399 : vector<8x128xf32>
      %min3A_405 = arith.minsi %select_n3A_397, %roll3A_401 : vector<8x128xi32>
      %select_n3A_406 = arith.select %eq3A_403, %min3A_405, %roll3A_401 : vector<8x128xi1>, vector<8x128xi32>
      %select_n3A_407 = arith.select %gt3A_402, %select_n3A_397, %select_n3A_406 : vector<8x128xi1>, vector<8x128xi32>
      %roll3A_408 = arith.constant 127 : i32
      %roll3A_409 = tpu.dynamic_rotate %max3A_404 by %roll3A_408 dim 1 : vector<8x128xf32>, i32 -> vector<8x128xf32>
      %roll3A_410 = arith.constant 127 : i32
      %roll3A_411 = tpu.dynamic_rotate %select_n3A_407 by %roll3A_410 dim 1 : vector<8x128xi32>, i32 -> vector<8x128xi32>
      %gt3A_412 = arith.cmpf ogt, %max3A_404, %roll3A_409 : vector<8x128xf32>
      %eq3A_413 = arith.cmpf oeq, %max3A_404, %roll3A_409 : vector<8x128xf32>
      %max3A_414 = arith.maximumf %max3A_404, %roll3A_409 : vector<8x128xf32>
      %min3A_415 = arith.minsi %select_n3A_407, %roll3A_411 : vector<8x128xi32>
      %select_n3A_416 = arith.select %eq3A_413, %min3A_415, %roll3A_411 : vector<8x128xi1>, vector<8x128xi32>
      %select_n3A_417 = arith.select %gt3A_412, %select_n3A_407, %select_n3A_416 : vector<8x128xi1>, vector<8x128xi32>
      %roll3A_418 = arith.constant 4 : i32
      %roll3A_419 = tpu.dynamic_rotate %max3A_414 by %roll3A_418 dim 0 : vector<8x128xf32>, i32 -> vector<8x128xf32>
      %roll3A_420 = arith.constant 4 : i32
      %roll3A_421 = tpu.dynamic_rotate %select_n3A_417 by %roll3A_420 dim 0 : vector<8x128xi32>, i32 -> vector<8x128xi32>
      %gt3A_422 = arith.cmpf ogt, %max3A_414, %roll3A_419 : vector<8x128xf32>
      %eq3A_423 = arith.cmpf oeq, %max3A_414, %roll3A_419 : vector<8x128xf32>
      %max3A_424 = arith.maximumf %max3A_414, %roll3A_419 : vector<8x128xf32>
      %min3A_425 = arith.minsi %select_n3A_417, %roll3A_421 : vector<8x128xi32>
      %select_n3A_426 = arith.select %eq3A_423, %min3A_425, %roll3A_421 : vector<8x128xi1>, vector<8x128xi32>
      %select_n3A_427 = arith.select %gt3A_422, %select_n3A_417, %select_n3A_426 : vector<8x128xi1>, vector<8x128xi32>
      %roll3A_428 = arith.constant 6 : i32
      %roll3A_429 = tpu.dynamic_rotate %max3A_424 by %roll3A_428 dim 0 : vector<8x128xf32>, i32 -> vector<8x128xf32>
      %roll3A_430 = arith.constant 6 : i32
      %roll3A_431 = tpu.dynamic_rotate %select_n3A_427 by %roll3A_430 dim 0 : vector<8x128xi32>, i32 -> vector<8x128xi32>
      %gt3A_432 = arith.cmpf ogt, %max3A_424, %roll3A_429 : vector<8x128xf32>
      %eq3A_433 = arith.cmpf oeq, %max3A_424, %roll3A_429 : vector<8x128xf32>
      %max3A_434 = arith.maximumf %max3A_424, %roll3A_429 : vector<8x128xf32>
      %min3A_435 = arith.minsi %select_n3A_427, %roll3A_431 : vector<8x128xi32>
      %select_n3A_436 = arith.select %eq3A_433, %min3A_435, %roll3A_431 : vector<8x128xi1>, vector<8x128xi32>
      %select_n3A_437 = arith.select %gt3A_432, %select_n3A_427, %select_n3A_436 : vector<8x128xi1>, vector<8x128xi32>
      %roll3A_438 = arith.constant 7 : i32
      %roll3A_439 = tpu.dynamic_rotate %max3A_434 by %roll3A_438 dim 0 : vector<8x128xf32>, i32 -> vector<8x128xf32>
      %roll3A_440 = arith.constant 7 : i32
      %roll3A_441 = tpu.dynamic_rotate %select_n3A_437 by %roll3A_440 dim 0 : vector<8x128xi32>, i32 -> vector<8x128xi32>
      %gt3A_442 = arith.cmpf ogt, %max3A_434, %roll3A_439 : vector<8x128xf32>
      %eq3A_443 = arith.cmpf oeq, %max3A_434, %roll3A_439 : vector<8x128xf32>
      %min3A_444 = arith.minsi %select_n3A_437, %roll3A_441 : vector<8x128xi32>
      %select_n3A_445 = arith.select %eq3A_443, %min3A_444, %roll3A_441 : vector<8x128xi1>, vector<8x128xi32>
      %select_n3A_446 = arith.select %gt3A_442, %select_n3A_437, %select_n3A_445 : vector<8x128xi1>, vector<8x128xi32>
      %slice3A_447 = vector.extract_strided_slice %select_n3A_446 {offsets = [0, 0], sizes = [1, 1], strides = [1, 1]} : vector<8x128xi32> to vector<1x1xi32>
      %swap3A_448 = arith.constant 2 : index
      %swap3A_449 = arith.index_cast %mul3A_104 : i32 to index
      %swap3A_450 = arith.constant 0 : index
      %swap3A_451 = vector.load %arg1[%swap3A_448, %swap3A_449, %swap3A_450] : memref<4x1024x8xi32, #tpu.memory_space<vmem>>, vector<1x1x1xi32>
      %swap3A_452 = vector.shape_cast %swap3A_451 : vector<1x1x1xi32> to vector<1x1xi32>
      %swap3A_453 = vector.shape_cast %scan3A_101 : vector<1x1xi32> to vector<1x1x1xi32>
      tpu.vector_store %arg1[%swap3A_448, %swap3A_449, %swap3A_450], %swap3A_453 {strides = array<i32>} : memref<4x1024x8xi32, #tpu.memory_space<vmem>>, vector<1x1x1xi32>,
      %eq3A_454 = vector.broadcast %scan3A_101 : vector<1x1xi32> to vector<8x1024xi32>
      %eq3A_455 = arith.cmpi eq, %add3A, %eq3A_454 : vector<8x1024xi32>
      %jit3A_456 = arith.constant 0.000000e+00 : f32
      %broadcast_in_dim3A_457 = vector.broadcast %jit3A_456 : f32 to vector<8x1024xf32>
      %select_n3A_458 = arith.select %eq3A_455, %get3A_40, %broadcast_in_dim3A_457 : vector<8x1024xi1>, vector<8x1024xf32>
      %reduce_sum3A_459 = vector.shape_cast %select_n3A_458 : vector<8x1024xf32> to vector<1x8x1024xf32>
      %reduce_sum3A_460 = arith.constant dense<0.000000e+00> : vector<1xf32>
      %reduce_sum3A_461 = vector.multi_reduction <add>, %reduce_sum3A_459, %reduce_sum3A_460 [1, 2] : vector<1x8x1024xf32> to vector<1xf32>
      %reduce_sum3A_462 = vector.shape_cast %reduce_sum3A_461 : vector<1xf32> to vector<1x1x1xf32>
      %reduce_sum3A_463 = vector.extract %reduce_sum3A_462[0, 0, 0] : f32 from vector<1x1x1xf32>
      %broadcast_in_dim3A_464 = vector.broadcast %reduce_sum3A_463 : f32 to vector<1x1xf32>
      %jit3A_465 = arith.constant 0.000000e+00 : f32
      %broadcast_in_dim3A_466 = vector.broadcast %jit3A_465 : f32 to vector<8x1024xf32>
      %select_n3A_467 = arith.select %eq3A_455, %get3A_46, %broadcast_in_dim3A_466 : vector<8x1024xi1>, vector<8x1024xf32>
      %reduce_sum3A_468 = vector.shape_cast %select_n3A_467 : vector<8x1024xf32> to vector<1x8x1024xf32>
      %reduce_sum3A_469 = arith.constant dense<0.000000e+00> : vector<1xf32>
      %reduce_sum3A_470 = vector.multi_reduction <add>, %reduce_sum3A_468, %reduce_sum3A_469 [1, 2] : vector<1x8x1024xf32> to vector<1xf32>
      %reduce_sum3A_471 = vector.shape_cast %reduce_sum3A_470 : vector<1xf32> to vector<1x1x1xf32>
      %reduce_sum3A_472 = vector.extract %reduce_sum3A_471[0, 0, 0] : f32 from vector<1x1x1xf32>
      %broadcast_in_dim3A_473 = vector.broadcast %reduce_sum3A_472 : f32 to vector<1x1xf32>
      %jit3A_474 = arith.constant 0.000000e+00 : f32
      %broadcast_in_dim3A_475 = vector.broadcast %jit3A_474 : f32 to vector<8x1024xf32>
      %select_n3A_476 = arith.select %eq3A_455, %get3A_52, %broadcast_in_dim3A_475 : vector<8x1024xi1>, vector<8x1024xf32>
      %reduce_sum3A_477 = vector.shape_cast %select_n3A_476 : vector<8x1024xf32> to vector<1x8x1024xf32>
      %reduce_sum3A_478 = arith.constant dense<0.000000e+00> : vector<1xf32>
      %reduce_sum3A_479 = vector.multi_reduction <add>, %reduce_sum3A_477, %reduce_sum3A_478 [1, 2] : vector<1x8x1024xf32> to vector<1xf32>
      %reduce_sum3A_480 = vector.shape_cast %reduce_sum3A_479 : vector<1xf32> to vector<1x1x1xf32>
      %reduce_sum3A_481 = vector.extract %reduce_sum3A_480[0, 0, 0] : f32 from vector<1x1x1xf32>
      %broadcast_in_dim3A_482 = vector.broadcast %reduce_sum3A_481 : f32 to vector<1x1xf32>
      %sub3A_483 = vector.broadcast %broadcast_in_dim3A_464 : vector<1x1xf32> to vector<8x1024xf32>
      %sub3A_484 = arith.subf %get3A_40, %sub3A_483 : vector<8x1024xf32>
      %sub3A_485 = vector.broadcast %broadcast_in_dim3A_473 : vector<1x1xf32> to vector<8x1024xf32>
      %sub3A_486 = arith.subf %get3A_46, %sub3A_485 : vector<8x1024xf32>
      %sub3A_487 = vector.broadcast %broadcast_in_dim3A_482 : vector<1x1xf32> to vector<8x1024xf32>
      %sub3A_488 = arith.subf %get3A_52, %sub3A_487 : vector<8x1024xf32>
      %mul3A_489 = arith.mulf %sub3A_484, %sub3A_484 : vector<8x1024xf32>
      %mul3A_490 = arith.mulf %sub3A_488, %sub3A_488 : vector<8x1024xf32>
      %add3A_491 = arith.addf %mul3A_489, %mul3A_490 : vector<8x1024xf32>
      %mul3A_492 = arith.mulf %sub3A_486, %sub3A_486 : vector<8x1024xf32>
      %add3A_493 = arith.addf %add3A_491, %mul3A_492 : vector<8x1024xf32>
      %min3A_494 = arith.minimumf %scan3A_97, %add3A_493 : vector<8x1024xf32>
      %slice3A_495 = vector.extract_strided_slice %min3A_494 {offsets = [0, 0], sizes = [8, 512], strides = [1, 1]} : vector<8x1024xf32> to vector<8x512xf32>
      %slice3A_496 = vector.extract_strided_slice %add3A {offsets = [0, 0], sizes = [8, 512], strides = [1, 1]} : vector<8x1024xi32> to vector<8x512xi32>
      %slice3A_497 = vector.extract_strided_slice %min3A_494 {offsets = [0, 512], sizes = [8, 512], strides = [1, 1]} : vector<8x1024xf32> to vector<8x512xf32>
      %slice3A_498 = vector.extract_strided_slice %add3A {offsets = [0, 512], sizes = [8, 512], strides = [1, 1]} : vector<8x1024xi32> to vector<8x512xi32>
      %gt3A_499 = arith.cmpf ogt, %slice3A_495, %slice3A_497 : vector<8x512xf32>
      %eq3A_500 = arith.cmpf oeq, %slice3A_495, %slice3A_497 : vector<8x512xf32>
      %max3A_501 = arith.maximumf %slice3A_495, %slice3A_497 : vector<8x512xf32>
      %min3A_502 = arith.minsi %slice3A_496, %slice3A_498 : vector<8x512xi32>
      %select_n3A_503 = arith.select %eq3A_500, %min3A_502, %slice3A_498 : vector<8x512xi1>, vector<8x512xi32>
      %select_n3A_504 = arith.select %gt3A_499, %slice3A_496, %select_n3A_503 : vector<8x512xi1>, vector<8x512xi32>
      %slice3A_505 = vector.extract_strided_slice %max3A_501 {offsets = [0, 0], sizes = [8, 256], strides = [1, 1]} : vector<8x512xf32> to vector<8x256xf32>
      %slice3A_506 = vector.extract_strided_slice %select_n3A_504 {offsets = [0, 0], sizes = [8, 256], strides = [1, 1]} : vector<8x512xi32> to vector<8x256xi32>
      %slice3A_507 = vector.extract_strided_slice %max3A_501 {offsets = [0, 256], sizes = [8, 256], strides = [1, 1]} : vector<8x512xf32> to vector<8x256xf32>
      %slice3A_508 = vector.extract_strided_slice %select_n3A_504 {offsets = [0, 256], sizes = [8, 256], strides = [1, 1]} : vector<8x512xi32> to vector<8x256xi32>
      %gt3A_509 = arith.cmpf ogt, %slice3A_505, %slice3A_507 : vector<8x256xf32>
      %eq3A_510 = arith.cmpf oeq, %slice3A_505, %slice3A_507 : vector<8x256xf32>
      %max3A_511 = arith.maximumf %slice3A_505, %slice3A_507 : vector<8x256xf32>
      %min3A_512 = arith.minsi %slice3A_506, %slice3A_508 : vector<8x256xi32>
      %select_n3A_513 = arith.select %eq3A_510, %min3A_512, %slice3A_508 : vector<8x256xi1>, vector<8x256xi32>
      %select_n3A_514 = arith.select %gt3A_509, %slice3A_506, %select_n3A_513 : vector<8x256xi1>, vector<8x256xi32>
      %slice3A_515 = vector.extract_strided_slice %max3A_511 {offsets = [0, 0], sizes = [8, 128], strides = [1, 1]} : vector<8x256xf32> to vector<8x128xf32>
      %slice3A_516 = vector.extract_strided_slice %select_n3A_514 {offsets = [0, 0], sizes = [8, 128], strides = [1, 1]} : vector<8x256xi32> to vector<8x128xi32>
      %slice3A_517 = vector.extract_strided_slice %max3A_511 {offsets = [0, 128], sizes = [8, 128], strides = [1, 1]} : vector<8x256xf32> to vector<8x128xf32>
      %slice3A_518 = vector.extract_strided_slice %select_n3A_514 {offsets = [0, 128], sizes = [8, 128], strides = [1, 1]} : vector<8x256xi32> to vector<8x128xi32>
      %gt3A_519 = arith.cmpf ogt, %slice3A_515, %slice3A_517 : vector<8x128xf32>
      %eq3A_520 = arith.cmpf oeq, %slice3A_515, %slice3A_517 : vector<8x128xf32>
      %max3A_521 = arith.maximumf %slice3A_515, %slice3A_517 : vector<8x128xf32>
      %min3A_522 = arith.minsi %slice3A_516, %slice3A_518 : vector<8x128xi32>
      %select_n3A_523 = arith.select %eq3A_520, %min3A_522, %slice3A_518 : vector<8x128xi1>, vector<8x128xi32>
      %select_n3A_524 = arith.select %gt3A_519, %slice3A_516, %select_n3A_523 : vector<8x128xi1>, vector<8x128xi32>
      %roll3A_525 = arith.constant 64 : i32
      %roll3A_526 = tpu.dynamic_rotate %max3A_521 by %roll3A_525 dim 1 : vector<8x128xf32>, i32 -> vector<8x128xf32>
      %roll3A_527 = arith.constant 64 : i32
      %roll3A_528 = tpu.dynamic_rotate %select_n3A_524 by %roll3A_527 dim 1 : vector<8x128xi32>, i32 -> vector<8x128xi32>
      %gt3A_529 = arith.cmpf ogt, %max3A_521, %roll3A_526 : vector<8x128xf32>
      %eq3A_530 = arith.cmpf oeq, %max3A_521, %roll3A_526 : vector<8x128xf32>
      %max3A_531 = arith.maximumf %max3A_521, %roll3A_526 : vector<8x128xf32>
      %min3A_532 = arith.minsi %select_n3A_524, %roll3A_528 : vector<8x128xi32>
      %select_n3A_533 = arith.select %eq3A_530, %min3A_532, %roll3A_528 : vector<8x128xi1>, vector<8x128xi32>
      %select_n3A_534 = arith.select %gt3A_529, %select_n3A_524, %select_n3A_533 : vector<8x128xi1>, vector<8x128xi32>
      %roll3A_535 = arith.constant 96 : i32
      %roll3A_536 = tpu.dynamic_rotate %max3A_531 by %roll3A_535 dim 1 : vector<8x128xf32>, i32 -> vector<8x128xf32>
      %roll3A_537 = arith.constant 96 : i32
      %roll3A_538 = tpu.dynamic_rotate %select_n3A_534 by %roll3A_537 dim 1 : vector<8x128xi32>, i32 -> vector<8x128xi32>
      %gt3A_539 = arith.cmpf ogt, %max3A_531, %roll3A_536 : vector<8x128xf32>
      %eq3A_540 = arith.cmpf oeq, %max3A_531, %roll3A_536 : vector<8x128xf32>
      %max3A_541 = arith.maximumf %max3A_531, %roll3A_536 : vector<8x128xf32>
      %min3A_542 = arith.minsi %select_n3A_534, %roll3A_538 : vector<8x128xi32>
      %select_n3A_543 = arith.select %eq3A_540, %min3A_542, %roll3A_538 : vector<8x128xi1>, vector<8x128xi32>
      %select_n3A_544 = arith.select %gt3A_539, %select_n3A_534, %select_n3A_543 : vector<8x128xi1>, vector<8x128xi32>
      %roll3A_545 = arith.constant 112 : i32
      %roll3A_546 = tpu.dynamic_rotate %max3A_541 by %roll3A_545 dim 1 : vector<8x128xf32>, i32 -> vector<8x128xf32>
      %roll3A_547 = arith.constant 112 : i32
      %roll3A_548 = tpu.dynamic_rotate %select_n3A_544 by %roll3A_547 dim 1 : vector<8x128xi32>, i32 -> vector<8x128xi32>
      %gt3A_549 = arith.cmpf ogt, %max3A_541, %roll3A_546 : vector<8x128xf32>
      %eq3A_550 = arith.cmpf oeq, %max3A_541, %roll3A_546 : vector<8x128xf32>
      %max3A_551 = arith.maximumf %max3A_541, %roll3A_546 : vector<8x128xf32>
      %min3A_552 = arith.minsi %select_n3A_544, %roll3A_548 : vector<8x128xi32>
      %select_n3A_553 = arith.select %eq3A_550, %min3A_552, %roll3A_548 : vector<8x128xi1>, vector<8x128xi32>
      %select_n3A_554 = arith.select %gt3A_549, %select_n3A_544, %select_n3A_553 : vector<8x128xi1>, vector<8x128xi32>
      %roll3A_555 = arith.constant 120 : i32
      %roll3A_556 = tpu.dynamic_rotate %max3A_551 by %roll3A_555 dim 1 : vector<8x128xf32>, i32 -> vector<8x128xf32>
      %roll3A_557 = arith.constant 120 : i32
      %roll3A_558 = tpu.dynamic_rotate %select_n3A_554 by %roll3A_557 dim 1 : vector<8x128xi32>, i32 -> vector<8x128xi32>
      %gt3A_559 = arith.cmpf ogt, %max3A_551, %roll3A_556 : vector<8x128xf32>
      %eq3A_560 = arith.cmpf oeq, %max3A_551, %roll3A_556 : vector<8x128xf32>
      %max3A_561 = arith.maximumf %max3A_551, %roll3A_556 : vector<8x128xf32>
      %min3A_562 = arith.minsi %select_n3A_554, %roll3A_558 : vector<8x128xi32>
      %select_n3A_563 = arith.select %eq3A_560, %min3A_562, %roll3A_558 : vector<8x128xi1>, vector<8x128xi32>
      %select_n3A_564 = arith.select %gt3A_559, %select_n3A_554, %select_n3A_563 : vector<8x128xi1>, vector<8x128xi32>
      %roll3A_565 = arith.constant 124 : i32
      %roll3A_566 = tpu.dynamic_rotate %max3A_561 by %roll3A_565 dim 1 : vector<8x128xf32>, i32 -> vector<8x128xf32>
      %roll3A_567 = arith.constant 124 : i32
      %roll3A_568 = tpu.dynamic_rotate %select_n3A_564 by %roll3A_567 dim 1 : vector<8x128xi32>, i32 -> vector<8x128xi32>
      %gt3A_569 = arith.cmpf ogt, %max3A_561, %roll3A_566 : vector<8x128xf32>
      %eq3A_570 = arith.cmpf oeq, %max3A_561, %roll3A_566 : vector<8x128xf32>
      %max3A_571 = arith.maximumf %max3A_561, %roll3A_566 : vector<8x128xf32>
      %min3A_572 = arith.minsi %select_n3A_564, %roll3A_568 : vector<8x128xi32>
      %select_n3A_573 = arith.select %eq3A_570, %min3A_572, %roll3A_568 : vector<8x128xi1>, vector<8x128xi32>
      %select_n3A_574 = arith.select %gt3A_569, %select_n3A_564, %select_n3A_573 : vector<8x128xi1>, vector<8x128xi32>
      %roll3A_575 = arith.constant 126 : i32
      %roll3A_576 = tpu.dynamic_rotate %max3A_571 by %roll3A_575 dim 1 : vector<8x128xf32>, i32 -> vector<8x128xf32>
      %roll3A_577 = arith.constant 126 : i32
      %roll3A_578 = tpu.dynamic_rotate %select_n3A_574 by %roll3A_577 dim 1 : vector<8x128xi32>, i32 -> vector<8x128xi32>
      %gt3A_579 = arith.cmpf ogt, %max3A_571, %roll3A_576 : vector<8x128xf32>
      %eq3A_580 = arith.cmpf oeq, %max3A_571, %roll3A_576 : vector<8x128xf32>
      %max3A_581 = arith.maximumf %max3A_571, %roll3A_576 : vector<8x128xf32>
      %min3A_582 = arith.minsi %select_n3A_574, %roll3A_578 : vector<8x128xi32>
      %select_n3A_583 = arith.select %eq3A_580, %min3A_582, %roll3A_578 : vector<8x128xi1>, vector<8x128xi32>
      %select_n3A_584 = arith.select %gt3A_579, %select_n3A_574, %select_n3A_583 : vector<8x128xi1>, vector<8x128xi32>
      %roll3A_585 = arith.constant 127 : i32
      %roll3A_586 = tpu.dynamic_rotate %max3A_581 by %roll3A_585 dim 1 : vector<8x128xf32>, i32 -> vector<8x128xf32>
      %roll3A_587 = arith.constant 127 : i32
      %roll3A_588 = tpu.dynamic_rotate %select_n3A_584 by %roll3A_587 dim 1 : vector<8x128xi32>, i32 -> vector<8x128xi32>
      %gt3A_589 = arith.cmpf ogt, %max3A_581, %roll3A_586 : vector<8x128xf32>
      %eq3A_590 = arith.cmpf oeq, %max3A_581, %roll3A_586 : vector<8x128xf32>
      %max3A_591 = arith.maximumf %max3A_581, %roll3A_586 : vector<8x128xf32>
      %min3A_592 = arith.minsi %select_n3A_584, %roll3A_588 : vector<8x128xi32>
      %select_n3A_593 = arith.select %eq3A_590, %min3A_592, %roll3A_588 : vector<8x128xi1>, vector<8x128xi32>
      %select_n3A_594 = arith.select %gt3A_589, %select_n3A_584, %select_n3A_593 : vector<8x128xi1>, vector<8x128xi32>
      %roll3A_595 = arith.constant 4 : i32
      %roll3A_596 = tpu.dynamic_rotate %max3A_591 by %roll3A_595 dim 0 : vector<8x128xf32>, i32 -> vector<8x128xf32>
      %roll3A_597 = arith.constant 4 : i32
      %roll3A_598 = tpu.dynamic_rotate %select_n3A_594 by %roll3A_597 dim 0 : vector<8x128xi32>, i32 -> vector<8x128xi32>
      %gt3A_599 = arith.cmpf ogt, %max3A_591, %roll3A_596 : vector<8x128xf32>
      %eq3A_600 = arith.cmpf oeq, %max3A_591, %roll3A_596 : vector<8x128xf32>
      %max3A_601 = arith.maximumf %max3A_591, %roll3A_596 : vector<8x128xf32>
      %min3A_602 = arith.minsi %select_n3A_594, %roll3A_598 : vector<8x128xi32>
      %select_n3A_603 = arith.select %eq3A_600, %min3A_602, %roll3A_598 : vector<8x128xi1>, vector<8x128xi32>
      %select_n3A_604 = arith.select %gt3A_599, %select_n3A_594, %select_n3A_603 : vector<8x128xi1>, vector<8x128xi32>
      %roll3A_605 = arith.constant 6 : i32
      %roll3A_606 = tpu.dynamic_rotate %max3A_601 by %roll3A_605 dim 0 : vector<8x128xf32>, i32 -> vector<8x128xf32>
      %roll3A_607 = arith.constant 6 : i32
      %roll3A_608 = tpu.dynamic_rotate %select_n3A_604 by %roll3A_607 dim 0 : vector<8x128xi32>, i32 -> vector<8x128xi32>
      %gt3A_609 = arith.cmpf ogt, %max3A_601, %roll3A_606 : vector<8x128xf32>
      %eq3A_610 = arith.cmpf oeq, %max3A_601, %roll3A_606 : vector<8x128xf32>
      %max3A_611 = arith.maximumf %max3A_601, %roll3A_606 : vector<8x128xf32>
      %min3A_612 = arith.minsi %select_n3A_604, %roll3A_608 : vector<8x128xi32>
      %select_n3A_613 = arith.select %eq3A_610, %min3A_612, %roll3A_608 : vector<8x128xi1>, vector<8x128xi32>
      %select_n3A_614 = arith.select %gt3A_609, %select_n3A_604, %select_n3A_613 : vector<8x128xi1>, vector<8x128xi32>
      %roll3A_615 = arith.constant 7 : i32
      %roll3A_616 = tpu.dynamic_rotate %max3A_611 by %roll3A_615 dim 0 : vector<8x128xf32>, i32 -> vector<8x128xf32>
      %roll3A_617 = arith.constant 7 : i32
      %roll3A_618 = tpu.dynamic_rotate %select_n3A_614 by %roll3A_617 dim 0 : vector<8x128xi32>, i32 -> vector<8x128xi32>
      %gt3A_619 = arith.cmpf ogt, %max3A_611, %roll3A_616 : vector<8x128xf32>
      %eq3A_620 = arith.cmpf oeq, %max3A_611, %roll3A_616 : vector<8x128xf32>
      %min3A_621 = arith.minsi %select_n3A_614, %roll3A_618 : vector<8x128xi32>
      %select_n3A_622 = arith.select %eq3A_620, %min3A_621, %roll3A_618 : vector<8x128xi1>, vector<8x128xi32>
      %select_n3A_623 = arith.select %gt3A_619, %select_n3A_614, %select_n3A_622 : vector<8x128xi1>, vector<8x128xi32>
      %slice3A_624 = vector.extract_strided_slice %select_n3A_623 {offsets = [0, 0], sizes = [1, 1], strides = [1, 1]} : vector<8x128xi32> to vector<1x1xi32>
      %swap3A_625 = arith.constant 3 : index
      %swap3A_626 = arith.index_cast %mul3A_104 : i32 to index
      %swap3A_627 = arith.constant 0 : index
      %swap3A_628 = vector.load %arg1[%swap3A_625, %swap3A_626, %swap3A_627] : memref<4x1024x8xi32, #tpu.memory_space<vmem>>, vector<1x1x1xi32>
      %swap3A_629 = vector.shape_cast %swap3A_628 : vector<1x1x1xi32> to vector<1x1xi32>
      %swap3A_630 = vector.shape_cast %scan3A_102 : vector<1x1xi32> to vector<1x1x1xi32>
      tpu.vector_store %arg1[%swap3A_625, %swap3A_626, %swap3A_627], %swap3A_630 {strides = array<i32>} : memref<4x1024x8xi32, #tpu.memory_space<vmem>>, vector<1x1x1xi32>,
      %eq3A_631 = vector.broadcast %scan3A_102 : vector<1x1xi32> to vector<8x1024xi32>
      %eq3A_632 = arith.cmpi eq, %add3A, %eq3A_631 : vector<8x1024xi32>
      %jit3A_633 = arith.constant 0.000000e+00 : f32
      %broadcast_in_dim3A_634 = vector.broadcast %jit3A_633 : f32 to vector<8x1024xf32>
      %select_n3A_635 = arith.select %eq3A_632, %get3A_58, %broadcast_in_dim3A_634 : vector<8x1024xi1>, vector<8x1024xf32>
      %reduce_sum3A_636 = vector.shape_cast %select_n3A_635 : vector<8x1024xf32> to vector<1x8x1024xf32>
      %reduce_sum3A_637 = arith.constant dense<0.000000e+00> : vector<1xf32>
      %reduce_sum3A_638 = vector.multi_reduction <add>, %reduce_sum3A_636, %reduce_sum3A_637 [1, 2] : vector<1x8x1024xf32> to vector<1xf32>
      %reduce_sum3A_639 = vector.shape_cast %reduce_sum3A_638 : vector<1xf32> to vector<1x1x1xf32>
      %reduce_sum3A_640 = vector.extract %reduce_sum3A_639[0, 0, 0] : f32 from vector<1x1x1xf32>
      %broadcast_in_dim3A_641 = vector.broadcast %reduce_sum3A_640 : f32 to vector<1x1xf32>
      %jit3A_642 = arith.constant 0.000000e+00 : f32
      %broadcast_in_dim3A_643 = vector.broadcast %jit3A_642 : f32 to vector<8x1024xf32>
      %select_n3A_644 = arith.select %eq3A_632, %get3A_64, %broadcast_in_dim3A_643 : vector<8x1024xi1>, vector<8x1024xf32>
      %reduce_sum3A_645 = vector.shape_cast %select_n3A_644 : vector<8x1024xf32> to vector<1x8x1024xf32>
      %reduce_sum3A_646 = arith.constant dense<0.000000e+00> : vector<1xf32>
      %reduce_sum3A_647 = vector.multi_reduction <add>, %reduce_sum3A_645, %reduce_sum3A_646 [1, 2] : vector<1x8x1024xf32> to vector<1xf32>
      %reduce_sum3A_648 = vector.shape_cast %reduce_sum3A_647 : vector<1xf32> to vector<1x1x1xf32>
      %reduce_sum3A_649 = vector.extract %reduce_sum3A_648[0, 0, 0] : f32 from vector<1x1x1xf32>
      %broadcast_in_dim3A_650 = vector.broadcast %reduce_sum3A_649 : f32 to vector<1x1xf32>
      %jit3A_651 = arith.constant 0.000000e+00 : f32
      %broadcast_in_dim3A_652 = vector.broadcast %jit3A_651 : f32 to vector<8x1024xf32>
      %select_n3A_653 = arith.select %eq3A_632, %get3A_70, %broadcast_in_dim3A_652 : vector<8x1024xi1>, vector<8x1024xf32>
      %reduce_sum3A_654 = vector.shape_cast %select_n3A_653 : vector<8x1024xf32> to vector<1x8x1024xf32>
      %reduce_sum3A_655 = arith.constant dense<0.000000e+00> : vector<1xf32>
      %reduce_sum3A_656 = vector.multi_reduction <add>, %reduce_sum3A_654, %reduce_sum3A_655 [1, 2] : vector<1x8x1024xf32> to vector<1xf32>
      %reduce_sum3A_657 = vector.shape_cast %reduce_sum3A_656 : vector<1xf32> to vector<1x1x1xf32>
      %reduce_sum3A_658 = vector.extract %reduce_sum3A_657[0, 0, 0] : f32 from vector<1x1x1xf32>
      %broadcast_in_dim3A_659 = vector.broadcast %reduce_sum3A_658 : f32 to vector<1x1xf32>
      %sub3A_660 = vector.broadcast %broadcast_in_dim3A_641 : vector<1x1xf32> to vector<8x1024xf32>
      %sub3A_661 = arith.subf %get3A_58, %sub3A_660 : vector<8x1024xf32>
      %sub3A_662 = vector.broadcast %broadcast_in_dim3A_650 : vector<1x1xf32> to vector<8x1024xf32>
      %sub3A_663 = arith.subf %get3A_64, %sub3A_662 : vector<8x1024xf32>
      %sub3A_664 = vector.broadcast %broadcast_in_dim3A_659 : vector<1x1xf32> to vector<8x1024xf32>
      %sub3A_665 = arith.subf %get3A_70, %sub3A_664 : vector<8x1024xf32>
      %mul3A_666 = arith.mulf %sub3A_661, %sub3A_661 : vector<8x1024xf32>
      %mul3A_667 = arith.mulf %sub3A_665, %sub3A_665 : vector<8x1024xf32>
      %add3A_668 = arith.addf %mul3A_666, %mul3A_667 : vector<8x1024xf32>
      %mul3A_669 = arith.mulf %sub3A_663, %sub3A_663 : vector<8x1024xf32>
      %add3A_670 = arith.addf %add3A_668, %mul3A_669 : vector<8x1024xf32>
      %min3A_671 = arith.minimumf %scan3A_98, %add3A_670 : vector<8x1024xf32>
      %slice3A_672 = vector.extract_strided_slice %min3A_671 {offsets = [0, 0], sizes = [8, 512], strides = [1, 1]} : vector<8x1024xf32> to vector<8x512xf32>
      %slice3A_673 = vector.extract_strided_slice %add3A {offsets = [0, 0], sizes = [8, 512], strides = [1, 1]} : vector<8x1024xi32> to vector<8x512xi32>
      %slice3A_674 = vector.extract_strided_slice %min3A_671 {offsets = [0, 512], sizes = [8, 512], strides = [1, 1]} : vector<8x1024xf32> to vector<8x512xf32>
      %slice3A_675 = vector.extract_strided_slice %add3A {offsets = [0, 512], sizes = [8, 512], strides = [1, 1]} : vector<8x1024xi32> to vector<8x512xi32>
      %gt3A_676 = arith.cmpf ogt, %slice3A_672, %slice3A_674 : vector<8x512xf32>
      %eq3A_677 = arith.cmpf oeq, %slice3A_672, %slice3A_674 : vector<8x512xf32>
      %max3A_678 = arith.maximumf %slice3A_672, %slice3A_674 : vector<8x512xf32>
      %min3A_679 = arith.minsi %slice3A_673, %slice3A_675 : vector<8x512xi32>
      %select_n3A_680 = arith.select %eq3A_677, %min3A_679, %slice3A_675 : vector<8x512xi1>, vector<8x512xi32>
      %select_n3A_681 = arith.select %gt3A_676, %slice3A_673, %select_n3A_680 : vector<8x512xi1>, vector<8x512xi32>
      %slice3A_682 = vector.extract_strided_slice %max3A_678 {offsets = [0, 0], sizes = [8, 256], strides = [1, 1]} : vector<8x512xf32> to vector<8x256xf32>
      %slice3A_683 = vector.extract_strided_slice %select_n3A_681 {offsets = [0, 0], sizes = [8, 256], strides = [1, 1]} : vector<8x512xi32> to vector<8x256xi32>
      %slice3A_684 = vector.extract_strided_slice %max3A_678 {offsets = [0, 256], sizes = [8, 256], strides = [1, 1]} : vector<8x512xf32> to vector<8x256xf32>
      %slice3A_685 = vector.extract_strided_slice %select_n3A_681 {offsets = [0, 256], sizes = [8, 256], strides = [1, 1]} : vector<8x512xi32> to vector<8x256xi32>
      %gt3A_686 = arith.cmpf ogt, %slice3A_682, %slice3A_684 : vector<8x256xf32>
      %eq3A_687 = arith.cmpf oeq, %slice3A_682, %slice3A_684 : vector<8x256xf32>
      %max3A_688 = arith.maximumf %slice3A_682, %slice3A_684 : vector<8x256xf32>
      %min3A_689 = arith.minsi %slice3A_683, %slice3A_685 : vector<8x256xi32>
      %select_n3A_690 = arith.select %eq3A_687, %min3A_689, %slice3A_685 : vector<8x256xi1>, vector<8x256xi32>
      %select_n3A_691 = arith.select %gt3A_686, %slice3A_683, %select_n3A_690 : vector<8x256xi1>, vector<8x256xi32>
      %slice3A_692 = vector.extract_strided_slice %max3A_688 {offsets = [0, 0], sizes = [8, 128], strides = [1, 1]} : vector<8x256xf32> to vector<8x128xf32>
      %slice3A_693 = vector.extract_strided_slice %select_n3A_691 {offsets = [0, 0], sizes = [8, 128], strides = [1, 1]} : vector<8x256xi32> to vector<8x128xi32>
      %slice3A_694 = vector.extract_strided_slice %max3A_688 {offsets = [0, 128], sizes = [8, 128], strides = [1, 1]} : vector<8x256xf32> to vector<8x128xf32>
      %slice3A_695 = vector.extract_strided_slice %select_n3A_691 {offsets = [0, 128], sizes = [8, 128], strides = [1, 1]} : vector<8x256xi32> to vector<8x128xi32>
      %gt3A_696 = arith.cmpf ogt, %slice3A_692, %slice3A_694 : vector<8x128xf32>
      %eq3A_697 = arith.cmpf oeq, %slice3A_692, %slice3A_694 : vector<8x128xf32>
      %max3A_698 = arith.maximumf %slice3A_692, %slice3A_694 : vector<8x128xf32>
      %min3A_699 = arith.minsi %slice3A_693, %slice3A_695 : vector<8x128xi32>
      %select_n3A_700 = arith.select %eq3A_697, %min3A_699, %slice3A_695 : vector<8x128xi1>, vector<8x128xi32>
      %select_n3A_701 = arith.select %gt3A_696, %slice3A_693, %select_n3A_700 : vector<8x128xi1>, vector<8x128xi32>
      %roll3A_702 = arith.constant 64 : i32
      %roll3A_703 = tpu.dynamic_rotate %max3A_698 by %roll3A_702 dim 1 : vector<8x128xf32>, i32 -> vector<8x128xf32>
      %roll3A_704 = arith.constant 64 : i32
      %roll3A_705 = tpu.dynamic_rotate %select_n3A_701 by %roll3A_704 dim 1 : vector<8x128xi32>, i32 -> vector<8x128xi32>
      %gt3A_706 = arith.cmpf ogt, %max3A_698, %roll3A_703 : vector<8x128xf32>
      %eq3A_707 = arith.cmpf oeq, %max3A_698, %roll3A_703 : vector<8x128xf32>
      %max3A_708 = arith.maximumf %max3A_698, %roll3A_703 : vector<8x128xf32>
      %min3A_709 = arith.minsi %select_n3A_701, %roll3A_705 : vector<8x128xi32>
      %select_n3A_710 = arith.select %eq3A_707, %min3A_709, %roll3A_705 : vector<8x128xi1>, vector<8x128xi32>
      %select_n3A_711 = arith.select %gt3A_706, %select_n3A_701, %select_n3A_710 : vector<8x128xi1>, vector<8x128xi32>
      %roll3A_712 = arith.constant 96 : i32
      %roll3A_713 = tpu.dynamic_rotate %max3A_708 by %roll3A_712 dim 1 : vector<8x128xf32>, i32 -> vector<8x128xf32>
      %roll3A_714 = arith.constant 96 : i32
      %roll3A_715 = tpu.dynamic_rotate %select_n3A_711 by %roll3A_714 dim 1 : vector<8x128xi32>, i32 -> vector<8x128xi32>
      %gt3A_716 = arith.cmpf ogt, %max3A_708, %roll3A_713 : vector<8x128xf32>
      %eq3A_717 = arith.cmpf oeq, %max3A_708, %roll3A_713 : vector<8x128xf32>
      %max3A_718 = arith.maximumf %max3A_708, %roll3A_713 : vector<8x128xf32>
      %min3A_719 = arith.minsi %select_n3A_711, %roll3A_715 : vector<8x128xi32>
      %select_n3A_720 = arith.select %eq3A_717, %min3A_719, %roll3A_715 : vector<8x128xi1>, vector<8x128xi32>
      %select_n3A_721 = arith.select %gt3A_716, %select_n3A_711, %select_n3A_720 : vector<8x128xi1>, vector<8x128xi32>
      %roll3A_722 = arith.constant 112 : i32
      %roll3A_723 = tpu.dynamic_rotate %max3A_718 by %roll3A_722 dim 1 : vector<8x128xf32>, i32 -> vector<8x128xf32>
      %roll3A_724 = arith.constant 112 : i32
      %roll3A_725 = tpu.dynamic_rotate %select_n3A_721 by %roll3A_724 dim 1 : vector<8x128xi32>, i32 -> vector<8x128xi32>
      %gt3A_726 = arith.cmpf ogt, %max3A_718, %roll3A_723 : vector<8x128xf32>
      %eq3A_727 = arith.cmpf oeq, %max3A_718, %roll3A_723 : vector<8x128xf32>
      %max3A_728 = arith.maximumf %max3A_718, %roll3A_723 : vector<8x128xf32>
      %min3A_729 = arith.minsi %select_n3A_721, %roll3A_725 : vector<8x128xi32>
      %select_n3A_730 = arith.select %eq3A_727, %min3A_729, %roll3A_725 : vector<8x128xi1>, vector<8x128xi32>
      %select_n3A_731 = arith.select %gt3A_726, %select_n3A_721, %select_n3A_730 : vector<8x128xi1>, vector<8x128xi32>
      %roll3A_732 = arith.constant 120 : i32
      %roll3A_733 = tpu.dynamic_rotate %max3A_728 by %roll3A_732 dim 1 : vector<8x128xf32>, i32 -> vector<8x128xf32>
      %roll3A_734 = arith.constant 120 : i32
      %roll3A_735 = tpu.dynamic_rotate %select_n3A_731 by %roll3A_734 dim 1 : vector<8x128xi32>, i32 -> vector<8x128xi32>
      %gt3A_736 = arith.cmpf ogt, %max3A_728, %roll3A_733 : vector<8x128xf32>
      %eq3A_737 = arith.cmpf oeq, %max3A_728, %roll3A_733 : vector<8x128xf32>
      %max3A_738 = arith.maximumf %max3A_728, %roll3A_733 : vector<8x128xf32>
      %min3A_739 = arith.minsi %select_n3A_731, %roll3A_735 : vector<8x128xi32>
      %select_n3A_740 = arith.select %eq3A_737, %min3A_739, %roll3A_735 : vector<8x128xi1>, vector<8x128xi32>
      %select_n3A_741 = arith.select %gt3A_736, %select_n3A_731, %select_n3A_740 : vector<8x128xi1>, vector<8x128xi32>
      %roll3A_742 = arith.constant 124 : i32
      %roll3A_743 = tpu.dynamic_rotate %max3A_738 by %roll3A_742 dim 1 : vector<8x128xf32>, i32 -> vector<8x128xf32>
      %roll3A_744 = arith.constant 124 : i32
      %roll3A_745 = tpu.dynamic_rotate %select_n3A_741 by %roll3A_744 dim 1 : vector<8x128xi32>, i32 -> vector<8x128xi32>
      %gt3A_746 = arith.cmpf ogt, %max3A_738, %roll3A_743 : vector<8x128xf32>
      %eq3A_747 = arith.cmpf oeq, %max3A_738, %roll3A_743 : vector<8x128xf32>
      %max3A_748 = arith.maximumf %max3A_738, %roll3A_743 : vector<8x128xf32>
      %min3A_749 = arith.minsi %select_n3A_741, %roll3A_745 : vector<8x128xi32>
      %select_n3A_750 = arith.select %eq3A_747, %min3A_749, %roll3A_745 : vector<8x128xi1>, vector<8x128xi32>
      %select_n3A_751 = arith.select %gt3A_746, %select_n3A_741, %select_n3A_750 : vector<8x128xi1>, vector<8x128xi32>
      %roll3A_752 = arith.constant 126 : i32
      %roll3A_753 = tpu.dynamic_rotate %max3A_748 by %roll3A_752 dim 1 : vector<8x128xf32>, i32 -> vector<8x128xf32>
      %roll3A_754 = arith.constant 126 : i32
      %roll3A_755 = tpu.dynamic_rotate %select_n3A_751 by %roll3A_754 dim 1 : vector<8x128xi32>, i32 -> vector<8x128xi32>
      %gt3A_756 = arith.cmpf ogt, %max3A_748, %roll3A_753 : vector<8x128xf32>
      %eq3A_757 = arith.cmpf oeq, %max3A_748, %roll3A_753 : vector<8x128xf32>
      %max3A_758 = arith.maximumf %max3A_748, %roll3A_753 : vector<8x128xf32>
      %min3A_759 = arith.minsi %select_n3A_751, %roll3A_755 : vector<8x128xi32>
      %select_n3A_760 = arith.select %eq3A_757, %min3A_759, %roll3A_755 : vector<8x128xi1>, vector<8x128xi32>
      %select_n3A_761 = arith.select %gt3A_756, %select_n3A_751, %select_n3A_760 : vector<8x128xi1>, vector<8x128xi32>
      %roll3A_762 = arith.constant 127 : i32
      %roll3A_763 = tpu.dynamic_rotate %max3A_758 by %roll3A_762 dim 1 : vector<8x128xf32>, i32 -> vector<8x128xf32>
      %roll3A_764 = arith.constant 127 : i32
      %roll3A_765 = tpu.dynamic_rotate %select_n3A_761 by %roll3A_764 dim 1 : vector<8x128xi32>, i32 -> vector<8x128xi32>
      %gt3A_766 = arith.cmpf ogt, %max3A_758, %roll3A_763 : vector<8x128xf32>
      %eq3A_767 = arith.cmpf oeq, %max3A_758, %roll3A_763 : vector<8x128xf32>
      %max3A_768 = arith.maximumf %max3A_758, %roll3A_763 : vector<8x128xf32>
      %min3A_769 = arith.minsi %select_n3A_761, %roll3A_765 : vector<8x128xi32>
      %select_n3A_770 = arith.select %eq3A_767, %min3A_769, %roll3A_765 : vector<8x128xi1>, vector<8x128xi32>
      %select_n3A_771 = arith.select %gt3A_766, %select_n3A_761, %select_n3A_770 : vector<8x128xi1>, vector<8x128xi32>
      %roll3A_772 = arith.constant 4 : i32
      %roll3A_773 = tpu.dynamic_rotate %max3A_768 by %roll3A_772 dim 0 : vector<8x128xf32>, i32 -> vector<8x128xf32>
      %roll3A_774 = arith.constant 4 : i32
      %roll3A_775 = tpu.dynamic_rotate %select_n3A_771 by %roll3A_774 dim 0 : vector<8x128xi32>, i32 -> vector<8x128xi32>
      %gt3A_776 = arith.cmpf ogt, %max3A_768, %roll3A_773 : vector<8x128xf32>
      %eq3A_777 = arith.cmpf oeq, %max3A_768, %roll3A_773 : vector<8x128xf32>
      %max3A_778 = arith.maximumf %max3A_768, %roll3A_773 : vector<8x128xf32>
      %min3A_779 = arith.minsi %select_n3A_771, %roll3A_775 : vector<8x128xi32>
      %select_n3A_780 = arith.select %eq3A_777, %min3A_779, %roll3A_775 : vector<8x128xi1>, vector<8x128xi32>
      %select_n3A_781 = arith.select %gt3A_776, %select_n3A_771, %select_n3A_780 : vector<8x128xi1>, vector<8x128xi32>
      %roll3A_782 = arith.constant 6 : i32
      %roll3A_783 = tpu.dynamic_rotate %max3A_778 by %roll3A_782 dim 0 : vector<8x128xf32>, i32 -> vector<8x128xf32>
      %roll3A_784 = arith.constant 6 : i32
      %roll3A_785 = tpu.dynamic_rotate %select_n3A_781 by %roll3A_784 dim 0 : vector<8x128xi32>, i32 -> vector<8x128xi32>
      %gt3A_786 = arith.cmpf ogt, %max3A_778, %roll3A_783 : vector<8x128xf32>
      %eq3A_787 = arith.cmpf oeq, %max3A_778, %roll3A_783 : vector<8x128xf32>
      %max3A_788 = arith.maximumf %max3A_778, %roll3A_783 : vector<8x128xf32>
      %min3A_789 = arith.minsi %select_n3A_781, %roll3A_785 : vector<8x128xi32>
      %select_n3A_790 = arith.select %eq3A_787, %min3A_789, %roll3A_785 : vector<8x128xi1>, vector<8x128xi32>
      %select_n3A_791 = arith.select %gt3A_786, %select_n3A_781, %select_n3A_790 : vector<8x128xi1>, vector<8x128xi32>
      %roll3A_792 = arith.constant 7 : i32
      %roll3A_793 = tpu.dynamic_rotate %max3A_788 by %roll3A_792 dim 0 : vector<8x128xf32>, i32 -> vector<8x128xf32>
      %roll3A_794 = arith.constant 7 : i32
      %roll3A_795 = tpu.dynamic_rotate %select_n3A_791 by %roll3A_794 dim 0 : vector<8x128xi32>, i32 -> vector<8x128xi32>
      %gt3A_796 = arith.cmpf ogt, %max3A_788, %roll3A_793 : vector<8x128xf32>
      %eq3A_797 = arith.cmpf oeq, %max3A_788, %roll3A_793 : vector<8x128xf32>
      %min3A_798 = arith.minsi %select_n3A_791, %roll3A_795 : vector<8x128xi32>
      %select_n3A_799 = arith.select %eq3A_797, %min3A_798, %roll3A_795 : vector<8x128xi1>, vector<8x128xi32>
      %select_n3A_800 = arith.select %gt3A_796, %select_n3A_791, %select_n3A_799 : vector<8x128xi1>, vector<8x128xi32>
      %slice3A_801 = vector.extract_strided_slice %select_n3A_800 {offsets = [0, 0], sizes = [1, 1], strides = [1, 1]} : vector<8x128xi32> to vector<1x1xi32>
      %mul3A_802 = arith.constant 2 : i32
      %mul3A_803 = arith.muli %scan3A_94, %mul3A_802 : i32
      %add3A_804 = arith.constant 1 : i32
      %add3A_805 = arith.addi %mul3A_803, %add3A_804 : i32
      %swap3A_806 = arith.constant 0 : index
      %swap3A_807 = arith.index_cast %add3A_805 : i32 to index
      %swap3A_808 = arith.constant 0 : index
      %swap3A_809 = vector.load %arg1[%swap3A_806, %swap3A_807, %swap3A_808] : memref<4x1024x8xi32, #tpu.memory_space<vmem>>, vector<1x1x1xi32>
      %swap3A_810 = vector.shape_cast %swap3A_809 : vector<1x1x1xi32> to vector<1x1xi32>
      %swap3A_811 = vector.shape_cast %slice3A_270 : vector<1x1xi32> to vector<1x1x1xi32>
      tpu.vector_store %arg1[%swap3A_806, %swap3A_807, %swap3A_808], %swap3A_811 {strides = array<i32>} : memref<4x1024x8xi32, #tpu.memory_space<vmem>>, vector<1x1x1xi32>,
      %eq3A_812 = vector.broadcast %slice3A_270 : vector<1x1xi32> to vector<8x1024xi32>
      %eq3A_813 = arith.cmpi eq, %add3A, %eq3A_812 : vector<8x1024xi32>
      %jit3A_814 = arith.constant 0.000000e+00 : f32
      %broadcast_in_dim3A_815 = vector.broadcast %jit3A_814 : f32 to vector<8x1024xf32>
      %select_n3A_816 = arith.select %eq3A_813, %get3A_4, %broadcast_in_dim3A_815 : vector<8x1024xi1>, vector<8x1024xf32>
      %reduce_sum3A_817 = vector.shape_cast %select_n3A_816 : vector<8x1024xf32> to vector<1x8x1024xf32>
      %reduce_sum3A_818 = arith.constant dense<0.000000e+00> : vector<1xf32>
      %reduce_sum3A_819 = vector.multi_reduction <add>, %reduce_sum3A_817, %reduce_sum3A_818 [1, 2] : vector<1x8x1024xf32> to vector<1xf32>
      %reduce_sum3A_820 = vector.shape_cast %reduce_sum3A_819 : vector<1xf32> to vector<1x1x1xf32>
      %reduce_sum3A_821 = vector.extract %reduce_sum3A_820[0, 0, 0] : f32 from vector<1x1x1xf32>
      %broadcast_in_dim3A_822 = vector.broadcast %reduce_sum3A_821 : f32 to vector<1x1xf32>
      %jit3A_823 = arith.constant 0.000000e+00 : f32
      %broadcast_in_dim3A_824 = vector.broadcast %jit3A_823 : f32 to vector<8x1024xf32>
      %select_n3A_825 = arith.select %eq3A_813, %get3A_10, %broadcast_in_dim3A_824 : vector<8x1024xi1>, vector<8x1024xf32>
      %reduce_sum3A_826 = vector.shape_cast %select_n3A_825 : vector<8x1024xf32> to vector<1x8x1024xf32>
      %reduce_sum3A_827 = arith.constant dense<0.000000e+00> : vector<1xf32>
      %reduce_sum3A_828 = vector.multi_reduction <add>, %reduce_sum3A_826, %reduce_sum3A_827 [1, 2] : vector<1x8x1024xf32> to vector<1xf32>
      %reduce_sum3A_829 = vector.shape_cast %reduce_sum3A_828 : vector<1xf32> to vector<1x1x1xf32>
      %reduce_sum3A_830 = vector.extract %reduce_sum3A_829[0, 0, 0] : f32 from vector<1x1x1xf32>
      %broadcast_in_dim3A_831 = vector.broadcast %reduce_sum3A_830 : f32 to vector<1x1xf32>
      %jit3A_832 = arith.constant 0.000000e+00 : f32
      %broadcast_in_dim3A_833 = vector.broadcast %jit3A_832 : f32 to vector<8x1024xf32>
      %select_n3A_834 = arith.select %eq3A_813, %get3A_16, %broadcast_in_dim3A_833 : vector<8x1024xi1>, vector<8x1024xf32>
      %reduce_sum3A_835 = vector.shape_cast %select_n3A_834 : vector<8x1024xf32> to vector<1x8x1024xf32>
      %reduce_sum3A_836 = arith.constant dense<0.000000e+00> : vector<1xf32>
      %reduce_sum3A_837 = vector.multi_reduction <add>, %reduce_sum3A_835, %reduce_sum3A_836 [1, 2] : vector<1x8x1024xf32> to vector<1xf32>
      %reduce_sum3A_838 = vector.shape_cast %reduce_sum3A_837 : vector<1xf32> to vector<1x1x1xf32>
      %reduce_sum3A_839 = vector.extract %reduce_sum3A_838[0, 0, 0] : f32 from vector<1x1x1xf32>
      %broadcast_in_dim3A_840 = vector.broadcast %reduce_sum3A_839 : f32 to vector<1x1xf32>
      %sub3A_841 = vector.broadcast %broadcast_in_dim3A_822 : vector<1x1xf32> to vector<8x1024xf32>
      %sub3A_842 = arith.subf %get3A_4, %sub3A_841 : vector<8x1024xf32>
      %sub3A_843 = vector.broadcast %broadcast_in_dim3A_831 : vector<1x1xf32> to vector<8x1024xf32>
      %sub3A_844 = arith.subf %get3A_10, %sub3A_843 : vector<8x1024xf32>
      %sub3A_845 = vector.broadcast %broadcast_in_dim3A_840 : vector<1x1xf32> to vector<8x1024xf32>
      %sub3A_846 = arith.subf %get3A_16, %sub3A_845 : vector<8x1024xf32>
      %mul3A_847 = arith.mulf %sub3A_842, %sub3A_842 : vector<8x1024xf32>
      %mul3A_848 = arith.mulf %sub3A_846, %sub3A_846 : vector<8x1024xf32>
      %add3A_849 = arith.addf %mul3A_847, %mul3A_848 : vector<8x1024xf32>
      %mul3A_850 = arith.mulf %sub3A_844, %sub3A_844 : vector<8x1024xf32>
      %add3A_851 = arith.addf %add3A_849, %mul3A_850 : vector<8x1024xf32>
      %min3A_852 = arith.minimumf %min3A, %add3A_851 : vector<8x1024xf32>
      %slice3A_853 = vector.extract_strided_slice %min3A_852 {offsets = [0, 0], sizes = [8, 512], strides = [1, 1]} : vector<8x1024xf32> to vector<8x512xf32>
      %slice3A_854 = vector.extract_strided_slice %add3A {offsets = [0, 0], sizes = [8, 512], strides = [1, 1]} : vector<8x1024xi32> to vector<8x512xi32>
      %slice3A_855 = vector.extract_strided_slice %min3A_852 {offsets = [0, 512], sizes = [8, 512], strides = [1, 1]} : vector<8x1024xf32> to vector<8x512xf32>
      %slice3A_856 = vector.extract_strided_slice %add3A {offsets = [0, 512], sizes = [8, 512], strides = [1, 1]} : vector<8x1024xi32> to vector<8x512xi32>
      %gt3A_857 = arith.cmpf ogt, %slice3A_853, %slice3A_855 : vector<8x512xf32>
      %eq3A_858 = arith.cmpf oeq, %slice3A_853, %slice3A_855 : vector<8x512xf32>
      %max3A_859 = arith.maximumf %slice3A_853, %slice3A_855 : vector<8x512xf32>
      %min3A_860 = arith.minsi %slice3A_854, %slice3A_856 : vector<8x512xi32>
      %select_n3A_861 = arith.select %eq3A_858, %min3A_860, %slice3A_856 : vector<8x512xi1>, vector<8x512xi32>
      %select_n3A_862 = arith.select %gt3A_857, %slice3A_854, %select_n3A_861 : vector<8x512xi1>, vector<8x512xi32>
      %slice3A_863 = vector.extract_strided_slice %max3A_859 {offsets = [0, 0], sizes = [8, 256], strides = [1, 1]} : vector<8x512xf32> to vector<8x256xf32>
      %slice3A_864 = vector.extract_strided_slice %select_n3A_862 {offsets = [0, 0], sizes = [8, 256], strides = [1, 1]} : vector<8x512xi32> to vector<8x256xi32>
      %slice3A_865 = vector.extract_strided_slice %max3A_859 {offsets = [0, 256], sizes = [8, 256], strides = [1, 1]} : vector<8x512xf32> to vector<8x256xf32>
      %slice3A_866 = vector.extract_strided_slice %select_n3A_862 {offsets = [0, 256], sizes = [8, 256], strides = [1, 1]} : vector<8x512xi32> to vector<8x256xi32>
      %gt3A_867 = arith.cmpf ogt, %slice3A_863, %slice3A_865 : vector<8x256xf32>
      %eq3A_868 = arith.cmpf oeq, %slice3A_863, %slice3A_865 : vector<8x256xf32>
      %max3A_869 = arith.maximumf %slice3A_863, %slice3A_865 : vector<8x256xf32>
      %min3A_870 = arith.minsi %slice3A_864, %slice3A_866 : vector<8x256xi32>
      %select_n3A_871 = arith.select %eq3A_868, %min3A_870, %slice3A_866 : vector<8x256xi1>, vector<8x256xi32>
      %select_n3A_872 = arith.select %gt3A_867, %slice3A_864, %select_n3A_871 : vector<8x256xi1>, vector<8x256xi32>
      %slice3A_873 = vector.extract_strided_slice %max3A_869 {offsets = [0, 0], sizes = [8, 128], strides = [1, 1]} : vector<8x256xf32> to vector<8x128xf32>
      %slice3A_874 = vector.extract_strided_slice %select_n3A_872 {offsets = [0, 0], sizes = [8, 128], strides = [1, 1]} : vector<8x256xi32> to vector<8x128xi32>
      %slice3A_875 = vector.extract_strided_slice %max3A_869 {offsets = [0, 128], sizes = [8, 128], strides = [1, 1]} : vector<8x256xf32> to vector<8x128xf32>
      %slice3A_876 = vector.extract_strided_slice %select_n3A_872 {offsets = [0, 128], sizes = [8, 128], strides = [1, 1]} : vector<8x256xi32> to vector<8x128xi32>
      %gt3A_877 = arith.cmpf ogt, %slice3A_873, %slice3A_875 : vector<8x128xf32>
      %eq3A_878 = arith.cmpf oeq, %slice3A_873, %slice3A_875 : vector<8x128xf32>
      %max3A_879 = arith.maximumf %slice3A_873, %slice3A_875 : vector<8x128xf32>
      %min3A_880 = arith.minsi %slice3A_874, %slice3A_876 : vector<8x128xi32>
      %select_n3A_881 = arith.select %eq3A_878, %min3A_880, %slice3A_876 : vector<8x128xi1>, vector<8x128xi32>
      %select_n3A_882 = arith.select %gt3A_877, %slice3A_874, %select_n3A_881 : vector<8x128xi1>, vector<8x128xi32>
      %roll3A_883 = arith.constant 64 : i32
      %roll3A_884 = tpu.dynamic_rotate %max3A_879 by %roll3A_883 dim 1 : vector<8x128xf32>, i32 -> vector<8x128xf32>
      %roll3A_885 = arith.constant 64 : i32
      %roll3A_886 = tpu.dynamic_rotate %select_n3A_882 by %roll3A_885 dim 1 : vector<8x128xi32>, i32 -> vector<8x128xi32>
      %gt3A_887 = arith.cmpf ogt, %max3A_879, %roll3A_884 : vector<8x128xf32>
      %eq3A_888 = arith.cmpf oeq, %max3A_879, %roll3A_884 : vector<8x128xf32>
      %max3A_889 = arith.maximumf %max3A_879, %roll3A_884 : vector<8x128xf32>
      %min3A_890 = arith.minsi %select_n3A_882, %roll3A_886 : vector<8x128xi32>
      %select_n3A_891 = arith.select %eq3A_888, %min3A_890, %roll3A_886 : vector<8x128xi1>, vector<8x128xi32>
      %select_n3A_892 = arith.select %gt3A_887, %select_n3A_882, %select_n3A_891 : vector<8x128xi1>, vector<8x128xi32>
      %roll3A_893 = arith.constant 96 : i32
      %roll3A_894 = tpu.dynamic_rotate %max3A_889 by %roll3A_893 dim 1 : vector<8x128xf32>, i32 -> vector<8x128xf32>
      %roll3A_895 = arith.constant 96 : i32
      %roll3A_896 = tpu.dynamic_rotate %select_n3A_892 by %roll3A_895 dim 1 : vector<8x128xi32>, i32 -> vector<8x128xi32>
      %gt3A_897 = arith.cmpf ogt, %max3A_889, %roll3A_894 : vector<8x128xf32>
      %eq3A_898 = arith.cmpf oeq, %max3A_889, %roll3A_894 : vector<8x128xf32>
      %max3A_899 = arith.maximumf %max3A_889, %roll3A_894 : vector<8x128xf32>
      %min3A_900 = arith.minsi %select_n3A_892, %roll3A_896 : vector<8x128xi32>
      %select_n3A_901 = arith.select %eq3A_898, %min3A_900, %roll3A_896 : vector<8x128xi1>, vector<8x128xi32>
      %select_n3A_902 = arith.select %gt3A_897, %select_n3A_892, %select_n3A_901 : vector<8x128xi1>, vector<8x128xi32>
      %roll3A_903 = arith.constant 112 : i32
      %roll3A_904 = tpu.dynamic_rotate %max3A_899 by %roll3A_903 dim 1 : vector<8x128xf32>, i32 -> vector<8x128xf32>
      %roll3A_905 = arith.constant 112 : i32
      %roll3A_906 = tpu.dynamic_rotate %select_n3A_902 by %roll3A_905 dim 1 : vector<8x128xi32>, i32 -> vector<8x128xi32>
      %gt3A_907 = arith.cmpf ogt, %max3A_899, %roll3A_904 : vector<8x128xf32>
      %eq3A_908 = arith.cmpf oeq, %max3A_899, %roll3A_904 : vector<8x128xf32>
      %max3A_909 = arith.maximumf %max3A_899, %roll3A_904 : vector<8x128xf32>
      %min3A_910 = arith.minsi %select_n3A_902, %roll3A_906 : vector<8x128xi32>
      %select_n3A_911 = arith.select %eq3A_908, %min3A_910, %roll3A_906 : vector<8x128xi1>, vector<8x128xi32>
      %select_n3A_912 = arith.select %gt3A_907, %select_n3A_902, %select_n3A_911 : vector<8x128xi1>, vector<8x128xi32>
      %roll3A_913 = arith.constant 120 : i32
      %roll3A_914 = tpu.dynamic_rotate %max3A_909 by %roll3A_913 dim 1 : vector<8x128xf32>, i32 -> vector<8x128xf32>
      %roll3A_915 = arith.constant 120 : i32
      %roll3A_916 = tpu.dynamic_rotate %select_n3A_912 by %roll3A_915 dim 1 : vector<8x128xi32>, i32 -> vector<8x128xi32>
      %gt3A_917 = arith.cmpf ogt, %max3A_909, %roll3A_914 : vector<8x128xf32>
      %eq3A_918 = arith.cmpf oeq, %max3A_909, %roll3A_914 : vector<8x128xf32>
      %max3A_919 = arith.maximumf %max3A_909, %roll3A_914 : vector<8x128xf32>
      %min3A_920 = arith.minsi %select_n3A_912, %roll3A_916 : vector<8x128xi32>
      %select_n3A_921 = arith.select %eq3A_918, %min3A_920, %roll3A_916 : vector<8x128xi1>, vector<8x128xi32>
      %select_n3A_922 = arith.select %gt3A_917, %select_n3A_912, %select_n3A_921 : vector<8x128xi1>, vector<8x128xi32>
      %roll3A_923 = arith.constant 124 : i32
      %roll3A_924 = tpu.dynamic_rotate %max3A_919 by %roll3A_923 dim 1 : vector<8x128xf32>, i32 -> vector<8x128xf32>
      %roll3A_925 = arith.constant 124 : i32
      %roll3A_926 = tpu.dynamic_rotate %select_n3A_922 by %roll3A_925 dim 1 : vector<8x128xi32>, i32 -> vector<8x128xi32>
      %gt3A_927 = arith.cmpf ogt, %max3A_919, %roll3A_924 : vector<8x128xf32>
      %eq3A_928 = arith.cmpf oeq, %max3A_919, %roll3A_924 : vector<8x128xf32>
      %max3A_929 = arith.maximumf %max3A_919, %roll3A_924 : vector<8x128xf32>
      %min3A_930 = arith.minsi %select_n3A_922, %roll3A_926 : vector<8x128xi32>
      %select_n3A_931 = arith.select %eq3A_928, %min3A_930, %roll3A_926 : vector<8x128xi1>, vector<8x128xi32>
      %select_n3A_932 = arith.select %gt3A_927, %select_n3A_922, %select_n3A_931 : vector<8x128xi1>, vector<8x128xi32>
      %roll3A_933 = arith.constant 126 : i32
      %roll3A_934 = tpu.dynamic_rotate %max3A_929 by %roll3A_933 dim 1 : vector<8x128xf32>, i32 -> vector<8x128xf32>
      %roll3A_935 = arith.constant 126 : i32
      %roll3A_936 = tpu.dynamic_rotate %select_n3A_932 by %roll3A_935 dim 1 : vector<8x128xi32>, i32 -> vector<8x128xi32>
      %gt3A_937 = arith.cmpf ogt, %max3A_929, %roll3A_934 : vector<8x128xf32>
      %eq3A_938 = arith.cmpf oeq, %max3A_929, %roll3A_934 : vector<8x128xf32>
      %max3A_939 = arith.maximumf %max3A_929, %roll3A_934 : vector<8x128xf32>
      %min3A_940 = arith.minsi %select_n3A_932, %roll3A_936 : vector<8x128xi32>
      %select_n3A_941 = arith.select %eq3A_938, %min3A_940, %roll3A_936 : vector<8x128xi1>, vector<8x128xi32>
      %select_n3A_942 = arith.select %gt3A_937, %select_n3A_932, %select_n3A_941 : vector<8x128xi1>, vector<8x128xi32>
      %roll3A_943 = arith.constant 127 : i32
      %roll3A_944 = tpu.dynamic_rotate %max3A_939 by %roll3A_943 dim 1 : vector<8x128xf32>, i32 -> vector<8x128xf32>
      %roll3A_945 = arith.constant 127 : i32
      %roll3A_946 = tpu.dynamic_rotate %select_n3A_942 by %roll3A_945 dim 1 : vector<8x128xi32>, i32 -> vector<8x128xi32>
      %gt3A_947 = arith.cmpf ogt, %max3A_939, %roll3A_944 : vector<8x128xf32>
      %eq3A_948 = arith.cmpf oeq, %max3A_939, %roll3A_944 : vector<8x128xf32>
      %max3A_949 = arith.maximumf %max3A_939, %roll3A_944 : vector<8x128xf32>
      %min3A_950 = arith.minsi %select_n3A_942, %roll3A_946 : vector<8x128xi32>
      %select_n3A_951 = arith.select %eq3A_948, %min3A_950, %roll3A_946 : vector<8x128xi1>, vector<8x128xi32>
      %select_n3A_952 = arith.select %gt3A_947, %select_n3A_942, %select_n3A_951 : vector<8x128xi1>, vector<8x128xi32>
      %roll3A_953 = arith.constant 4 : i32
      %roll3A_954 = tpu.dynamic_rotate %max3A_949 by %roll3A_953 dim 0 : vector<8x128xf32>, i32 -> vector<8x128xf32>
      %roll3A_955 = arith.constant 4 : i32
      %roll3A_956 = tpu.dynamic_rotate %select_n3A_952 by %roll3A_955 dim 0 : vector<8x128xi32>, i32 -> vector<8x128xi32>
      %gt3A_957 = arith.cmpf ogt, %max3A_949, %roll3A_954 : vector<8x128xf32>
      %eq3A_958 = arith.cmpf oeq, %max3A_949, %roll3A_954 : vector<8x128xf32>
      %max3A_959 = arith.maximumf %max3A_949, %roll3A_954 : vector<8x128xf32>
      %min3A_960 = arith.minsi %select_n3A_952, %roll3A_956 : vector<8x128xi32>
      %select_n3A_961 = arith.select %eq3A_958, %min3A_960, %roll3A_956 : vector<8x128xi1>, vector<8x128xi32>
      %select_n3A_962 = arith.select %gt3A_957, %select_n3A_952, %select_n3A_961 : vector<8x128xi1>, vector<8x128xi32>
      %roll3A_963 = arith.constant 6 : i32
      %roll3A_964 = tpu.dynamic_rotate %max3A_959 by %roll3A_963 dim 0 : vector<8x128xf32>, i32 -> vector<8x128xf32>
      %roll3A_965 = arith.constant 6 : i32
      %roll3A_966 = tpu.dynamic_rotate %select_n3A_962 by %roll3A_965 dim 0 : vector<8x128xi32>, i32 -> vector<8x128xi32>
      %gt3A_967 = arith.cmpf ogt, %max3A_959, %roll3A_964 : vector<8x128xf32>
      %eq3A_968 = arith.cmpf oeq, %max3A_959, %roll3A_964 : vector<8x128xf32>
      %max3A_969 = arith.maximumf %max3A_959, %roll3A_964 : vector<8x128xf32>
      %min3A_970 = arith.minsi %select_n3A_962, %roll3A_966 : vector<8x128xi32>
      %select_n3A_971 = arith.select %eq3A_968, %min3A_970, %roll3A_966 : vector<8x128xi1>, vector<8x128xi32>
      %select_n3A_972 = arith.select %gt3A_967, %select_n3A_962, %select_n3A_971 : vector<8x128xi1>, vector<8x128xi32>
      %roll3A_973 = arith.constant 7 : i32
      %roll3A_974 = tpu.dynamic_rotate %max3A_969 by %roll3A_973 dim 0 : vector<8x128xf32>, i32 -> vector<8x128xf32>
      %roll3A_975 = arith.constant 7 : i32
      %roll3A_976 = tpu.dynamic_rotate %select_n3A_972 by %roll3A_975 dim 0 : vector<8x128xi32>, i32 -> vector<8x128xi32>
      %gt3A_977 = arith.cmpf ogt, %max3A_969, %roll3A_974 : vector<8x128xf32>
      %eq3A_978 = arith.cmpf oeq, %max3A_969, %roll3A_974 : vector<8x128xf32>
      %min3A_979 = arith.minsi %select_n3A_972, %roll3A_976 : vector<8x128xi32>
      %select_n3A_980 = arith.select %eq3A_978, %min3A_979, %roll3A_976 : vector<8x128xi1>, vector<8x128xi32>
      %select_n3A_981 = arith.select %gt3A_977, %select_n3A_972, %select_n3A_980 : vector<8x128xi1>, vector<8x128xi32>
      %slice3A_982 = vector.extract_strided_slice %select_n3A_981 {offsets = [0, 0], sizes = [1, 1], strides = [1, 1]} : vector<8x128xi32> to vector<1x1xi32>
      %swap3A_983 = arith.constant 1 : index
      %swap3A_984 = arith.index_cast %add3A_805 : i32 to index
      %swap3A_985 = arith.constant 0 : index
      %swap3A_986 = vector.load %arg1[%swap3A_983, %swap3A_984, %swap3A_985] : memref<4x1024x8xi32, #tpu.memory_space<vmem>>, vector<1x1x1xi32>
      %swap3A_987 = vector.shape_cast %swap3A_986 : vector<1x1x1xi32> to vector<1x1xi32>
      %swap3A_988 = vector.shape_cast %slice3A_447 : vector<1x1xi32> to vector<1x1x1xi32>
      tpu.vector_store %arg1[%swap3A_983, %swap3A_984, %swap3A_985], %swap3A_988 {strides = array<i32>} : memref<4x1024x8xi32, #tpu.memory_space<vmem>>, vector<1x1x1xi32>,
      %eq3A_989 = vector.broadcast %slice3A_447 : vector<1x1xi32> to vector<8x1024xi32>
      %eq3A_990 = arith.cmpi eq, %add3A, %eq3A_989 : vector<8x1024xi32>
      %jit3A_991 = arith.constant 0.000000e+00 : f32
      %broadcast_in_dim3A_992 = vector.broadcast %jit3A_991 : f32 to vector<8x1024xf32>
      %select_n3A_993 = arith.select %eq3A_990, %get3A_22, %broadcast_in_dim3A_992 : vector<8x1024xi1>, vector<8x1024xf32>
      %reduce_sum3A_994 = vector.shape_cast %select_n3A_993 : vector<8x1024xf32> to vector<1x8x1024xf32>
      %reduce_sum3A_995 = arith.constant dense<0.000000e+00> : vector<1xf32>
      %reduce_sum3A_996 = vector.multi_reduction <add>, %reduce_sum3A_994, %reduce_sum3A_995 [1, 2] : vector<1x8x1024xf32> to vector<1xf32>
      %reduce_sum3A_997 = vector.shape_cast %reduce_sum3A_996 : vector<1xf32> to vector<1x1x1xf32>
      %reduce_sum3A_998 = vector.extract %reduce_sum3A_997[0, 0, 0] : f32 from vector<1x1x1xf32>
      %broadcast_in_dim3A_999 = vector.broadcast %reduce_sum3A_998 : f32 to vector<1x1xf32>
      %jit3A_1000 = arith.constant 0.000000e+00 : f32
      %broadcast_in_dim3A_1001 = vector.broadcast %jit3A_1000 : f32 to vector<8x1024xf32>
      %select_n3A_1002 = arith.select %eq3A_990, %get3A_28, %broadcast_in_dim3A_1001 : vector<8x1024xi1>, vector<8x1024xf32>
      %reduce_sum3A_1003 = vector.shape_cast %select_n3A_1002 : vector<8x1024xf32> to vector<1x8x1024xf32>
      %reduce_sum3A_1004 = arith.constant dense<0.000000e+00> : vector<1xf32>
      %reduce_sum3A_1005 = vector.multi_reduction <add>, %reduce_sum3A_1003, %reduce_sum3A_1004 [1, 2] : vector<1x8x1024xf32> to vector<1xf32>
      %reduce_sum3A_1006 = vector.shape_cast %reduce_sum3A_1005 : vector<1xf32> to vector<1x1x1xf32>
      %reduce_sum3A_1007 = vector.extract %reduce_sum3A_1006[0, 0, 0] : f32 from vector<1x1x1xf32>
      %broadcast_in_dim3A_1008 = vector.broadcast %reduce_sum3A_1007 : f32 to vector<1x1xf32>
      %jit3A_1009 = arith.constant 0.000000e+00 : f32
      %broadcast_in_dim3A_1010 = vector.broadcast %jit3A_1009 : f32 to vector<8x1024xf32>
      %select_n3A_1011 = arith.select %eq3A_990, %get3A_34, %broadcast_in_dim3A_1010 : vector<8x1024xi1>, vector<8x1024xf32>
      %reduce_sum3A_1012 = vector.shape_cast %select_n3A_1011 : vector<8x1024xf32> to vector<1x8x1024xf32>
      %reduce_sum3A_1013 = arith.constant dense<0.000000e+00> : vector<1xf32>
      %reduce_sum3A_1014 = vector.multi_reduction <add>, %reduce_sum3A_1012, %reduce_sum3A_1013 [1, 2] : vector<1x8x1024xf32> to vector<1xf32>
      %reduce_sum3A_1015 = vector.shape_cast %reduce_sum3A_1014 : vector<1xf32> to vector<1x1x1xf32>
      %reduce_sum3A_1016 = vector.extract %reduce_sum3A_1015[0, 0, 0] : f32 from vector<1x1x1xf32>
      %broadcast_in_dim3A_1017 = vector.broadcast %reduce_sum3A_1016 : f32 to vector<1x1xf32>
      %sub3A_1018 = vector.broadcast %broadcast_in_dim3A_999 : vector<1x1xf32> to vector<8x1024xf32>
      %sub3A_1019 = arith.subf %get3A_22, %sub3A_1018 : vector<8x1024xf32>
      %sub3A_1020 = vector.broadcast %broadcast_in_dim3A_1008 : vector<1x1xf32> to vector<8x1024xf32>
      %sub3A_1021 = arith.subf %get3A_28, %sub3A_1020 : vector<8x1024xf32>
      %sub3A_1022 = vector.broadcast %broadcast_in_dim3A_1017 : vector<1x1xf32> to vector<8x1024xf32>
      %sub3A_1023 = arith.subf %get3A_34, %sub3A_1022 : vector<8x1024xf32>
      %mul3A_1024 = arith.mulf %sub3A_1019, %sub3A_1019 : vector<8x1024xf32>
      %mul3A_1025 = arith.mulf %sub3A_1023, %sub3A_1023 : vector<8x1024xf32>
      %add3A_1026 = arith.addf %mul3A_1024, %mul3A_1025 : vector<8x1024xf32>
      %mul3A_1027 = arith.mulf %sub3A_1021, %sub3A_1021 : vector<8x1024xf32>
      %add3A_1028 = arith.addf %add3A_1026, %mul3A_1027 : vector<8x1024xf32>
      %min3A_1029 = arith.minimumf %min3A_317, %add3A_1028 : vector<8x1024xf32>
      %slice3A_1030 = vector.extract_strided_slice %min3A_1029 {offsets = [0, 0], sizes = [8, 512], strides = [1, 1]} : vector<8x1024xf32> to vector<8x512xf32>
      %slice3A_1031 = vector.extract_strided_slice %add3A {offsets = [0, 0], sizes = [8, 512], strides = [1, 1]} : vector<8x1024xi32> to vector<8x512xi32>
      %slice3A_1032 = vector.extract_strided_slice %min3A_1029 {offsets = [0, 512], sizes = [8, 512], strides = [1, 1]} : vector<8x1024xf32> to vector<8x512xf32>
      %slice3A_1033 = vector.extract_strided_slice %add3A {offsets = [0, 512], sizes = [8, 512], strides = [1, 1]} : vector<8x1024xi32> to vector<8x512xi32>
      %gt3A_1034 = arith.cmpf ogt, %slice3A_1030, %slice3A_1032 : vector<8x512xf32>
      %eq3A_1035 = arith.cmpf oeq, %slice3A_1030, %slice3A_1032 : vector<8x512xf32>
      %max3A_1036 = arith.maximumf %slice3A_1030, %slice3A_1032 : vector<8x512xf32>
      %min3A_1037 = arith.minsi %slice3A_1031, %slice3A_1033 : vector<8x512xi32>
      %select_n3A_1038 = arith.select %eq3A_1035, %min3A_1037, %slice3A_1033 : vector<8x512xi1>, vector<8x512xi32>
      %select_n3A_1039 = arith.select %gt3A_1034, %slice3A_1031, %select_n3A_1038 : vector<8x512xi1>, vector<8x512xi32>
      %slice3A_1040 = vector.extract_strided_slice %max3A_1036 {offsets = [0, 0], sizes = [8, 256], strides = [1, 1]} : vector<8x512xf32> to vector<8x256xf32>
      %slice3A_1041 = vector.extract_strided_slice %select_n3A_1039 {offsets = [0, 0], sizes = [8, 256], strides = [1, 1]} : vector<8x512xi32> to vector<8x256xi32>
      %slice3A_1042 = vector.extract_strided_slice %max3A_1036 {offsets = [0, 256], sizes = [8, 256], strides = [1, 1]} : vector<8x512xf32> to vector<8x256xf32>
      %slice3A_1043 = vector.extract_strided_slice %select_n3A_1039 {offsets = [0, 256], sizes = [8, 256], strides = [1, 1]} : vector<8x512xi32> to vector<8x256xi32>
      %gt3A_1044 = arith.cmpf ogt, %slice3A_1040, %slice3A_1042 : vector<8x256xf32>
      %eq3A_1045 = arith.cmpf oeq, %slice3A_1040, %slice3A_1042 : vector<8x256xf32>
      %max3A_1046 = arith.maximumf %slice3A_1040, %slice3A_1042 : vector<8x256xf32>
      %min3A_1047 = arith.minsi %slice3A_1041, %slice3A_1043 : vector<8x256xi32>
      %select_n3A_1048 = arith.select %eq3A_1045, %min3A_1047, %slice3A_1043 : vector<8x256xi1>, vector<8x256xi32>
      %select_n3A_1049 = arith.select %gt3A_1044, %slice3A_1041, %select_n3A_1048 : vector<8x256xi1>, vector<8x256xi32>
      %slice3A_1050 = vector.extract_strided_slice %max3A_1046 {offsets = [0, 0], sizes = [8, 128], strides = [1, 1]} : vector<8x256xf32> to vector<8x128xf32>
      %slice3A_1051 = vector.extract_strided_slice %select_n3A_1049 {offsets = [0, 0], sizes = [8, 128], strides = [1, 1]} : vector<8x256xi32> to vector<8x128xi32>
      %slice3A_1052 = vector.extract_strided_slice %max3A_1046 {offsets = [0, 128], sizes = [8, 128], strides = [1, 1]} : vector<8x256xf32> to vector<8x128xf32>
      %slice3A_1053 = vector.extract_strided_slice %select_n3A_1049 {offsets = [0, 128], sizes = [8, 128], strides = [1, 1]} : vector<8x256xi32> to vector<8x128xi32>
      %gt3A_1054 = arith.cmpf ogt, %slice3A_1050, %slice3A_1052 : vector<8x128xf32>
      %eq3A_1055 = arith.cmpf oeq, %slice3A_1050, %slice3A_1052 : vector<8x128xf32>
      %max3A_1056 = arith.maximumf %slice3A_1050, %slice3A_1052 : vector<8x128xf32>
      %min3A_1057 = arith.minsi %slice3A_1051, %slice3A_1053 : vector<8x128xi32>
      %select_n3A_1058 = arith.select %eq3A_1055, %min3A_1057, %slice3A_1053 : vector<8x128xi1>, vector<8x128xi32>
      %select_n3A_1059 = arith.select %gt3A_1054, %slice3A_1051, %select_n3A_1058 : vector<8x128xi1>, vector<8x128xi32>
      %roll3A_1060 = arith.constant 64 : i32
      %roll3A_1061 = tpu.dynamic_rotate %max3A_1056 by %roll3A_1060 dim 1 : vector<8x128xf32>, i32 -> vector<8x128xf32>
      %roll3A_1062 = arith.constant 64 : i32
      %roll3A_1063 = tpu.dynamic_rotate %select_n3A_1059 by %roll3A_1062 dim 1 : vector<8x128xi32>, i32 -> vector<8x128xi32>
      %gt3A_1064 = arith.cmpf ogt, %max3A_1056, %roll3A_1061 : vector<8x128xf32>
      %eq3A_1065 = arith.cmpf oeq, %max3A_1056, %roll3A_1061 : vector<8x128xf32>
      %max3A_1066 = arith.maximumf %max3A_1056, %roll3A_1061 : vector<8x128xf32>
      %min3A_1067 = arith.minsi %select_n3A_1059, %roll3A_1063 : vector<8x128xi32>
      %select_n3A_1068 = arith.select %eq3A_1065, %min3A_1067, %roll3A_1063 : vector<8x128xi1>, vector<8x128xi32>
      %select_n3A_1069 = arith.select %gt3A_1064, %select_n3A_1059, %select_n3A_1068 : vector<8x128xi1>, vector<8x128xi32>
      %roll3A_1070 = arith.constant 96 : i32
      %roll3A_1071 = tpu.dynamic_rotate %max3A_1066 by %roll3A_1070 dim 1 : vector<8x128xf32>, i32 -> vector<8x128xf32>
      %roll3A_1072 = arith.constant 96 : i32
      %roll3A_1073 = tpu.dynamic_rotate %select_n3A_1069 by %roll3A_1072 dim 1 : vector<8x128xi32>, i32 -> vector<8x128xi32>
      %gt3A_1074 = arith.cmpf ogt, %max3A_1066, %roll3A_1071 : vector<8x128xf32>
      %eq3A_1075 = arith.cmpf oeq, %max3A_1066, %roll3A_1071 : vector<8x128xf32>
      %max3A_1076 = arith.maximumf %max3A_1066, %roll3A_1071 : vector<8x128xf32>
      %min3A_1077 = arith.minsi %select_n3A_1069, %roll3A_1073 : vector<8x128xi32>
      %select_n3A_1078 = arith.select %eq3A_1075, %min3A_1077, %roll3A_1073 : vector<8x128xi1>, vector<8x128xi32>
      %select_n3A_1079 = arith.select %gt3A_1074, %select_n3A_1069, %select_n3A_1078 : vector<8x128xi1>, vector<8x128xi32>
      %roll3A_1080 = arith.constant 112 : i32
      %roll3A_1081 = tpu.dynamic_rotate %max3A_1076 by %roll3A_1080 dim 1 : vector<8x128xf32>, i32 -> vector<8x128xf32>
      %roll3A_1082 = arith.constant 112 : i32
      %roll3A_1083 = tpu.dynamic_rotate %select_n3A_1079 by %roll3A_1082 dim 1 : vector<8x128xi32>, i32 -> vector<8x128xi32>
      %gt3A_1084 = arith.cmpf ogt, %max3A_1076, %roll3A_1081 : vector<8x128xf32>
      %eq3A_1085 = arith.cmpf oeq, %max3A_1076, %roll3A_1081 : vector<8x128xf32>
      %max3A_1086 = arith.maximumf %max3A_1076, %roll3A_1081 : vector<8x128xf32>
      %min3A_1087 = arith.minsi %select_n3A_1079, %roll3A_1083 : vector<8x128xi32>
      %select_n3A_1088 = arith.select %eq3A_1085, %min3A_1087, %roll3A_1083 : vector<8x128xi1>, vector<8x128xi32>
      %select_n3A_1089 = arith.select %gt3A_1084, %select_n3A_1079, %select_n3A_1088 : vector<8x128xi1>, vector<8x128xi32>
      %roll3A_1090 = arith.constant 120 : i32
      %roll3A_1091 = tpu.dynamic_rotate %max3A_1086 by %roll3A_1090 dim 1 : vector<8x128xf32>, i32 -> vector<8x128xf32>
      %roll3A_1092 = arith.constant 120 : i32
      %roll3A_1093 = tpu.dynamic_rotate %select_n3A_1089 by %roll3A_1092 dim 1 : vector<8x128xi32>, i32 -> vector<8x128xi32>
      %gt3A_1094 = arith.cmpf ogt, %max3A_1086, %roll3A_1091 : vector<8x128xf32>
      %eq3A_1095 = arith.cmpf oeq, %max3A_1086, %roll3A_1091 : vector<8x128xf32>
      %max3A_1096 = arith.maximumf %max3A_1086, %roll3A_1091 : vector<8x128xf32>
      %min3A_1097 = arith.minsi %select_n3A_1089, %roll3A_1093 : vector<8x128xi32>
      %select_n3A_1098 = arith.select %eq3A_1095, %min3A_1097, %roll3A_1093 : vector<8x128xi1>, vector<8x128xi32>
      %select_n3A_1099 = arith.select %gt3A_1094, %select_n3A_1089, %select_n3A_1098 : vector<8x128xi1>, vector<8x128xi32>
      %roll3A_1100 = arith.constant 124 : i32
      %roll3A_1101 = tpu.dynamic_rotate %max3A_1096 by %roll3A_1100 dim 1 : vector<8x128xf32>, i32 -> vector<8x128xf32>
      %roll3A_1102 = arith.constant 124 : i32
      %roll3A_1103 = tpu.dynamic_rotate %select_n3A_1099 by %roll3A_1102 dim 1 : vector<8x128xi32>, i32 -> vector<8x128xi32>
      %gt3A_1104 = arith.cmpf ogt, %max3A_1096, %roll3A_1101 : vector<8x128xf32>
      %eq3A_1105 = arith.cmpf oeq, %max3A_1096, %roll3A_1101 : vector<8x128xf32>
      %max3A_1106 = arith.maximumf %max3A_1096, %roll3A_1101 : vector<8x128xf32>
      %min3A_1107 = arith.minsi %select_n3A_1099, %roll3A_1103 : vector<8x128xi32>
      %select_n3A_1108 = arith.select %eq3A_1105, %min3A_1107, %roll3A_1103 : vector<8x128xi1>, vector<8x128xi32>
      %select_n3A_1109 = arith.select %gt3A_1104, %select_n3A_1099, %select_n3A_1108 : vector<8x128xi1>, vector<8x128xi32>
      %roll3A_1110 = arith.constant 126 : i32
      %roll3A_1111 = tpu.dynamic_rotate %max3A_1106 by %roll3A_1110 dim 1 : vector<8x128xf32>, i32 -> vector<8x128xf32>
      %roll3A_1112 = arith.constant 126 : i32
      %roll3A_1113 = tpu.dynamic_rotate %select_n3A_1109 by %roll3A_1112 dim 1 : vector<8x128xi32>, i32 -> vector<8x128xi32>
      %gt3A_1114 = arith.cmpf ogt, %max3A_1106, %roll3A_1111 : vector<8x128xf32>
      %eq3A_1115 = arith.cmpf oeq, %max3A_1106, %roll3A_1111 : vector<8x128xf32>
      %max3A_1116 = arith.maximumf %max3A_1106, %roll3A_1111 : vector<8x128xf32>
      %min3A_1117 = arith.minsi %select_n3A_1109, %roll3A_1113 : vector<8x128xi32>
      %select_n3A_1118 = arith.select %eq3A_1115, %min3A_1117, %roll3A_1113 : vector<8x128xi1>, vector<8x128xi32>
      %select_n3A_1119 = arith.select %gt3A_1114, %select_n3A_1109, %select_n3A_1118 : vector<8x128xi1>, vector<8x128xi32>
      %roll3A_1120 = arith.constant 127 : i32
      %roll3A_1121 = tpu.dynamic_rotate %max3A_1116 by %roll3A_1120 dim 1 : vector<8x128xf32>, i32 -> vector<8x128xf32>
      %roll3A_1122 = arith.constant 127 : i32
      %roll3A_1123 = tpu.dynamic_rotate %select_n3A_1119 by %roll3A_1122 dim 1 : vector<8x128xi32>, i32 -> vector<8x128xi32>
      %gt3A_1124 = arith.cmpf ogt, %max3A_1116, %roll3A_1121 : vector<8x128xf32>
      %eq3A_1125 = arith.cmpf oeq, %max3A_1116, %roll3A_1121 : vector<8x128xf32>
      %max3A_1126 = arith.maximumf %max3A_1116, %roll3A_1121 : vector<8x128xf32>
      %min3A_1127 = arith.minsi %select_n3A_1119, %roll3A_1123 : vector<8x128xi32>
      %select_n3A_1128 = arith.select %eq3A_1125, %min3A_1127, %roll3A_1123 : vector<8x128xi1>, vector<8x128xi32>
      %select_n3A_1129 = arith.select %gt3A_1124, %select_n3A_1119, %select_n3A_1128 : vector<8x128xi1>, vector<8x128xi32>
      %roll3A_1130 = arith.constant 4 : i32
      %roll3A_1131 = tpu.dynamic_rotate %max3A_1126 by %roll3A_1130 dim 0 : vector<8x128xf32>, i32 -> vector<8x128xf32>
      %roll3A_1132 = arith.constant 4 : i32
      %roll3A_1133 = tpu.dynamic_rotate %select_n3A_1129 by %roll3A_1132 dim 0 : vector<8x128xi32>, i32 -> vector<8x128xi32>
      %gt3A_1134 = arith.cmpf ogt, %max3A_1126, %roll3A_1131 : vector<8x128xf32>
      %eq3A_1135 = arith.cmpf oeq, %max3A_1126, %roll3A_1131 : vector<8x128xf32>
      %max3A_1136 = arith.maximumf %max3A_1126, %roll3A_1131 : vector<8x128xf32>
      %min3A_1137 = arith.minsi %select_n3A_1129, %roll3A_1133 : vector<8x128xi32>
      %select_n3A_1138 = arith.select %eq3A_1135, %min3A_1137, %roll3A_1133 : vector<8x128xi1>, vector<8x128xi32>
      %select_n3A_1139 = arith.select %gt3A_1134, %select_n3A_1129, %select_n3A_1138 : vector<8x128xi1>, vector<8x128xi32>
      %roll3A_1140 = arith.constant 6 : i32
      %roll3A_1141 = tpu.dynamic_rotate %max3A_1136 by %roll3A_1140 dim 0 : vector<8x128xf32>, i32 -> vector<8x128xf32>
      %roll3A_1142 = arith.constant 6 : i32
      %roll3A_1143 = tpu.dynamic_rotate %select_n3A_1139 by %roll3A_1142 dim 0 : vector<8x128xi32>, i32 -> vector<8x128xi32>
      %gt3A_1144 = arith.cmpf ogt, %max3A_1136, %roll3A_1141 : vector<8x128xf32>
      %eq3A_1145 = arith.cmpf oeq, %max3A_1136, %roll3A_1141 : vector<8x128xf32>
      %max3A_1146 = arith.maximumf %max3A_1136, %roll3A_1141 : vector<8x128xf32>
      %min3A_1147 = arith.minsi %select_n3A_1139, %roll3A_1143 : vector<8x128xi32>
      %select_n3A_1148 = arith.select %eq3A_1145, %min3A_1147, %roll3A_1143 : vector<8x128xi1>, vector<8x128xi32>
      %select_n3A_1149 = arith.select %gt3A_1144, %select_n3A_1139, %select_n3A_1148 : vector<8x128xi1>, vector<8x128xi32>
      %roll3A_1150 = arith.constant 7 : i32
      %roll3A_1151 = tpu.dynamic_rotate %max3A_1146 by %roll3A_1150 dim 0 : vector<8x128xf32>, i32 -> vector<8x128xf32>
      %roll3A_1152 = arith.constant 7 : i32
      %roll3A_1153 = tpu.dynamic_rotate %select_n3A_1149 by %roll3A_1152 dim 0 : vector<8x128xi32>, i32 -> vector<8x128xi32>
      %gt3A_1154 = arith.cmpf ogt, %max3A_1146, %roll3A_1151 : vector<8x128xf32>
      %eq3A_1155 = arith.cmpf oeq, %max3A_1146, %roll3A_1151 : vector<8x128xf32>
      %min3A_1156 = arith.minsi %select_n3A_1149, %roll3A_1153 : vector<8x128xi32>
      %select_n3A_1157 = arith.select %eq3A_1155, %min3A_1156, %roll3A_1153 : vector<8x128xi1>, vector<8x128xi32>
      %select_n3A_1158 = arith.select %gt3A_1154, %select_n3A_1149, %select_n3A_1157 : vector<8x128xi1>, vector<8x128xi32>
      %slice3A_1159 = vector.extract_strided_slice %select_n3A_1158 {offsets = [0, 0], sizes = [1, 1], strides = [1, 1]} : vector<8x128xi32> to vector<1x1xi32>
      %swap3A_1160 = arith.constant 2 : index
      %swap3A_1161 = arith.index_cast %add3A_805 : i32 to index
      %swap3A_1162 = arith.constant 0 : index
      %swap3A_1163 = vector.load %arg1[%swap3A_1160, %swap3A_1161, %swap3A_1162] : memref<4x1024x8xi32, #tpu.memory_space<vmem>>, vector<1x1x1xi32>
      %swap3A_1164 = vector.shape_cast %swap3A_1163 : vector<1x1x1xi32> to vector<1x1xi32>
      %swap3A_1165 = vector.shape_cast %slice3A_624 : vector<1x1xi32> to vector<1x1x1xi32>
      tpu.vector_store %arg1[%swap3A_1160, %swap3A_1161, %swap3A_1162], %swap3A_1165 {strides = array<i32>} : memref<4x1024x8xi32, #tpu.memory_space<vmem>>, vector<1x1x1xi32>,
      %eq3A_1166 = vector.broadcast %slice3A_624 : vector<1x1xi32> to vector<8x1024xi32>
      %eq3A_1167 = arith.cmpi eq, %add3A, %eq3A_1166 : vector<8x1024xi32>
      %jit3A_1168 = arith.constant 0.000000e+00 : f32
      %broadcast_in_dim3A_1169 = vector.broadcast %jit3A_1168 : f32 to vector<8x1024xf32>
      %select_n3A_1170 = arith.select %eq3A_1167, %get3A_40, %broadcast_in_dim3A_1169 : vector<8x1024xi1>, vector<8x1024xf32>
      %reduce_sum3A_1171 = vector.shape_cast %select_n3A_1170 : vector<8x1024xf32> to vector<1x8x1024xf32>
      %reduce_sum3A_1172 = arith.constant dense<0.000000e+00> : vector<1xf32>
      %reduce_sum3A_1173 = vector.multi_reduction <add>, %reduce_sum3A_1171, %reduce_sum3A_1172 [1, 2] : vector<1x8x1024xf32> to vector<1xf32>
      %reduce_sum3A_1174 = vector.shape_cast %reduce_sum3A_1173 : vector<1xf32> to vector<1x1x1xf32>
      %reduce_sum3A_1175 = vector.extract %reduce_sum3A_1174[0, 0, 0] : f32 from vector<1x1x1xf32>
      %broadcast_in_dim3A_1176 = vector.broadcast %reduce_sum3A_1175 : f32 to vector<1x1xf32>
      %jit3A_1177 = arith.constant 0.000000e+00 : f32
      %broadcast_in_dim3A_1178 = vector.broadcast %jit3A_1177 : f32 to vector<8x1024xf32>
      %select_n3A_1179 = arith.select %eq3A_1167, %get3A_46, %broadcast_in_dim3A_1178 : vector<8x1024xi1>, vector<8x1024xf32>
      %reduce_sum3A_1180 = vector.shape_cast %select_n3A_1179 : vector<8x1024xf32> to vector<1x8x1024xf32>
      %reduce_sum3A_1181 = arith.constant dense<0.000000e+00> : vector<1xf32>
      %reduce_sum3A_1182 = vector.multi_reduction <add>, %reduce_sum3A_1180, %reduce_sum3A_1181 [1, 2] : vector<1x8x1024xf32> to vector<1xf32>
      %reduce_sum3A_1183 = vector.shape_cast %reduce_sum3A_1182 : vector<1xf32> to vector<1x1x1xf32>
      %reduce_sum3A_1184 = vector.extract %reduce_sum3A_1183[0, 0, 0] : f32 from vector<1x1x1xf32>
      %broadcast_in_dim3A_1185 = vector.broadcast %reduce_sum3A_1184 : f32 to vector<1x1xf32>
      %jit3A_1186 = arith.constant 0.000000e+00 : f32
      %broadcast_in_dim3A_1187 = vector.broadcast %jit3A_1186 : f32 to vector<8x1024xf32>
      %select_n3A_1188 = arith.select %eq3A_1167, %get3A_52, %broadcast_in_dim3A_1187 : vector<8x1024xi1>, vector<8x1024xf32>
      %reduce_sum3A_1189 = vector.shape_cast %select_n3A_1188 : vector<8x1024xf32> to vector<1x8x1024xf32>
      %reduce_sum3A_1190 = arith.constant dense<0.000000e+00> : vector<1xf32>
      %reduce_sum3A_1191 = vector.multi_reduction <add>, %reduce_sum3A_1189, %reduce_sum3A_1190 [1, 2] : vector<1x8x1024xf32> to vector<1xf32>
      %reduce_sum3A_1192 = vector.shape_cast %reduce_sum3A_1191 : vector<1xf32> to vector<1x1x1xf32>
      %reduce_sum3A_1193 = vector.extract %reduce_sum3A_1192[0, 0, 0] : f32 from vector<1x1x1xf32>
      %broadcast_in_dim3A_1194 = vector.broadcast %reduce_sum3A_1193 : f32 to vector<1x1xf32>
      %sub3A_1195 = vector.broadcast %broadcast_in_dim3A_1176 : vector<1x1xf32> to vector<8x1024xf32>
      %sub3A_1196 = arith.subf %get3A_40, %sub3A_1195 : vector<8x1024xf32>
      %sub3A_1197 = vector.broadcast %broadcast_in_dim3A_1185 : vector<1x1xf32> to vector<8x1024xf32>
      %sub3A_1198 = arith.subf %get3A_46, %sub3A_1197 : vector<8x1024xf32>
      %sub3A_1199 = vector.broadcast %broadcast_in_dim3A_1194 : vector<1x1xf32> to vector<8x1024xf32>
      %sub3A_1200 = arith.subf %get3A_52, %sub3A_1199 : vector<8x1024xf32>
      %mul3A_1201 = arith.mulf %sub3A_1196, %sub3A_1196 : vector<8x1024xf32>
      %mul3A_1202 = arith.mulf %sub3A_1200, %sub3A_1200 : vector<8x1024xf32>
      %add3A_1203 = arith.addf %mul3A_1201, %mul3A_1202 : vector<8x1024xf32>
      %mul3A_1204 = arith.mulf %sub3A_1198, %sub3A_1198 : vector<8x1024xf32>
      %add3A_1205 = arith.addf %add3A_1203, %mul3A_1204 : vector<8x1024xf32>
      %min3A_1206 = arith.minimumf %min3A_494, %add3A_1205 : vector<8x1024xf32>
      %slice3A_1207 = vector.extract_strided_slice %min3A_1206 {offsets = [0, 0], sizes = [8, 512], strides = [1, 1]} : vector<8x1024xf32> to vector<8x512xf32>
      %slice3A_1208 = vector.extract_strided_slice %add3A {offsets = [0, 0], sizes = [8, 512], strides = [1, 1]} : vector<8x1024xi32> to vector<8x512xi32>
      %slice3A_1209 = vector.extract_strided_slice %min3A_1206 {offsets = [0, 512], sizes = [8, 512], strides = [1, 1]} : vector<8x1024xf32> to vector<8x512xf32>
      %slice3A_1210 = vector.extract_strided_slice %add3A {offsets = [0, 512], sizes = [8, 512], strides = [1, 1]} : vector<8x1024xi32> to vector<8x512xi32>
      %gt3A_1211 = arith.cmpf ogt, %slice3A_1207, %slice3A_1209 : vector<8x512xf32>
      %eq3A_1212 = arith.cmpf oeq, %slice3A_1207, %slice3A_1209 : vector<8x512xf32>
      %max3A_1213 = arith.maximumf %slice3A_1207, %slice3A_1209 : vector<8x512xf32>
      %min3A_1214 = arith.minsi %slice3A_1208, %slice3A_1210 : vector<8x512xi32>
      %select_n3A_1215 = arith.select %eq3A_1212, %min3A_1214, %slice3A_1210 : vector<8x512xi1>, vector<8x512xi32>
      %select_n3A_1216 = arith.select %gt3A_1211, %slice3A_1208, %select_n3A_1215 : vector<8x512xi1>, vector<8x512xi32>
      %slice3A_1217 = vector.extract_strided_slice %max3A_1213 {offsets = [0, 0], sizes = [8, 256], strides = [1, 1]} : vector<8x512xf32> to vector<8x256xf32>
      %slice3A_1218 = vector.extract_strided_slice %select_n3A_1216 {offsets = [0, 0], sizes = [8, 256], strides = [1, 1]} : vector<8x512xi32> to vector<8x256xi32>
      %slice3A_1219 = vector.extract_strided_slice %max3A_1213 {offsets = [0, 256], sizes = [8, 256], strides = [1, 1]} : vector<8x512xf32> to vector<8x256xf32>
      %slice3A_1220 = vector.extract_strided_slice %select_n3A_1216 {offsets = [0, 256], sizes = [8, 256], strides = [1, 1]} : vector<8x512xi32> to vector<8x256xi32>
      %gt3A_1221 = arith.cmpf ogt, %slice3A_1217, %slice3A_1219 : vector<8x256xf32>
      %eq3A_1222 = arith.cmpf oeq, %slice3A_1217, %slice3A_1219 : vector<8x256xf32>
      %max3A_1223 = arith.maximumf %slice3A_1217, %slice3A_1219 : vector<8x256xf32>
      %min3A_1224 = arith.minsi %slice3A_1218, %slice3A_1220 : vector<8x256xi32>
      %select_n3A_1225 = arith.select %eq3A_1222, %min3A_1224, %slice3A_1220 : vector<8x256xi1>, vector<8x256xi32>
      %select_n3A_1226 = arith.select %gt3A_1221, %slice3A_1218, %select_n3A_1225 : vector<8x256xi1>, vector<8x256xi32>
      %slice3A_1227 = vector.extract_strided_slice %max3A_1223 {offsets = [0, 0], sizes = [8, 128], strides = [1, 1]} : vector<8x256xf32> to vector<8x128xf32>
      %slice3A_1228 = vector.extract_strided_slice %select_n3A_1226 {offsets = [0, 0], sizes = [8, 128], strides = [1, 1]} : vector<8x256xi32> to vector<8x128xi32>
      %slice3A_1229 = vector.extract_strided_slice %max3A_1223 {offsets = [0, 128], sizes = [8, 128], strides = [1, 1]} : vector<8x256xf32> to vector<8x128xf32>
      %slice3A_1230 = vector.extract_strided_slice %select_n3A_1226 {offsets = [0, 128], sizes = [8, 128], strides = [1, 1]} : vector<8x256xi32> to vector<8x128xi32>
      %gt3A_1231 = arith.cmpf ogt, %slice3A_1227, %slice3A_1229 : vector<8x128xf32>
      %eq3A_1232 = arith.cmpf oeq, %slice3A_1227, %slice3A_1229 : vector<8x128xf32>
      %max3A_1233 = arith.maximumf %slice3A_1227, %slice3A_1229 : vector<8x128xf32>
      %min3A_1234 = arith.minsi %slice3A_1228, %slice3A_1230 : vector<8x128xi32>
      %select_n3A_1235 = arith.select %eq3A_1232, %min3A_1234, %slice3A_1230 : vector<8x128xi1>, vector<8x128xi32>
      %select_n3A_1236 = arith.select %gt3A_1231, %slice3A_1228, %select_n3A_1235 : vector<8x128xi1>, vector<8x128xi32>
      %roll3A_1237 = arith.constant 64 : i32
      %roll3A_1238 = tpu.dynamic_rotate %max3A_1233 by %roll3A_1237 dim 1 : vector<8x128xf32>, i32 -> vector<8x128xf32>
      %roll3A_1239 = arith.constant 64 : i32
      %roll3A_1240 = tpu.dynamic_rotate %select_n3A_1236 by %roll3A_1239 dim 1 : vector<8x128xi32>, i32 -> vector<8x128xi32>
      %gt3A_1241 = arith.cmpf ogt, %max3A_1233, %roll3A_1238 : vector<8x128xf32>
      %eq3A_1242 = arith.cmpf oeq, %max3A_1233, %roll3A_1238 : vector<8x128xf32>
      %max3A_1243 = arith.maximumf %max3A_1233, %roll3A_1238 : vector<8x128xf32>
      %min3A_1244 = arith.minsi %select_n3A_1236, %roll3A_1240 : vector<8x128xi32>
      %select_n3A_1245 = arith.select %eq3A_1242, %min3A_1244, %roll3A_1240 : vector<8x128xi1>, vector<8x128xi32>
      %select_n3A_1246 = arith.select %gt3A_1241, %select_n3A_1236, %select_n3A_1245 : vector<8x128xi1>, vector<8x128xi32>
      %roll3A_1247 = arith.constant 96 : i32
      %roll3A_1248 = tpu.dynamic_rotate %max3A_1243 by %roll3A_1247 dim 1 : vector<8x128xf32>, i32 -> vector<8x128xf32>
      %roll3A_1249 = arith.constant 96 : i32
      %roll3A_1250 = tpu.dynamic_rotate %select_n3A_1246 by %roll3A_1249 dim 1 : vector<8x128xi32>, i32 -> vector<8x128xi32>
      %gt3A_1251 = arith.cmpf ogt, %max3A_1243, %roll3A_1248 : vector<8x128xf32>
      %eq3A_1252 = arith.cmpf oeq, %max3A_1243, %roll3A_1248 : vector<8x128xf32>
      %max3A_1253 = arith.maximumf %max3A_1243, %roll3A_1248 : vector<8x128xf32>
      %min3A_1254 = arith.minsi %select_n3A_1246, %roll3A_1250 : vector<8x128xi32>
      %select_n3A_1255 = arith.select %eq3A_1252, %min3A_1254, %roll3A_1250 : vector<8x128xi1>, vector<8x128xi32>
      %select_n3A_1256 = arith.select %gt3A_1251, %select_n3A_1246, %select_n3A_1255 : vector<8x128xi1>, vector<8x128xi32>
      %roll3A_1257 = arith.constant 112 : i32
      %roll3A_1258 = tpu.dynamic_rotate %max3A_1253 by %roll3A_1257 dim 1 : vector<8x128xf32>, i32 -> vector<8x128xf32>
      %roll3A_1259 = arith.constant 112 : i32
      %roll3A_1260 = tpu.dynamic_rotate %select_n3A_1256 by %roll3A_1259 dim 1 : vector<8x128xi32>, i32 -> vector<8x128xi32>
      %gt3A_1261 = arith.cmpf ogt, %max3A_1253, %roll3A_1258 : vector<8x128xf32>
      %eq3A_1262 = arith.cmpf oeq, %max3A_1253, %roll3A_1258 : vector<8x128xf32>
      %max3A_1263 = arith.maximumf %max3A_1253, %roll3A_1258 : vector<8x128xf32>
      %min3A_1264 = arith.minsi %select_n3A_1256, %roll3A_1260 : vector<8x128xi32>
      %select_n3A_1265 = arith.select %eq3A_1262, %min3A_1264, %roll3A_1260 : vector<8x128xi1>, vector<8x128xi32>
      %select_n3A_1266 = arith.select %gt3A_1261, %select_n3A_1256, %select_n3A_1265 : vector<8x128xi1>, vector<8x128xi32>
      %roll3A_1267 = arith.constant 120 : i32
      %roll3A_1268 = tpu.dynamic_rotate %max3A_1263 by %roll3A_1267 dim 1 : vector<8x128xf32>, i32 -> vector<8x128xf32>
      %roll3A_1269 = arith.constant 120 : i32
      %roll3A_1270 = tpu.dynamic_rotate %select_n3A_1266 by %roll3A_1269 dim 1 : vector<8x128xi32>, i32 -> vector<8x128xi32>
      %gt3A_1271 = arith.cmpf ogt, %max3A_1263, %roll3A_1268 : vector<8x128xf32>
      %eq3A_1272 = arith.cmpf oeq, %max3A_1263, %roll3A_1268 : vector<8x128xf32>
      %max3A_1273 = arith.maximumf %max3A_1263, %roll3A_1268 : vector<8x128xf32>
      %min3A_1274 = arith.minsi %select_n3A_1266, %roll3A_1270 : vector<8x128xi32>
      %select_n3A_1275 = arith.select %eq3A_1272, %min3A_1274, %roll3A_1270 : vector<8x128xi1>, vector<8x128xi32>
      %select_n3A_1276 = arith.select %gt3A_1271, %select_n3A_1266, %select_n3A_1275 : vector<8x128xi1>, vector<8x128xi32>
      %roll3A_1277 = arith.constant 124 : i32
      %roll3A_1278 = tpu.dynamic_rotate %max3A_1273 by %roll3A_1277 dim 1 : vector<8x128xf32>, i32 -> vector<8x128xf32>
      %roll3A_1279 = arith.constant 124 : i32
      %roll3A_1280 = tpu.dynamic_rotate %select_n3A_1276 by %roll3A_1279 dim 1 : vector<8x128xi32>, i32 -> vector<8x128xi32>
      %gt3A_1281 = arith.cmpf ogt, %max3A_1273, %roll3A_1278 : vector<8x128xf32>
      %eq3A_1282 = arith.cmpf oeq, %max3A_1273, %roll3A_1278 : vector<8x128xf32>
      %max3A_1283 = arith.maximumf %max3A_1273, %roll3A_1278 : vector<8x128xf32>
      %min3A_1284 = arith.minsi %select_n3A_1276, %roll3A_1280 : vector<8x128xi32>
      %select_n3A_1285 = arith.select %eq3A_1282, %min3A_1284, %roll3A_1280 : vector<8x128xi1>, vector<8x128xi32>
      %select_n3A_1286 = arith.select %gt3A_1281, %select_n3A_1276, %select_n3A_1285 : vector<8x128xi1>, vector<8x128xi32>
      %roll3A_1287 = arith.constant 126 : i32
      %roll3A_1288 = tpu.dynamic_rotate %max3A_1283 by %roll3A_1287 dim 1 : vector<8x128xf32>, i32 -> vector<8x128xf32>
      %roll3A_1289 = arith.constant 126 : i32
      %roll3A_1290 = tpu.dynamic_rotate %select_n3A_1286 by %roll3A_1289 dim 1 : vector<8x128xi32>, i32 -> vector<8x128xi32>
      %gt3A_1291 = arith.cmpf ogt, %max3A_1283, %roll3A_1288 : vector<8x128xf32>
      %eq3A_1292 = arith.cmpf oeq, %max3A_1283, %roll3A_1288 : vector<8x128xf32>
      %max3A_1293 = arith.maximumf %max3A_1283, %roll3A_1288 : vector<8x128xf32>
      %min3A_1294 = arith.minsi %select_n3A_1286, %roll3A_1290 : vector<8x128xi32>
      %select_n3A_1295 = arith.select %eq3A_1292, %min3A_1294, %roll3A_1290 : vector<8x128xi1>, vector<8x128xi32>
      %select_n3A_1296 = arith.select %gt3A_1291, %select_n3A_1286, %select_n3A_1295 : vector<8x128xi1>, vector<8x128xi32>
      %roll3A_1297 = arith.constant 127 : i32
      %roll3A_1298 = tpu.dynamic_rotate %max3A_1293 by %roll3A_1297 dim 1 : vector<8x128xf32>, i32 -> vector<8x128xf32>
      %roll3A_1299 = arith.constant 127 : i32
      %roll3A_1300 = tpu.dynamic_rotate %select_n3A_1296 by %roll3A_1299 dim 1 : vector<8x128xi32>, i32 -> vector<8x128xi32>
      %gt3A_1301 = arith.cmpf ogt, %max3A_1293, %roll3A_1298 : vector<8x128xf32>
      %eq3A_1302 = arith.cmpf oeq, %max3A_1293, %roll3A_1298 : vector<8x128xf32>
      %max3A_1303 = arith.maximumf %max3A_1293, %roll3A_1298 : vector<8x128xf32>
      %min3A_1304 = arith.minsi %select_n3A_1296, %roll3A_1300 : vector<8x128xi32>
      %select_n3A_1305 = arith.select %eq3A_1302, %min3A_1304, %roll3A_1300 : vector<8x128xi1>, vector<8x128xi32>
      %select_n3A_1306 = arith.select %gt3A_1301, %select_n3A_1296, %select_n3A_1305 : vector<8x128xi1>, vector<8x128xi32>
      %roll3A_1307 = arith.constant 4 : i32
      %roll3A_1308 = tpu.dynamic_rotate %max3A_1303 by %roll3A_1307 dim 0 : vector<8x128xf32>, i32 -> vector<8x128xf32>
      %roll3A_1309 = arith.constant 4 : i32
      %roll3A_1310 = tpu.dynamic_rotate %select_n3A_1306 by %roll3A_1309 dim 0 : vector<8x128xi32>, i32 -> vector<8x128xi32>
      %gt3A_1311 = arith.cmpf ogt, %max3A_1303, %roll3A_1308 : vector<8x128xf32>
      %eq3A_1312 = arith.cmpf oeq, %max3A_1303, %roll3A_1308 : vector<8x128xf32>
      %max3A_1313 = arith.maximumf %max3A_1303, %roll3A_1308 : vector<8x128xf32>
      %min3A_1314 = arith.minsi %select_n3A_1306, %roll3A_1310 : vector<8x128xi32>
      %select_n3A_1315 = arith.select %eq3A_1312, %min3A_1314, %roll3A_1310 : vector<8x128xi1>, vector<8x128xi32>
      %select_n3A_1316 = arith.select %gt3A_1311, %select_n3A_1306, %select_n3A_1315 : vector<8x128xi1>, vector<8x128xi32>
      %roll3A_1317 = arith.constant 6 : i32
      %roll3A_1318 = tpu.dynamic_rotate %max3A_1313 by %roll3A_1317 dim 0 : vector<8x128xf32>, i32 -> vector<8x128xf32>
      %roll3A_1319 = arith.constant 6 : i32
      %roll3A_1320 = tpu.dynamic_rotate %select_n3A_1316 by %roll3A_1319 dim 0 : vector<8x128xi32>, i32 -> vector<8x128xi32>
      %gt3A_1321 = arith.cmpf ogt, %max3A_1313, %roll3A_1318 : vector<8x128xf32>
      %eq3A_1322 = arith.cmpf oeq, %max3A_1313, %roll3A_1318 : vector<8x128xf32>
      %max3A_1323 = arith.maximumf %max3A_1313, %roll3A_1318 : vector<8x128xf32>
      %min3A_1324 = arith.minsi %select_n3A_1316, %roll3A_1320 : vector<8x128xi32>
      %select_n3A_1325 = arith.select %eq3A_1322, %min3A_1324, %roll3A_1320 : vector<8x128xi1>, vector<8x128xi32>
      %select_n3A_1326 = arith.select %gt3A_1321, %select_n3A_1316, %select_n3A_1325 : vector<8x128xi1>, vector<8x128xi32>
      %roll3A_1327 = arith.constant 7 : i32
      %roll3A_1328 = tpu.dynamic_rotate %max3A_1323 by %roll3A_1327 dim 0 : vector<8x128xf32>, i32 -> vector<8x128xf32>
      %roll3A_1329 = arith.constant 7 : i32
      %roll3A_1330 = tpu.dynamic_rotate %select_n3A_1326 by %roll3A_1329 dim 0 : vector<8x128xi32>, i32 -> vector<8x128xi32>
      %gt3A_1331 = arith.cmpf ogt, %max3A_1323, %roll3A_1328 : vector<8x128xf32>
      %eq3A_1332 = arith.cmpf oeq, %max3A_1323, %roll3A_1328 : vector<8x128xf32>
      %min3A_1333 = arith.minsi %select_n3A_1326, %roll3A_1330 : vector<8x128xi32>
      %select_n3A_1334 = arith.select %eq3A_1332, %min3A_1333, %roll3A_1330 : vector<8x128xi1>, vector<8x128xi32>
      %select_n3A_1335 = arith.select %gt3A_1331, %select_n3A_1326, %select_n3A_1334 : vector<8x128xi1>, vector<8x128xi32>
      %slice3A_1336 = vector.extract_strided_slice %select_n3A_1335 {offsets = [0, 0], sizes = [1, 1], strides = [1, 1]} : vector<8x128xi32> to vector<1x1xi32>
      %swap3A_1337 = arith.constant 3 : index
      %swap3A_1338 = arith.index_cast %add3A_805 : i32 to index
      %swap3A_1339 = arith.constant 0 : index
      %swap3A_1340 = vector.load %arg1[%swap3A_1337, %swap3A_1338, %swap3A_1339] : memref<4x1024x8xi32, #tpu.memory_space<vmem>>, vector<1x1x1xi32>
      %swap3A_1341 = vector.shape_cast %swap3A_1340 : vector<1x1x1xi32> to vector<1x1xi32>
      %swap3A_1342 = vector.shape_cast %slice3A_801 : vector<1x1xi32> to vector<1x1x1xi32>
      tpu.vector_store %arg1[%swap3A_1337, %swap3A_1338, %swap3A_1339], %swap3A_1342 {strides = array<i32>} : memref<4x1024x8xi32, #tpu.memory_space<vmem>>, vector<1x1x1xi32>,
      %eq3A_1343 = vector.broadcast %slice3A_801 : vector<1x1xi32> to vector<8x1024xi32>
      %eq3A_1344 = arith.cmpi eq, %add3A, %eq3A_1343 : vector<8x1024xi32>
      %jit3A_1345 = arith.constant 0.000000e+00 : f32
      %broadcast_in_dim3A_1346 = vector.broadcast %jit3A_1345 : f32 to vector<8x1024xf32>
      %select_n3A_1347 = arith.select %eq3A_1344, %get3A_58, %broadcast_in_dim3A_1346 : vector<8x1024xi1>, vector<8x1024xf32>
      %reduce_sum3A_1348 = vector.shape_cast %select_n3A_1347 : vector<8x1024xf32> to vector<1x8x1024xf32>
      %reduce_sum3A_1349 = arith.constant dense<0.000000e+00> : vector<1xf32>
      %reduce_sum3A_1350 = vector.multi_reduction <add>, %reduce_sum3A_1348, %reduce_sum3A_1349 [1, 2] : vector<1x8x1024xf32> to vector<1xf32>
      %reduce_sum3A_1351 = vector.shape_cast %reduce_sum3A_1350 : vector<1xf32> to vector<1x1x1xf32>
      %reduce_sum3A_1352 = vector.extract %reduce_sum3A_1351[0, 0, 0] : f32 from vector<1x1x1xf32>
      %broadcast_in_dim3A_1353 = vector.broadcast %reduce_sum3A_1352 : f32 to vector<1x1xf32>
      %jit3A_1354 = arith.constant 0.000000e+00 : f32
      %broadcast_in_dim3A_1355 = vector.broadcast %jit3A_1354 : f32 to vector<8x1024xf32>
      %select_n3A_1356 = arith.select %eq3A_1344, %get3A_64, %broadcast_in_dim3A_1355 : vector<8x1024xi1>, vector<8x1024xf32>
      %reduce_sum3A_1357 = vector.shape_cast %select_n3A_1356 : vector<8x1024xf32> to vector<1x8x1024xf32>
      %reduce_sum3A_1358 = arith.constant dense<0.000000e+00> : vector<1xf32>
      %reduce_sum3A_1359 = vector.multi_reduction <add>, %reduce_sum3A_1357, %reduce_sum3A_1358 [1, 2] : vector<1x8x1024xf32> to vector<1xf32>
      %reduce_sum3A_1360 = vector.shape_cast %reduce_sum3A_1359 : vector<1xf32> to vector<1x1x1xf32>
      %reduce_sum3A_1361 = vector.extract %reduce_sum3A_1360[0, 0, 0] : f32 from vector<1x1x1xf32>
      %broadcast_in_dim3A_1362 = vector.broadcast %reduce_sum3A_1361 : f32 to vector<1x1xf32>
      %jit3A_1363 = arith.constant 0.000000e+00 : f32
      %broadcast_in_dim3A_1364 = vector.broadcast %jit3A_1363 : f32 to vector<8x1024xf32>
      %select_n3A_1365 = arith.select %eq3A_1344, %get3A_70, %broadcast_in_dim3A_1364 : vector<8x1024xi1>, vector<8x1024xf32>
      %reduce_sum3A_1366 = vector.shape_cast %select_n3A_1365 : vector<8x1024xf32> to vector<1x8x1024xf32>
      %reduce_sum3A_1367 = arith.constant dense<0.000000e+00> : vector<1xf32>
      %reduce_sum3A_1368 = vector.multi_reduction <add>, %reduce_sum3A_1366, %reduce_sum3A_1367 [1, 2] : vector<1x8x1024xf32> to vector<1xf32>
      %reduce_sum3A_1369 = vector.shape_cast %reduce_sum3A_1368 : vector<1xf32> to vector<1x1x1xf32>
      %reduce_sum3A_1370 = vector.extract %reduce_sum3A_1369[0, 0, 0] : f32 from vector<1x1x1xf32>
      %broadcast_in_dim3A_1371 = vector.broadcast %reduce_sum3A_1370 : f32 to vector<1x1xf32>
      %sub3A_1372 = vector.broadcast %broadcast_in_dim3A_1353 : vector<1x1xf32> to vector<8x1024xf32>
      %sub3A_1373 = arith.subf %get3A_58, %sub3A_1372 : vector<8x1024xf32>
      %sub3A_1374 = vector.broadcast %broadcast_in_dim3A_1362 : vector<1x1xf32> to vector<8x1024xf32>
      %sub3A_1375 = arith.subf %get3A_64, %sub3A_1374 : vector<8x1024xf32>
      %sub3A_1376 = vector.broadcast %broadcast_in_dim3A_1371 : vector<1x1xf32> to vector<8x1024xf32>
      %sub3A_1377 = arith.subf %get3A_70, %sub3A_1376 : vector<8x1024xf32>
      %mul3A_1378 = arith.mulf %sub3A_1373, %sub3A_1373 : vector<8x1024xf32>
      %mul3A_1379 = arith.mulf %sub3A_1377, %sub3A_1377 : vector<8x1024xf32>
      %add3A_1380 = arith.addf %mul3A_1378, %mul3A_1379 : vector<8x1024xf32>
      %mul3A_1381 = arith.mulf %sub3A_1375, %sub3A_1375 : vector<8x1024xf32>
      %add3A_1382 = arith.addf %add3A_1380, %mul3A_1381 : vector<8x1024xf32>
      %min3A_1383 = arith.minimumf %min3A_671, %add3A_1382 : vector<8x1024xf32>
      %slice3A_1384 = vector.extract_strided_slice %min3A_1383 {offsets = [0, 0], sizes = [8, 512], strides = [1, 1]} : vector<8x1024xf32> to vector<8x512xf32>
      %slice3A_1385 = vector.extract_strided_slice %add3A {offsets = [0, 0], sizes = [8, 512], strides = [1, 1]} : vector<8x1024xi32> to vector<8x512xi32>
      %slice3A_1386 = vector.extract_strided_slice %min3A_1383 {offsets = [0, 512], sizes = [8, 512], strides = [1, 1]} : vector<8x1024xf32> to vector<8x512xf32>
      %slice3A_1387 = vector.extract_strided_slice %add3A {offsets = [0, 512], sizes = [8, 512], strides = [1, 1]} : vector<8x1024xi32> to vector<8x512xi32>
      %gt3A_1388 = arith.cmpf ogt, %slice3A_1384, %slice3A_1386 : vector<8x512xf32>
      %eq3A_1389 = arith.cmpf oeq, %slice3A_1384, %slice3A_1386 : vector<8x512xf32>
      %max3A_1390 = arith.maximumf %slice3A_1384, %slice3A_1386 : vector<8x512xf32>
      %min3A_1391 = arith.minsi %slice3A_1385, %slice3A_1387 : vector<8x512xi32>
      %select_n3A_1392 = arith.select %eq3A_1389, %min3A_1391, %slice3A_1387 : vector<8x512xi1>, vector<8x512xi32>
      %select_n3A_1393 = arith.select %gt3A_1388, %slice3A_1385, %select_n3A_1392 : vector<8x512xi1>, vector<8x512xi32>
      %slice3A_1394 = vector.extract_strided_slice %max3A_1390 {offsets = [0, 0], sizes = [8, 256], strides = [1, 1]} : vector<8x512xf32> to vector<8x256xf32>
      %slice3A_1395 = vector.extract_strided_slice %select_n3A_1393 {offsets = [0, 0], sizes = [8, 256], strides = [1, 1]} : vector<8x512xi32> to vector<8x256xi32>
      %slice3A_1396 = vector.extract_strided_slice %max3A_1390 {offsets = [0, 256], sizes = [8, 256], strides = [1, 1]} : vector<8x512xf32> to vector<8x256xf32>
      %slice3A_1397 = vector.extract_strided_slice %select_n3A_1393 {offsets = [0, 256], sizes = [8, 256], strides = [1, 1]} : vector<8x512xi32> to vector<8x256xi32>
      %gt3A_1398 = arith.cmpf ogt, %slice3A_1394, %slice3A_1396 : vector<8x256xf32>
      %eq3A_1399 = arith.cmpf oeq, %slice3A_1394, %slice3A_1396 : vector<8x256xf32>
      %max3A_1400 = arith.maximumf %slice3A_1394, %slice3A_1396 : vector<8x256xf32>
      %min3A_1401 = arith.minsi %slice3A_1395, %slice3A_1397 : vector<8x256xi32>
      %select_n3A_1402 = arith.select %eq3A_1399, %min3A_1401, %slice3A_1397 : vector<8x256xi1>, vector<8x256xi32>
      %select_n3A_1403 = arith.select %gt3A_1398, %slice3A_1395, %select_n3A_1402 : vector<8x256xi1>, vector<8x256xi32>
      %slice3A_1404 = vector.extract_strided_slice %max3A_1400 {offsets = [0, 0], sizes = [8, 128], strides = [1, 1]} : vector<8x256xf32> to vector<8x128xf32>
      %slice3A_1405 = vector.extract_strided_slice %select_n3A_1403 {offsets = [0, 0], sizes = [8, 128], strides = [1, 1]} : vector<8x256xi32> to vector<8x128xi32>
      %slice3A_1406 = vector.extract_strided_slice %max3A_1400 {offsets = [0, 128], sizes = [8, 128], strides = [1, 1]} : vector<8x256xf32> to vector<8x128xf32>
      %slice3A_1407 = vector.extract_strided_slice %select_n3A_1403 {offsets = [0, 128], sizes = [8, 128], strides = [1, 1]} : vector<8x256xi32> to vector<8x128xi32>
      %gt3A_1408 = arith.cmpf ogt, %slice3A_1404, %slice3A_1406 : vector<8x128xf32>
      %eq3A_1409 = arith.cmpf oeq, %slice3A_1404, %slice3A_1406 : vector<8x128xf32>
      %max3A_1410 = arith.maximumf %slice3A_1404, %slice3A_1406 : vector<8x128xf32>
      %min3A_1411 = arith.minsi %slice3A_1405, %slice3A_1407 : vector<8x128xi32>
      %select_n3A_1412 = arith.select %eq3A_1409, %min3A_1411, %slice3A_1407 : vector<8x128xi1>, vector<8x128xi32>
      %select_n3A_1413 = arith.select %gt3A_1408, %slice3A_1405, %select_n3A_1412 : vector<8x128xi1>, vector<8x128xi32>
      %roll3A_1414 = arith.constant 64 : i32
      %roll3A_1415 = tpu.dynamic_rotate %max3A_1410 by %roll3A_1414 dim 1 : vector<8x128xf32>, i32 -> vector<8x128xf32>
      %roll3A_1416 = arith.constant 64 : i32
      %roll3A_1417 = tpu.dynamic_rotate %select_n3A_1413 by %roll3A_1416 dim 1 : vector<8x128xi32>, i32 -> vector<8x128xi32>
      %gt3A_1418 = arith.cmpf ogt, %max3A_1410, %roll3A_1415 : vector<8x128xf32>
      %eq3A_1419 = arith.cmpf oeq, %max3A_1410, %roll3A_1415 : vector<8x128xf32>
      %max3A_1420 = arith.maximumf %max3A_1410, %roll3A_1415 : vector<8x128xf32>
      %min3A_1421 = arith.minsi %select_n3A_1413, %roll3A_1417 : vector<8x128xi32>
      %select_n3A_1422 = arith.select %eq3A_1419, %min3A_1421, %roll3A_1417 : vector<8x128xi1>, vector<8x128xi32>
      %select_n3A_1423 = arith.select %gt3A_1418, %select_n3A_1413, %select_n3A_1422 : vector<8x128xi1>, vector<8x128xi32>
      %roll3A_1424 = arith.constant 96 : i32
      %roll3A_1425 = tpu.dynamic_rotate %max3A_1420 by %roll3A_1424 dim 1 : vector<8x128xf32>, i32 -> vector<8x128xf32>
      %roll3A_1426 = arith.constant 96 : i32
      %roll3A_1427 = tpu.dynamic_rotate %select_n3A_1423 by %roll3A_1426 dim 1 : vector<8x128xi32>, i32 -> vector<8x128xi32>
      %gt3A_1428 = arith.cmpf ogt, %max3A_1420, %roll3A_1425 : vector<8x128xf32>
      %eq3A_1429 = arith.cmpf oeq, %max3A_1420, %roll3A_1425 : vector<8x128xf32>
      %max3A_1430 = arith.maximumf %max3A_1420, %roll3A_1425 : vector<8x128xf32>
      %min3A_1431 = arith.minsi %select_n3A_1423, %roll3A_1427 : vector<8x128xi32>
      %select_n3A_1432 = arith.select %eq3A_1429, %min3A_1431, %roll3A_1427 : vector<8x128xi1>, vector<8x128xi32>
      %select_n3A_1433 = arith.select %gt3A_1428, %select_n3A_1423, %select_n3A_1432 : vector<8x128xi1>, vector<8x128xi32>
      %roll3A_1434 = arith.constant 112 : i32
      %roll3A_1435 = tpu.dynamic_rotate %max3A_1430 by %roll3A_1434 dim 1 : vector<8x128xf32>, i32 -> vector<8x128xf32>
      %roll3A_1436 = arith.constant 112 : i32
      %roll3A_1437 = tpu.dynamic_rotate %select_n3A_1433 by %roll3A_1436 dim 1 : vector<8x128xi32>, i32 -> vector<8x128xi32>
      %gt3A_1438 = arith.cmpf ogt, %max3A_1430, %roll3A_1435 : vector<8x128xf32>
      %eq3A_1439 = arith.cmpf oeq, %max3A_1430, %roll3A_1435 : vector<8x128xf32>
      %max3A_1440 = arith.maximumf %max3A_1430, %roll3A_1435 : vector<8x128xf32>
      %min3A_1441 = arith.minsi %select_n3A_1433, %roll3A_1437 : vector<8x128xi32>
      %select_n3A_1442 = arith.select %eq3A_1439, %min3A_1441, %roll3A_1437 : vector<8x128xi1>, vector<8x128xi32>
      %select_n3A_1443 = arith.select %gt3A_1438, %select_n3A_1433, %select_n3A_1442 : vector<8x128xi1>, vector<8x128xi32>
      %roll3A_1444 = arith.constant 120 : i32
      %roll3A_1445 = tpu.dynamic_rotate %max3A_1440 by %roll3A_1444 dim 1 : vector<8x128xf32>, i32 -> vector<8x128xf32>
      %roll3A_1446 = arith.constant 120 : i32
      %roll3A_1447 = tpu.dynamic_rotate %select_n3A_1443 by %roll3A_1446 dim 1 : vector<8x128xi32>, i32 -> vector<8x128xi32>
      %gt3A_1448 = arith.cmpf ogt, %max3A_1440, %roll3A_1445 : vector<8x128xf32>
      %eq3A_1449 = arith.cmpf oeq, %max3A_1440, %roll3A_1445 : vector<8x128xf32>
      %max3A_1450 = arith.maximumf %max3A_1440, %roll3A_1445 : vector<8x128xf32>
      %min3A_1451 = arith.minsi %select_n3A_1443, %roll3A_1447 : vector<8x128xi32>
      %select_n3A_1452 = arith.select %eq3A_1449, %min3A_1451, %roll3A_1447 : vector<8x128xi1>, vector<8x128xi32>
      %select_n3A_1453 = arith.select %gt3A_1448, %select_n3A_1443, %select_n3A_1452 : vector<8x128xi1>, vector<8x128xi32>
      %roll3A_1454 = arith.constant 124 : i32
      %roll3A_1455 = tpu.dynamic_rotate %max3A_1450 by %roll3A_1454 dim 1 : vector<8x128xf32>, i32 -> vector<8x128xf32>
      %roll3A_1456 = arith.constant 124 : i32
      %roll3A_1457 = tpu.dynamic_rotate %select_n3A_1453 by %roll3A_1456 dim 1 : vector<8x128xi32>, i32 -> vector<8x128xi32>
      %gt3A_1458 = arith.cmpf ogt, %max3A_1450, %roll3A_1455 : vector<8x128xf32>
      %eq3A_1459 = arith.cmpf oeq, %max3A_1450, %roll3A_1455 : vector<8x128xf32>
      %max3A_1460 = arith.maximumf %max3A_1450, %roll3A_1455 : vector<8x128xf32>
      %min3A_1461 = arith.minsi %select_n3A_1453, %roll3A_1457 : vector<8x128xi32>
      %select_n3A_1462 = arith.select %eq3A_1459, %min3A_1461, %roll3A_1457 : vector<8x128xi1>, vector<8x128xi32>
      %select_n3A_1463 = arith.select %gt3A_1458, %select_n3A_1453, %select_n3A_1462 : vector<8x128xi1>, vector<8x128xi32>
      %roll3A_1464 = arith.constant 126 : i32
      %roll3A_1465 = tpu.dynamic_rotate %max3A_1460 by %roll3A_1464 dim 1 : vector<8x128xf32>, i32 -> vector<8x128xf32>
      %roll3A_1466 = arith.constant 126 : i32
      %roll3A_1467 = tpu.dynamic_rotate %select_n3A_1463 by %roll3A_1466 dim 1 : vector<8x128xi32>, i32 -> vector<8x128xi32>
      %gt3A_1468 = arith.cmpf ogt, %max3A_1460, %roll3A_1465 : vector<8x128xf32>
      %eq3A_1469 = arith.cmpf oeq, %max3A_1460, %roll3A_1465 : vector<8x128xf32>
      %max3A_1470 = arith.maximumf %max3A_1460, %roll3A_1465 : vector<8x128xf32>
      %min3A_1471 = arith.minsi %select_n3A_1463, %roll3A_1467 : vector<8x128xi32>
      %select_n3A_1472 = arith.select %eq3A_1469, %min3A_1471, %roll3A_1467 : vector<8x128xi1>, vector<8x128xi32>
      %select_n3A_1473 = arith.select %gt3A_1468, %select_n3A_1463, %select_n3A_1472 : vector<8x128xi1>, vector<8x128xi32>
      %roll3A_1474 = arith.constant 127 : i32
      %roll3A_1475 = tpu.dynamic_rotate %max3A_1470 by %roll3A_1474 dim 1 : vector<8x128xf32>, i32 -> vector<8x128xf32>
      %roll3A_1476 = arith.constant 127 : i32
      %roll3A_1477 = tpu.dynamic_rotate %select_n3A_1473 by %roll3A_1476 dim 1 : vector<8x128xi32>, i32 -> vector<8x128xi32>
      %gt3A_1478 = arith.cmpf ogt, %max3A_1470, %roll3A_1475 : vector<8x128xf32>
      %eq3A_1479 = arith.cmpf oeq, %max3A_1470, %roll3A_1475 : vector<8x128xf32>
      %max3A_1480 = arith.maximumf %max3A_1470, %roll3A_1475 : vector<8x128xf32>
      %min3A_1481 = arith.minsi %select_n3A_1473, %roll3A_1477 : vector<8x128xi32>
      %select_n3A_1482 = arith.select %eq3A_1479, %min3A_1481, %roll3A_1477 : vector<8x128xi1>, vector<8x128xi32>
      %select_n3A_1483 = arith.select %gt3A_1478, %select_n3A_1473, %select_n3A_1482 : vector<8x128xi1>, vector<8x128xi32>
      %roll3A_1484 = arith.constant 4 : i32
      %roll3A_1485 = tpu.dynamic_rotate %max3A_1480 by %roll3A_1484 dim 0 : vector<8x128xf32>, i32 -> vector<8x128xf32>
      %roll3A_1486 = arith.constant 4 : i32
      %roll3A_1487 = tpu.dynamic_rotate %select_n3A_1483 by %roll3A_1486 dim 0 : vector<8x128xi32>, i32 -> vector<8x128xi32>
      %gt3A_1488 = arith.cmpf ogt, %max3A_1480, %roll3A_1485 : vector<8x128xf32>
      %eq3A_1489 = arith.cmpf oeq, %max3A_1480, %roll3A_1485 : vector<8x128xf32>
      %max3A_1490 = arith.maximumf %max3A_1480, %roll3A_1485 : vector<8x128xf32>
      %min3A_1491 = arith.minsi %select_n3A_1483, %roll3A_1487 : vector<8x128xi32>
      %select_n3A_1492 = arith.select %eq3A_1489, %min3A_1491, %roll3A_1487 : vector<8x128xi1>, vector<8x128xi32>
      %select_n3A_1493 = arith.select %gt3A_1488, %select_n3A_1483, %select_n3A_1492 : vector<8x128xi1>, vector<8x128xi32>
      %roll3A_1494 = arith.constant 6 : i32
      %roll3A_1495 = tpu.dynamic_rotate %max3A_1490 by %roll3A_1494 dim 0 : vector<8x128xf32>, i32 -> vector<8x128xf32>
      %roll3A_1496 = arith.constant 6 : i32
      %roll3A_1497 = tpu.dynamic_rotate %select_n3A_1493 by %roll3A_1496 dim 0 : vector<8x128xi32>, i32 -> vector<8x128xi32>
      %gt3A_1498 = arith.cmpf ogt, %max3A_1490, %roll3A_1495 : vector<8x128xf32>
      %eq3A_1499 = arith.cmpf oeq, %max3A_1490, %roll3A_1495 : vector<8x128xf32>
      %max3A_1500 = arith.maximumf %max3A_1490, %roll3A_1495 : vector<8x128xf32>
      %min3A_1501 = arith.minsi %select_n3A_1493, %roll3A_1497 : vector<8x128xi32>
      %select_n3A_1502 = arith.select %eq3A_1499, %min3A_1501, %roll3A_1497 : vector<8x128xi1>, vector<8x128xi32>
      %select_n3A_1503 = arith.select %gt3A_1498, %select_n3A_1493, %select_n3A_1502 : vector<8x128xi1>, vector<8x128xi32>
      %roll3A_1504 = arith.constant 7 : i32
      %roll3A_1505 = tpu.dynamic_rotate %max3A_1500 by %roll3A_1504 dim 0 : vector<8x128xf32>, i32 -> vector<8x128xf32>
      %roll3A_1506 = arith.constant 7 : i32
      %roll3A_1507 = tpu.dynamic_rotate %select_n3A_1503 by %roll3A_1506 dim 0 : vector<8x128xi32>, i32 -> vector<8x128xi32>
      %gt3A_1508 = arith.cmpf ogt, %max3A_1500, %roll3A_1505 : vector<8x128xf32>
      %eq3A_1509 = arith.cmpf oeq, %max3A_1500, %roll3A_1505 : vector<8x128xf32>
      %min3A_1510 = arith.minsi %select_n3A_1503, %roll3A_1507 : vector<8x128xi32>
      %select_n3A_1511 = arith.select %eq3A_1509, %min3A_1510, %roll3A_1507 : vector<8x128xi1>, vector<8x128xi32>
      %select_n3A_1512 = arith.select %gt3A_1508, %select_n3A_1503, %select_n3A_1511 : vector<8x128xi1>, vector<8x128xi32>
      %slice3A_1513 = vector.extract_strided_slice %select_n3A_1512 {offsets = [0, 0], sizes = [1, 1], strides = [1, 1]} : vector<8x128xi32> to vector<1x1xi32>
      scf.yield %min3A_852, %min3A_1029, %min3A_1206, %min3A_1383, %slice3A_982, %slice3A_1159, %slice3A_1336, %slice3A_1513 : vector<8x1024xf32>, vector<8x1024xf32>, vector<8x1024xf32>, vector<8x1024xf32>, vector<1x1xi32>, vector<1x1xi32>, vector<1x1xi32>, vector<1x1xi32>
    }
    %scan3A_93 = arith.constant 512 : i32
    return
  }
}

module attributes {stable_mosaic.version = 14 : i64} {
  func.func @_knn_body(%arg0: i32, %arg1: i32, %arg2: memref<1x128x8xf32, #tpu.memory_space<vmem>>, %arg3: memref<1x8x8192xf32, #tpu.memory_space<vmem>>, %arg4: memref<1x128x32xi32, #tpu.memory_space<vmem>>) attributes {dimension_semantics = [#tpu.dimension_semantics<arbitrary>, #tpu.dimension_semantics<arbitrary>], iteration_bounds = array<i64: 4, 8>, scalar_prefetch = 0 : i64, scratch_operands = 0 : i64, tpu.core_type = #tpu.core_type<tc>, window_params = [{transform_indices = @transform_0, window_bounds = array<i64: 1, 128, 8>}, {transform_indices = @transform_1, window_bounds = array<i64: 1, 8, 8192>}, {transform_indices = @transform_2, window_bounds = array<i64: 1, 128, 32>}]} {
    %get3A = arith.constant 0 : index
    %get3A_0 = arith.constant 0 : index
    %get3A_1 = arith.constant 0 : index
    %get3A_2 = vector.load %arg2[%get3A, %get3A_0, %get3A_1] : memref<1x128x8xf32, #tpu.memory_space<vmem>>, vector<1x128x8xf32>
    %get3A_3 = vector.shape_cast %get3A_2 : vector<1x128x8xf32> to vector<128x8xf32>
    %get3A_4 = arith.constant 0 : index
    %get3A_5 = arith.constant 0 : index
    %get3A_6 = arith.constant 0 : index
    %get3A_7 = vector.load %arg3[%get3A_4, %get3A_5, %get3A_6] : memref<1x8x8192xf32, #tpu.memory_space<vmem>>, vector<1x8x8192xf32>
    %get3A_8 = vector.shape_cast %get3A_7 : vector<1x8x8192xf32> to vector<8x8192xf32>
    %dot_general3A = arith.constant dense<0.000000e+00> : vector<128x8192xf32>
    %dot_general3A_9 = tpu.matmul %get3A_3, %get3A_8, %dot_general3A {dimension_numbers = #tpu.dot_dimension_numbers<[1], [0], [0], [1], [0, 0, 1, 1], [], []>, transpose_lhs_hint = false} : vector<128x8xf32>, vector<8x8192xf32>, vector<128x8192xf32> -> vector<128x8192xf32>
    %mul3A = arith.mulf %get3A_3, %get3A_3 : vector<128x8xf32>
    %reduce_sum3A = arith.constant dense<0.000000e+00> : vector<128xf32>
    %reduce_sum3A_10 = vector.multi_reduction <add>, %mul3A, %reduce_sum3A [1] : vector<128x8xf32> to vector<128xf32>
    %broadcast_in_dim3A = vector.shape_cast %reduce_sum3A_10 : vector<128xf32> to vector<128x1xf32>
    %mul3A_11 = arith.mulf %get3A_8, %get3A_8 : vector<8x8192xf32>
    %reduce_sum3A_12 = arith.constant dense<0.000000e+00> : vector<8192xf32>
    %reduce_sum3A_13 = vector.multi_reduction <add>, %mul3A_11, %reduce_sum3A_12 [0] : vector<8x8192xf32> to vector<8192xf32>
    %broadcast_in_dim3A_14 = vector.shape_cast %reduce_sum3A_13 : vector<8192xf32> to vector<1x8192xf32>
    %mul3A_15 = arith.constant 2.000000e+00 : f32
    %mul3A_16 = vector.broadcast %mul3A_15 : f32 to vector<128x8192xf32>
    %mul3A_17 = arith.mulf %mul3A_16, %dot_general3A_9 : vector<128x8192xf32>
    %sub3A = vector.broadcast %broadcast_in_dim3A : vector<128x1xf32> to vector<128x8192xf32>
    %sub3A_18 = arith.subf %mul3A_17, %sub3A : vector<128x8192xf32>
    %sub3A_19 = vector.broadcast %broadcast_in_dim3A_14 : vector<1x8192xf32> to vector<128x8192xf32>
    %sub3A_20 = arith.subf %sub3A_18, %sub3A_19 : vector<128x8192xf32>
    %iota3A = tpu.iota {dimensions = array<i32: 1>} : vector<128x8192xi32>
    %reduce_max3A = arith.constant dense<0xFF800000> : vector<128xf32>
    %reduce_max3A_21 = vector.multi_reduction <maximumf>, %sub3A_20, %reduce_max3A [1] : vector<128x8192xf32> to vector<128xf32>
    %broadcast_in_dim3A_22 = vector.shape_cast %reduce_max3A_21 : vector<128xf32> to vector<128x1xf32>
    %eq3A = vector.broadcast %broadcast_in_dim3A_22 : vector<128x1xf32> to vector<128x8192xf32>
    %eq3A_23 = arith.cmpf oeq, %sub3A_20, %eq3A : vector<128x8192xf32>
    %jit3A = arith.constant 8192 : i32
    %broadcast_in_dim3A_24 = vector.broadcast %jit3A : i32 to vector<128x8192xi32>
    %select_n3A = arith.select %eq3A_23, %iota3A, %broadcast_in_dim3A_24 : vector<128x8192xi1>, vector<128x8192xi32>
    %reduce_min3A = arith.constant dense<2147483647> : vector<128xi32>
    %reduce_min3A_25 = vector.multi_reduction <minsi>, %select_n3A, %reduce_min3A [1] : vector<128x8192xi32> to vector<128xi32>
    %broadcast_in_dim3A_26 = vector.shape_cast %reduce_min3A_25 : vector<128xi32> to vector<128x1xi32>
    %jit3A_27 = arith.constant 0xFF800000 : f32
    %broadcast_in_dim3A_28 = vector.broadcast %jit3A_27 : f32 to vector<128x8192xf32>
    %select_n3A_29 = arith.select %eq3A_23, %broadcast_in_dim3A_28, %sub3A_20 : vector<128x8192xi1>, vector<128x8192xf32>
    %reduce_max3A_30 = arith.constant dense<0xFF800000> : vector<128xf32>
    %reduce_max3A_31 = vector.multi_reduction <maximumf>, %select_n3A_29, %reduce_max3A_30 [1] : vector<128x8192xf32> to vector<128xf32>
    %broadcast_in_dim3A_32 = vector.shape_cast %reduce_max3A_31 : vector<128xf32> to vector<128x1xf32>
    %eq3A_33 = vector.broadcast %broadcast_in_dim3A_32 : vector<128x1xf32> to vector<128x8192xf32>
    %eq3A_34 = arith.cmpf oeq, %select_n3A_29, %eq3A_33 : vector<128x8192xf32>
    %jit3A_35 = arith.constant 8192 : i32
    %broadcast_in_dim3A_36 = vector.broadcast %jit3A_35 : i32 to vector<128x8192xi32>
    %select_n3A_37 = arith.select %eq3A_34, %iota3A, %broadcast_in_dim3A_36 : vector<128x8192xi1>, vector<128x8192xi32>
    %reduce_min3A_38 = arith.constant dense<2147483647> : vector<128xi32>
    %reduce_min3A_39 = vector.multi_reduction <minsi>, %select_n3A_37, %reduce_min3A_38 [1] : vector<128x8192xi32> to vector<128xi32>
    %broadcast_in_dim3A_40 = vector.shape_cast %reduce_min3A_39 : vector<128xi32> to vector<128x1xi32>
    %jit3A_41 = arith.constant 0xFF800000 : f32
    %broadcast_in_dim3A_42 = vector.broadcast %jit3A_41 : f32 to vector<128x8192xf32>
    %select_n3A_43 = arith.select %eq3A_34, %broadcast_in_dim3A_42, %select_n3A_29 : vector<128x8192xi1>, vector<128x8192xf32>
    %reduce_max3A_44 = arith.constant dense<0xFF800000> : vector<128xf32>
    %reduce_max3A_45 = vector.multi_reduction <maximumf>, %select_n3A_43, %reduce_max3A_44 [1] : vector<128x8192xf32> to vector<128xf32>
    %broadcast_in_dim3A_46 = vector.shape_cast %reduce_max3A_45 : vector<128xf32> to vector<128x1xf32>
    %eq3A_47 = vector.broadcast %broadcast_in_dim3A_46 : vector<128x1xf32> to vector<128x8192xf32>
    %eq3A_48 = arith.cmpf oeq, %select_n3A_43, %eq3A_47 : vector<128x8192xf32>
    %jit3A_49 = arith.constant 8192 : i32
    %broadcast_in_dim3A_50 = vector.broadcast %jit3A_49 : i32 to vector<128x8192xi32>
    %select_n3A_51 = arith.select %eq3A_48, %iota3A, %broadcast_in_dim3A_50 : vector<128x8192xi1>, vector<128x8192xi32>
    %reduce_min3A_52 = arith.constant dense<2147483647> : vector<128xi32>
    %reduce_min3A_53 = vector.multi_reduction <minsi>, %select_n3A_51, %reduce_min3A_52 [1] : vector<128x8192xi32> to vector<128xi32>
    %broadcast_in_dim3A_54 = vector.shape_cast %reduce_min3A_53 : vector<128xi32> to vector<128x1xi32>
    %jit3A_55 = arith.constant 0xFF800000 : f32
    %broadcast_in_dim3A_56 = vector.broadcast %jit3A_55 : f32 to vector<128x8192xf32>
    %select_n3A_57 = arith.select %eq3A_48, %broadcast_in_dim3A_56, %select_n3A_43 : vector<128x8192xi1>, vector<128x8192xf32>
    %reduce_max3A_58 = arith.constant dense<0xFF800000> : vector<128xf32>
    %reduce_max3A_59 = vector.multi_reduction <maximumf>, %select_n3A_57, %reduce_max3A_58 [1] : vector<128x8192xf32> to vector<128xf32>
    %broadcast_in_dim3A_60 = vector.shape_cast %reduce_max3A_59 : vector<128xf32> to vector<128x1xf32>
    %eq3A_61 = vector.broadcast %broadcast_in_dim3A_60 : vector<128x1xf32> to vector<128x8192xf32>
    %eq3A_62 = arith.cmpf oeq, %select_n3A_57, %eq3A_61 : vector<128x8192xf32>
    %jit3A_63 = arith.constant 8192 : i32
    %broadcast_in_dim3A_64 = vector.broadcast %jit3A_63 : i32 to vector<128x8192xi32>
    %select_n3A_65 = arith.select %eq3A_62, %iota3A, %broadcast_in_dim3A_64 : vector<128x8192xi1>, vector<128x8192xi32>
    %reduce_min3A_66 = arith.constant dense<2147483647> : vector<128xi32>
    %reduce_min3A_67 = vector.multi_reduction <minsi>, %select_n3A_65, %reduce_min3A_66 [1] : vector<128x8192xi32> to vector<128xi32>
    %broadcast_in_dim3A_68 = vector.shape_cast %reduce_min3A_67 : vector<128xi32> to vector<128x1xi32>
    %jit3A_69 = arith.constant 0xFF800000 : f32
    %broadcast_in_dim3A_70 = vector.broadcast %jit3A_69 : f32 to vector<128x8192xf32>
    %select_n3A_71 = arith.select %eq3A_62, %broadcast_in_dim3A_70, %select_n3A_57 : vector<128x8192xi1>, vector<128x8192xf32>
    %reduce_max3A_72 = arith.constant dense<0xFF800000> : vector<128xf32>
    %reduce_max3A_73 = vector.multi_reduction <maximumf>, %select_n3A_71, %reduce_max3A_72 [1] : vector<128x8192xf32> to vector<128xf32>
    %broadcast_in_dim3A_74 = vector.shape_cast %reduce_max3A_73 : vector<128xf32> to vector<128x1xf32>
    %eq3A_75 = vector.broadcast %broadcast_in_dim3A_74 : vector<128x1xf32> to vector<128x8192xf32>
    %eq3A_76 = arith.cmpf oeq, %select_n3A_71, %eq3A_75 : vector<128x8192xf32>
    %jit3A_77 = arith.constant 8192 : i32
    %broadcast_in_dim3A_78 = vector.broadcast %jit3A_77 : i32 to vector<128x8192xi32>
    %select_n3A_79 = arith.select %eq3A_76, %iota3A, %broadcast_in_dim3A_78 : vector<128x8192xi1>, vector<128x8192xi32>
    %reduce_min3A_80 = arith.constant dense<2147483647> : vector<128xi32>
    %reduce_min3A_81 = vector.multi_reduction <minsi>, %select_n3A_79, %reduce_min3A_80 [1] : vector<128x8192xi32> to vector<128xi32>
    %broadcast_in_dim3A_82 = vector.shape_cast %reduce_min3A_81 : vector<128xi32> to vector<128x1xi32>
    %jit3A_83 = arith.constant 0xFF800000 : f32
    %broadcast_in_dim3A_84 = vector.broadcast %jit3A_83 : f32 to vector<128x8192xf32>
    %select_n3A_85 = arith.select %eq3A_76, %broadcast_in_dim3A_84, %select_n3A_71 : vector<128x8192xi1>, vector<128x8192xf32>
    %reduce_max3A_86 = arith.constant dense<0xFF800000> : vector<128xf32>
    %reduce_max3A_87 = vector.multi_reduction <maximumf>, %select_n3A_85, %reduce_max3A_86 [1] : vector<128x8192xf32> to vector<128xf32>
    %broadcast_in_dim3A_88 = vector.shape_cast %reduce_max3A_87 : vector<128xf32> to vector<128x1xf32>
    %eq3A_89 = vector.broadcast %broadcast_in_dim3A_88 : vector<128x1xf32> to vector<128x8192xf32>
    %eq3A_90 = arith.cmpf oeq, %select_n3A_85, %eq3A_89 : vector<128x8192xf32>
    %jit3A_91 = arith.constant 8192 : i32
    %broadcast_in_dim3A_92 = vector.broadcast %jit3A_91 : i32 to vector<128x8192xi32>
    %select_n3A_93 = arith.select %eq3A_90, %iota3A, %broadcast_in_dim3A_92 : vector<128x8192xi1>, vector<128x8192xi32>
    %reduce_min3A_94 = arith.constant dense<2147483647> : vector<128xi32>
    %reduce_min3A_95 = vector.multi_reduction <minsi>, %select_n3A_93, %reduce_min3A_94 [1] : vector<128x8192xi32> to vector<128xi32>
    %broadcast_in_dim3A_96 = vector.shape_cast %reduce_min3A_95 : vector<128xi32> to vector<128x1xi32>
    %jit3A_97 = arith.constant 0xFF800000 : f32
    %broadcast_in_dim3A_98 = vector.broadcast %jit3A_97 : f32 to vector<128x8192xf32>
    %select_n3A_99 = arith.select %eq3A_90, %broadcast_in_dim3A_98, %select_n3A_85 : vector<128x8192xi1>, vector<128x8192xf32>
    %reduce_max3A_100 = arith.constant dense<0xFF800000> : vector<128xf32>
    %reduce_max3A_101 = vector.multi_reduction <maximumf>, %select_n3A_99, %reduce_max3A_100 [1] : vector<128x8192xf32> to vector<128xf32>
    %broadcast_in_dim3A_102 = vector.shape_cast %reduce_max3A_101 : vector<128xf32> to vector<128x1xf32>
    %eq3A_103 = vector.broadcast %broadcast_in_dim3A_102 : vector<128x1xf32> to vector<128x8192xf32>
    %eq3A_104 = arith.cmpf oeq, %select_n3A_99, %eq3A_103 : vector<128x8192xf32>
    %jit3A_105 = arith.constant 8192 : i32
    %broadcast_in_dim3A_106 = vector.broadcast %jit3A_105 : i32 to vector<128x8192xi32>
    %select_n3A_107 = arith.select %eq3A_104, %iota3A, %broadcast_in_dim3A_106 : vector<128x8192xi1>, vector<128x8192xi32>
    %reduce_min3A_108 = arith.constant dense<2147483647> : vector<128xi32>
    %reduce_min3A_109 = vector.multi_reduction <minsi>, %select_n3A_107, %reduce_min3A_108 [1] : vector<128x8192xi32> to vector<128xi32>
    %broadcast_in_dim3A_110 = vector.shape_cast %reduce_min3A_109 : vector<128xi32> to vector<128x1xi32>
    %jit3A_111 = arith.constant 0xFF800000 : f32
    %broadcast_in_dim3A_112 = vector.broadcast %jit3A_111 : f32 to vector<128x8192xf32>
    %select_n3A_113 = arith.select %eq3A_104, %broadcast_in_dim3A_112, %select_n3A_99 : vector<128x8192xi1>, vector<128x8192xf32>
    %reduce_max3A_114 = arith.constant dense<0xFF800000> : vector<128xf32>
    %reduce_max3A_115 = vector.multi_reduction <maximumf>, %select_n3A_113, %reduce_max3A_114 [1] : vector<128x8192xf32> to vector<128xf32>
    %broadcast_in_dim3A_116 = vector.shape_cast %reduce_max3A_115 : vector<128xf32> to vector<128x1xf32>
    %eq3A_117 = vector.broadcast %broadcast_in_dim3A_116 : vector<128x1xf32> to vector<128x8192xf32>
    %eq3A_118 = arith.cmpf oeq, %select_n3A_113, %eq3A_117 : vector<128x8192xf32>
    %jit3A_119 = arith.constant 8192 : i32
    %broadcast_in_dim3A_120 = vector.broadcast %jit3A_119 : i32 to vector<128x8192xi32>
    %select_n3A_121 = arith.select %eq3A_118, %iota3A, %broadcast_in_dim3A_120 : vector<128x8192xi1>, vector<128x8192xi32>
    %reduce_min3A_122 = arith.constant dense<2147483647> : vector<128xi32>
    %reduce_min3A_123 = vector.multi_reduction <minsi>, %select_n3A_121, %reduce_min3A_122 [1] : vector<128x8192xi32> to vector<128xi32>
    %broadcast_in_dim3A_124 = vector.shape_cast %reduce_min3A_123 : vector<128xi32> to vector<128x1xi32>
    %jit3A_125 = arith.constant 0xFF800000 : f32
    %broadcast_in_dim3A_126 = vector.broadcast %jit3A_125 : f32 to vector<128x8192xf32>
    %select_n3A_127 = arith.select %eq3A_118, %broadcast_in_dim3A_126, %select_n3A_113 : vector<128x8192xi1>, vector<128x8192xf32>
    %reduce_max3A_128 = arith.constant dense<0xFF800000> : vector<128xf32>
    %reduce_max3A_129 = vector.multi_reduction <maximumf>, %select_n3A_127, %reduce_max3A_128 [1] : vector<128x8192xf32> to vector<128xf32>
    %broadcast_in_dim3A_130 = vector.shape_cast %reduce_max3A_129 : vector<128xf32> to vector<128x1xf32>
    %eq3A_131 = vector.broadcast %broadcast_in_dim3A_130 : vector<128x1xf32> to vector<128x8192xf32>
    %eq3A_132 = arith.cmpf oeq, %select_n3A_127, %eq3A_131 : vector<128x8192xf32>
    %jit3A_133 = arith.constant 8192 : i32
    %broadcast_in_dim3A_134 = vector.broadcast %jit3A_133 : i32 to vector<128x8192xi32>
    %select_n3A_135 = arith.select %eq3A_132, %iota3A, %broadcast_in_dim3A_134 : vector<128x8192xi1>, vector<128x8192xi32>
    %reduce_min3A_136 = arith.constant dense<2147483647> : vector<128xi32>
    %reduce_min3A_137 = vector.multi_reduction <minsi>, %select_n3A_135, %reduce_min3A_136 [1] : vector<128x8192xi32> to vector<128xi32>
    %broadcast_in_dim3A_138 = vector.shape_cast %reduce_min3A_137 : vector<128xi32> to vector<128x1xi32>
    %jit3A_139 = arith.constant 0xFF800000 : f32
    %broadcast_in_dim3A_140 = vector.broadcast %jit3A_139 : f32 to vector<128x8192xf32>
    %select_n3A_141 = arith.select %eq3A_132, %broadcast_in_dim3A_140, %select_n3A_127 : vector<128x8192xi1>, vector<128x8192xf32>
    %reduce_max3A_142 = arith.constant dense<0xFF800000> : vector<128xf32>
    %reduce_max3A_143 = vector.multi_reduction <maximumf>, %select_n3A_141, %reduce_max3A_142 [1] : vector<128x8192xf32> to vector<128xf32>
    %broadcast_in_dim3A_144 = vector.shape_cast %reduce_max3A_143 : vector<128xf32> to vector<128x1xf32>
    %eq3A_145 = vector.broadcast %broadcast_in_dim3A_144 : vector<128x1xf32> to vector<128x8192xf32>
    %eq3A_146 = arith.cmpf oeq, %select_n3A_141, %eq3A_145 : vector<128x8192xf32>
    %jit3A_147 = arith.constant 8192 : i32
    %broadcast_in_dim3A_148 = vector.broadcast %jit3A_147 : i32 to vector<128x8192xi32>
    %select_n3A_149 = arith.select %eq3A_146, %iota3A, %broadcast_in_dim3A_148 : vector<128x8192xi1>, vector<128x8192xi32>
    %reduce_min3A_150 = arith.constant dense<2147483647> : vector<128xi32>
    %reduce_min3A_151 = vector.multi_reduction <minsi>, %select_n3A_149, %reduce_min3A_150 [1] : vector<128x8192xi32> to vector<128xi32>
    %broadcast_in_dim3A_152 = vector.shape_cast %reduce_min3A_151 : vector<128xi32> to vector<128x1xi32>
    %jit3A_153 = arith.constant 0xFF800000 : f32
    %broadcast_in_dim3A_154 = vector.broadcast %jit3A_153 : f32 to vector<128x8192xf32>
    %select_n3A_155 = arith.select %eq3A_146, %broadcast_in_dim3A_154, %select_n3A_141 : vector<128x8192xi1>, vector<128x8192xf32>
    %reduce_max3A_156 = arith.constant dense<0xFF800000> : vector<128xf32>
    %reduce_max3A_157 = vector.multi_reduction <maximumf>, %select_n3A_155, %reduce_max3A_156 [1] : vector<128x8192xf32> to vector<128xf32>
    %broadcast_in_dim3A_158 = vector.shape_cast %reduce_max3A_157 : vector<128xf32> to vector<128x1xf32>
    %eq3A_159 = vector.broadcast %broadcast_in_dim3A_158 : vector<128x1xf32> to vector<128x8192xf32>
    %eq3A_160 = arith.cmpf oeq, %select_n3A_155, %eq3A_159 : vector<128x8192xf32>
    %jit3A_161 = arith.constant 8192 : i32
    %broadcast_in_dim3A_162 = vector.broadcast %jit3A_161 : i32 to vector<128x8192xi32>
    %select_n3A_163 = arith.select %eq3A_160, %iota3A, %broadcast_in_dim3A_162 : vector<128x8192xi1>, vector<128x8192xi32>
    %reduce_min3A_164 = arith.constant dense<2147483647> : vector<128xi32>
    %reduce_min3A_165 = vector.multi_reduction <minsi>, %select_n3A_163, %reduce_min3A_164 [1] : vector<128x8192xi32> to vector<128xi32>
    %broadcast_in_dim3A_166 = vector.shape_cast %reduce_min3A_165 : vector<128xi32> to vector<128x1xi32>
    %jit3A_167 = arith.constant 0xFF800000 : f32
    %broadcast_in_dim3A_168 = vector.broadcast %jit3A_167 : f32 to vector<128x8192xf32>
    %select_n3A_169 = arith.select %eq3A_160, %broadcast_in_dim3A_168, %select_n3A_155 : vector<128x8192xi1>, vector<128x8192xf32>
    %reduce_max3A_170 = arith.constant dense<0xFF800000> : vector<128xf32>
    %reduce_max3A_171 = vector.multi_reduction <maximumf>, %select_n3A_169, %reduce_max3A_170 [1] : vector<128x8192xf32> to vector<128xf32>
    %broadcast_in_dim3A_172 = vector.shape_cast %reduce_max3A_171 : vector<128xf32> to vector<128x1xf32>
    %eq3A_173 = vector.broadcast %broadcast_in_dim3A_172 : vector<128x1xf32> to vector<128x8192xf32>
    %eq3A_174 = arith.cmpf oeq, %select_n3A_169, %eq3A_173 : vector<128x8192xf32>
    %jit3A_175 = arith.constant 8192 : i32
    %broadcast_in_dim3A_176 = vector.broadcast %jit3A_175 : i32 to vector<128x8192xi32>
    %select_n3A_177 = arith.select %eq3A_174, %iota3A, %broadcast_in_dim3A_176 : vector<128x8192xi1>, vector<128x8192xi32>
    %reduce_min3A_178 = arith.constant dense<2147483647> : vector<128xi32>
    %reduce_min3A_179 = vector.multi_reduction <minsi>, %select_n3A_177, %reduce_min3A_178 [1] : vector<128x8192xi32> to vector<128xi32>
    %broadcast_in_dim3A_180 = vector.shape_cast %reduce_min3A_179 : vector<128xi32> to vector<128x1xi32>
    %jit3A_181 = arith.constant 0xFF800000 : f32
    %broadcast_in_dim3A_182 = vector.broadcast %jit3A_181 : f32 to vector<128x8192xf32>
    %select_n3A_183 = arith.select %eq3A_174, %broadcast_in_dim3A_182, %select_n3A_169 : vector<128x8192xi1>, vector<128x8192xf32>
    %reduce_max3A_184 = arith.constant dense<0xFF800000> : vector<128xf32>
    %reduce_max3A_185 = vector.multi_reduction <maximumf>, %select_n3A_183, %reduce_max3A_184 [1] : vector<128x8192xf32> to vector<128xf32>
    %broadcast_in_dim3A_186 = vector.shape_cast %reduce_max3A_185 : vector<128xf32> to vector<128x1xf32>
    %eq3A_187 = vector.broadcast %broadcast_in_dim3A_186 : vector<128x1xf32> to vector<128x8192xf32>
    %eq3A_188 = arith.cmpf oeq, %select_n3A_183, %eq3A_187 : vector<128x8192xf32>
    %jit3A_189 = arith.constant 8192 : i32
    %broadcast_in_dim3A_190 = vector.broadcast %jit3A_189 : i32 to vector<128x8192xi32>
    %select_n3A_191 = arith.select %eq3A_188, %iota3A, %broadcast_in_dim3A_190 : vector<128x8192xi1>, vector<128x8192xi32>
    %reduce_min3A_192 = arith.constant dense<2147483647> : vector<128xi32>
    %reduce_min3A_193 = vector.multi_reduction <minsi>, %select_n3A_191, %reduce_min3A_192 [1] : vector<128x8192xi32> to vector<128xi32>
    %broadcast_in_dim3A_194 = vector.shape_cast %reduce_min3A_193 : vector<128xi32> to vector<128x1xi32>
    %jit3A_195 = arith.constant 0xFF800000 : f32
    %broadcast_in_dim3A_196 = vector.broadcast %jit3A_195 : f32 to vector<128x8192xf32>
    %select_n3A_197 = arith.select %eq3A_188, %broadcast_in_dim3A_196, %select_n3A_183 : vector<128x8192xi1>, vector<128x8192xf32>
    %reduce_max3A_198 = arith.constant dense<0xFF800000> : vector<128xf32>
    %reduce_max3A_199 = vector.multi_reduction <maximumf>, %select_n3A_197, %reduce_max3A_198 [1] : vector<128x8192xf32> to vector<128xf32>
    %broadcast_in_dim3A_200 = vector.shape_cast %reduce_max3A_199 : vector<128xf32> to vector<128x1xf32>
    %eq3A_201 = vector.broadcast %broadcast_in_dim3A_200 : vector<128x1xf32> to vector<128x8192xf32>
    %eq3A_202 = arith.cmpf oeq, %select_n3A_197, %eq3A_201 : vector<128x8192xf32>
    %jit3A_203 = arith.constant 8192 : i32
    %broadcast_in_dim3A_204 = vector.broadcast %jit3A_203 : i32 to vector<128x8192xi32>
    %select_n3A_205 = arith.select %eq3A_202, %iota3A, %broadcast_in_dim3A_204 : vector<128x8192xi1>, vector<128x8192xi32>
    %reduce_min3A_206 = arith.constant dense<2147483647> : vector<128xi32>
    %reduce_min3A_207 = vector.multi_reduction <minsi>, %select_n3A_205, %reduce_min3A_206 [1] : vector<128x8192xi32> to vector<128xi32>
    %broadcast_in_dim3A_208 = vector.shape_cast %reduce_min3A_207 : vector<128xi32> to vector<128x1xi32>
    %jit3A_209 = arith.constant 0xFF800000 : f32
    %broadcast_in_dim3A_210 = vector.broadcast %jit3A_209 : f32 to vector<128x8192xf32>
    %select_n3A_211 = arith.select %eq3A_202, %broadcast_in_dim3A_210, %select_n3A_197 : vector<128x8192xi1>, vector<128x8192xf32>
    %reduce_max3A_212 = arith.constant dense<0xFF800000> : vector<128xf32>
    %reduce_max3A_213 = vector.multi_reduction <maximumf>, %select_n3A_211, %reduce_max3A_212 [1] : vector<128x8192xf32> to vector<128xf32>
    %broadcast_in_dim3A_214 = vector.shape_cast %reduce_max3A_213 : vector<128xf32> to vector<128x1xf32>
    %eq3A_215 = vector.broadcast %broadcast_in_dim3A_214 : vector<128x1xf32> to vector<128x8192xf32>
    %eq3A_216 = arith.cmpf oeq, %select_n3A_211, %eq3A_215 : vector<128x8192xf32>
    %jit3A_217 = arith.constant 8192 : i32
    %broadcast_in_dim3A_218 = vector.broadcast %jit3A_217 : i32 to vector<128x8192xi32>
    %select_n3A_219 = arith.select %eq3A_216, %iota3A, %broadcast_in_dim3A_218 : vector<128x8192xi1>, vector<128x8192xi32>
    %reduce_min3A_220 = arith.constant dense<2147483647> : vector<128xi32>
    %reduce_min3A_221 = vector.multi_reduction <minsi>, %select_n3A_219, %reduce_min3A_220 [1] : vector<128x8192xi32> to vector<128xi32>
    %broadcast_in_dim3A_222 = vector.shape_cast %reduce_min3A_221 : vector<128xi32> to vector<128x1xi32>
    %jit3A_223 = arith.constant 0xFF800000 : f32
    %broadcast_in_dim3A_224 = vector.broadcast %jit3A_223 : f32 to vector<128x8192xf32>
    %select_n3A_225 = arith.select %eq3A_216, %broadcast_in_dim3A_224, %select_n3A_211 : vector<128x8192xi1>, vector<128x8192xf32>
    %reduce_max3A_226 = arith.constant dense<0xFF800000> : vector<128xf32>
    %reduce_max3A_227 = vector.multi_reduction <maximumf>, %select_n3A_225, %reduce_max3A_226 [1] : vector<128x8192xf32> to vector<128xf32>
    %broadcast_in_dim3A_228 = vector.shape_cast %reduce_max3A_227 : vector<128xf32> to vector<128x1xf32>
    %eq3A_229 = vector.broadcast %broadcast_in_dim3A_228 : vector<128x1xf32> to vector<128x8192xf32>
    %eq3A_230 = arith.cmpf oeq, %select_n3A_225, %eq3A_229 : vector<128x8192xf32>
    %jit3A_231 = arith.constant 8192 : i32
    %broadcast_in_dim3A_232 = vector.broadcast %jit3A_231 : i32 to vector<128x8192xi32>
    %select_n3A_233 = arith.select %eq3A_230, %iota3A, %broadcast_in_dim3A_232 : vector<128x8192xi1>, vector<128x8192xi32>
    %reduce_min3A_234 = arith.constant dense<2147483647> : vector<128xi32>
    %reduce_min3A_235 = vector.multi_reduction <minsi>, %select_n3A_233, %reduce_min3A_234 [1] : vector<128x8192xi32> to vector<128xi32>
    %broadcast_in_dim3A_236 = vector.shape_cast %reduce_min3A_235 : vector<128xi32> to vector<128x1xi32>
    %jit3A_237 = arith.constant 0xFF800000 : f32
    %broadcast_in_dim3A_238 = vector.broadcast %jit3A_237 : f32 to vector<128x8192xf32>
    %select_n3A_239 = arith.select %eq3A_230, %broadcast_in_dim3A_238, %select_n3A_225 : vector<128x8192xi1>, vector<128x8192xf32>
    %reduce_max3A_240 = arith.constant dense<0xFF800000> : vector<128xf32>
    %reduce_max3A_241 = vector.multi_reduction <maximumf>, %select_n3A_239, %reduce_max3A_240 [1] : vector<128x8192xf32> to vector<128xf32>
    %broadcast_in_dim3A_242 = vector.shape_cast %reduce_max3A_241 : vector<128xf32> to vector<128x1xf32>
    %eq3A_243 = vector.broadcast %broadcast_in_dim3A_242 : vector<128x1xf32> to vector<128x8192xf32>
    %eq3A_244 = arith.cmpf oeq, %select_n3A_239, %eq3A_243 : vector<128x8192xf32>
    %jit3A_245 = arith.constant 8192 : i32
    %broadcast_in_dim3A_246 = vector.broadcast %jit3A_245 : i32 to vector<128x8192xi32>
    %select_n3A_247 = arith.select %eq3A_244, %iota3A, %broadcast_in_dim3A_246 : vector<128x8192xi1>, vector<128x8192xi32>
    %reduce_min3A_248 = arith.constant dense<2147483647> : vector<128xi32>
    %reduce_min3A_249 = vector.multi_reduction <minsi>, %select_n3A_247, %reduce_min3A_248 [1] : vector<128x8192xi32> to vector<128xi32>
    %broadcast_in_dim3A_250 = vector.shape_cast %reduce_min3A_249 : vector<128xi32> to vector<128x1xi32>
    %jit3A_251 = arith.constant 0xFF800000 : f32
    %broadcast_in_dim3A_252 = vector.broadcast %jit3A_251 : f32 to vector<128x8192xf32>
    %select_n3A_253 = arith.select %eq3A_244, %broadcast_in_dim3A_252, %select_n3A_239 : vector<128x8192xi1>, vector<128x8192xf32>
    %reduce_max3A_254 = arith.constant dense<0xFF800000> : vector<128xf32>
    %reduce_max3A_255 = vector.multi_reduction <maximumf>, %select_n3A_253, %reduce_max3A_254 [1] : vector<128x8192xf32> to vector<128xf32>
    %broadcast_in_dim3A_256 = vector.shape_cast %reduce_max3A_255 : vector<128xf32> to vector<128x1xf32>
    %eq3A_257 = vector.broadcast %broadcast_in_dim3A_256 : vector<128x1xf32> to vector<128x8192xf32>
    %eq3A_258 = arith.cmpf oeq, %select_n3A_253, %eq3A_257 : vector<128x8192xf32>
    %jit3A_259 = arith.constant 8192 : i32
    %broadcast_in_dim3A_260 = vector.broadcast %jit3A_259 : i32 to vector<128x8192xi32>
    %select_n3A_261 = arith.select %eq3A_258, %iota3A, %broadcast_in_dim3A_260 : vector<128x8192xi1>, vector<128x8192xi32>
    %reduce_min3A_262 = arith.constant dense<2147483647> : vector<128xi32>
    %reduce_min3A_263 = vector.multi_reduction <minsi>, %select_n3A_261, %reduce_min3A_262 [1] : vector<128x8192xi32> to vector<128xi32>
    %broadcast_in_dim3A_264 = vector.shape_cast %reduce_min3A_263 : vector<128xi32> to vector<128x1xi32>
    %jit3A_265 = arith.constant 0xFF800000 : f32
    %broadcast_in_dim3A_266 = vector.broadcast %jit3A_265 : f32 to vector<128x8192xf32>
    %select_n3A_267 = arith.select %eq3A_258, %broadcast_in_dim3A_266, %select_n3A_253 : vector<128x8192xi1>, vector<128x8192xf32>
    %reduce_max3A_268 = arith.constant dense<0xFF800000> : vector<128xf32>
    %reduce_max3A_269 = vector.multi_reduction <maximumf>, %select_n3A_267, %reduce_max3A_268 [1] : vector<128x8192xf32> to vector<128xf32>
    %broadcast_in_dim3A_270 = vector.shape_cast %reduce_max3A_269 : vector<128xf32> to vector<128x1xf32>
    %eq3A_271 = vector.broadcast %broadcast_in_dim3A_270 : vector<128x1xf32> to vector<128x8192xf32>
    %eq3A_272 = arith.cmpf oeq, %select_n3A_267, %eq3A_271 : vector<128x8192xf32>
    %jit3A_273 = arith.constant 8192 : i32
    %broadcast_in_dim3A_274 = vector.broadcast %jit3A_273 : i32 to vector<128x8192xi32>
    %select_n3A_275 = arith.select %eq3A_272, %iota3A, %broadcast_in_dim3A_274 : vector<128x8192xi1>, vector<128x8192xi32>
    %reduce_min3A_276 = arith.constant dense<2147483647> : vector<128xi32>
    %reduce_min3A_277 = vector.multi_reduction <minsi>, %select_n3A_275, %reduce_min3A_276 [1] : vector<128x8192xi32> to vector<128xi32>
    %broadcast_in_dim3A_278 = vector.shape_cast %reduce_min3A_277 : vector<128xi32> to vector<128x1xi32>
    %jit3A_279 = arith.constant 0xFF800000 : f32
    %broadcast_in_dim3A_280 = vector.broadcast %jit3A_279 : f32 to vector<128x8192xf32>
    %select_n3A_281 = arith.select %eq3A_272, %broadcast_in_dim3A_280, %select_n3A_267 : vector<128x8192xi1>, vector<128x8192xf32>
    %reduce_max3A_282 = arith.constant dense<0xFF800000> : vector<128xf32>
    %reduce_max3A_283 = vector.multi_reduction <maximumf>, %select_n3A_281, %reduce_max3A_282 [1] : vector<128x8192xf32> to vector<128xf32>
    %broadcast_in_dim3A_284 = vector.shape_cast %reduce_max3A_283 : vector<128xf32> to vector<128x1xf32>
    %eq3A_285 = vector.broadcast %broadcast_in_dim3A_284 : vector<128x1xf32> to vector<128x8192xf32>
    %eq3A_286 = arith.cmpf oeq, %select_n3A_281, %eq3A_285 : vector<128x8192xf32>
    %jit3A_287 = arith.constant 8192 : i32
    %broadcast_in_dim3A_288 = vector.broadcast %jit3A_287 : i32 to vector<128x8192xi32>
    %select_n3A_289 = arith.select %eq3A_286, %iota3A, %broadcast_in_dim3A_288 : vector<128x8192xi1>, vector<128x8192xi32>
    %reduce_min3A_290 = arith.constant dense<2147483647> : vector<128xi32>
    %reduce_min3A_291 = vector.multi_reduction <minsi>, %select_n3A_289, %reduce_min3A_290 [1] : vector<128x8192xi32> to vector<128xi32>
    %broadcast_in_dim3A_292 = vector.shape_cast %reduce_min3A_291 : vector<128xi32> to vector<128x1xi32>
    %jit3A_293 = arith.constant 0xFF800000 : f32
    %broadcast_in_dim3A_294 = vector.broadcast %jit3A_293 : f32 to vector<128x8192xf32>
    %select_n3A_295 = arith.select %eq3A_286, %broadcast_in_dim3A_294, %select_n3A_281 : vector<128x8192xi1>, vector<128x8192xf32>
    %reduce_max3A_296 = arith.constant dense<0xFF800000> : vector<128xf32>
    %reduce_max3A_297 = vector.multi_reduction <maximumf>, %select_n3A_295, %reduce_max3A_296 [1] : vector<128x8192xf32> to vector<128xf32>
    %broadcast_in_dim3A_298 = vector.shape_cast %reduce_max3A_297 : vector<128xf32> to vector<128x1xf32>
    %eq3A_299 = vector.broadcast %broadcast_in_dim3A_298 : vector<128x1xf32> to vector<128x8192xf32>
    %eq3A_300 = arith.cmpf oeq, %select_n3A_295, %eq3A_299 : vector<128x8192xf32>
    %jit3A_301 = arith.constant 8192 : i32
    %broadcast_in_dim3A_302 = vector.broadcast %jit3A_301 : i32 to vector<128x8192xi32>
    %select_n3A_303 = arith.select %eq3A_300, %iota3A, %broadcast_in_dim3A_302 : vector<128x8192xi1>, vector<128x8192xi32>
    %reduce_min3A_304 = arith.constant dense<2147483647> : vector<128xi32>
    %reduce_min3A_305 = vector.multi_reduction <minsi>, %select_n3A_303, %reduce_min3A_304 [1] : vector<128x8192xi32> to vector<128xi32>
    %broadcast_in_dim3A_306 = vector.shape_cast %reduce_min3A_305 : vector<128xi32> to vector<128x1xi32>
    %jit3A_307 = arith.constant 0xFF800000 : f32
    %broadcast_in_dim3A_308 = vector.broadcast %jit3A_307 : f32 to vector<128x8192xf32>
    %select_n3A_309 = arith.select %eq3A_300, %broadcast_in_dim3A_308, %select_n3A_295 : vector<128x8192xi1>, vector<128x8192xf32>
    %reduce_max3A_310 = arith.constant dense<0xFF800000> : vector<128xf32>
    %reduce_max3A_311 = vector.multi_reduction <maximumf>, %select_n3A_309, %reduce_max3A_310 [1] : vector<128x8192xf32> to vector<128xf32>
    %broadcast_in_dim3A_312 = vector.shape_cast %reduce_max3A_311 : vector<128xf32> to vector<128x1xf32>
    %eq3A_313 = vector.broadcast %broadcast_in_dim3A_312 : vector<128x1xf32> to vector<128x8192xf32>
    %eq3A_314 = arith.cmpf oeq, %select_n3A_309, %eq3A_313 : vector<128x8192xf32>
    %jit3A_315 = arith.constant 8192 : i32
    %broadcast_in_dim3A_316 = vector.broadcast %jit3A_315 : i32 to vector<128x8192xi32>
    %select_n3A_317 = arith.select %eq3A_314, %iota3A, %broadcast_in_dim3A_316 : vector<128x8192xi1>, vector<128x8192xi32>
    %reduce_min3A_318 = arith.constant dense<2147483647> : vector<128xi32>
    %reduce_min3A_319 = vector.multi_reduction <minsi>, %select_n3A_317, %reduce_min3A_318 [1] : vector<128x8192xi32> to vector<128xi32>
    %broadcast_in_dim3A_320 = vector.shape_cast %reduce_min3A_319 : vector<128xi32> to vector<128x1xi32>
    %jit3A_321 = arith.constant 0xFF800000 : f32
    %broadcast_in_dim3A_322 = vector.broadcast %jit3A_321 : f32 to vector<128x8192xf32>
    %select_n3A_323 = arith.select %eq3A_314, %broadcast_in_dim3A_322, %select_n3A_309 : vector<128x8192xi1>, vector<128x8192xf32>
    %reduce_max3A_324 = arith.constant dense<0xFF800000> : vector<128xf32>
    %reduce_max3A_325 = vector.multi_reduction <maximumf>, %select_n3A_323, %reduce_max3A_324 [1] : vector<128x8192xf32> to vector<128xf32>
    %broadcast_in_dim3A_326 = vector.shape_cast %reduce_max3A_325 : vector<128xf32> to vector<128x1xf32>
    %eq3A_327 = vector.broadcast %broadcast_in_dim3A_326 : vector<128x1xf32> to vector<128x8192xf32>
    %eq3A_328 = arith.cmpf oeq, %select_n3A_323, %eq3A_327 : vector<128x8192xf32>
    %jit3A_329 = arith.constant 8192 : i32
    %broadcast_in_dim3A_330 = vector.broadcast %jit3A_329 : i32 to vector<128x8192xi32>
    %select_n3A_331 = arith.select %eq3A_328, %iota3A, %broadcast_in_dim3A_330 : vector<128x8192xi1>, vector<128x8192xi32>
    %reduce_min3A_332 = arith.constant dense<2147483647> : vector<128xi32>
    %reduce_min3A_333 = vector.multi_reduction <minsi>, %select_n3A_331, %reduce_min3A_332 [1] : vector<128x8192xi32> to vector<128xi32>
    %broadcast_in_dim3A_334 = vector.shape_cast %reduce_min3A_333 : vector<128xi32> to vector<128x1xi32>
    %jit3A_335 = arith.constant 0xFF800000 : f32
    %broadcast_in_dim3A_336 = vector.broadcast %jit3A_335 : f32 to vector<128x8192xf32>
    %select_n3A_337 = arith.select %eq3A_328, %broadcast_in_dim3A_336, %select_n3A_323 : vector<128x8192xi1>, vector<128x8192xf32>
    %reduce_max3A_338 = arith.constant dense<0xFF800000> : vector<128xf32>
    %reduce_max3A_339 = vector.multi_reduction <maximumf>, %select_n3A_337, %reduce_max3A_338 [1] : vector<128x8192xf32> to vector<128xf32>
    %broadcast_in_dim3A_340 = vector.shape_cast %reduce_max3A_339 : vector<128xf32> to vector<128x1xf32>
    %eq3A_341 = vector.broadcast %broadcast_in_dim3A_340 : vector<128x1xf32> to vector<128x8192xf32>
    %eq3A_342 = arith.cmpf oeq, %select_n3A_337, %eq3A_341 : vector<128x8192xf32>
    %jit3A_343 = arith.constant 8192 : i32
    %broadcast_in_dim3A_344 = vector.broadcast %jit3A_343 : i32 to vector<128x8192xi32>
    %select_n3A_345 = arith.select %eq3A_342, %iota3A, %broadcast_in_dim3A_344 : vector<128x8192xi1>, vector<128x8192xi32>
    %reduce_min3A_346 = arith.constant dense<2147483647> : vector<128xi32>
    %reduce_min3A_347 = vector.multi_reduction <minsi>, %select_n3A_345, %reduce_min3A_346 [1] : vector<128x8192xi32> to vector<128xi32>
    %broadcast_in_dim3A_348 = vector.shape_cast %reduce_min3A_347 : vector<128xi32> to vector<128x1xi32>
    %jit3A_349 = arith.constant 0xFF800000 : f32
    %broadcast_in_dim3A_350 = vector.broadcast %jit3A_349 : f32 to vector<128x8192xf32>
    %select_n3A_351 = arith.select %eq3A_342, %broadcast_in_dim3A_350, %select_n3A_337 : vector<128x8192xi1>, vector<128x8192xf32>
    %reduce_max3A_352 = arith.constant dense<0xFF800000> : vector<128xf32>
    %reduce_max3A_353 = vector.multi_reduction <maximumf>, %select_n3A_351, %reduce_max3A_352 [1] : vector<128x8192xf32> to vector<128xf32>
    %broadcast_in_dim3A_354 = vector.shape_cast %reduce_max3A_353 : vector<128xf32> to vector<128x1xf32>
    %eq3A_355 = vector.broadcast %broadcast_in_dim3A_354 : vector<128x1xf32> to vector<128x8192xf32>
    %eq3A_356 = arith.cmpf oeq, %select_n3A_351, %eq3A_355 : vector<128x8192xf32>
    %jit3A_357 = arith.constant 8192 : i32
    %broadcast_in_dim3A_358 = vector.broadcast %jit3A_357 : i32 to vector<128x8192xi32>
    %select_n3A_359 = arith.select %eq3A_356, %iota3A, %broadcast_in_dim3A_358 : vector<128x8192xi1>, vector<128x8192xi32>
    %reduce_min3A_360 = arith.constant dense<2147483647> : vector<128xi32>
    %reduce_min3A_361 = vector.multi_reduction <minsi>, %select_n3A_359, %reduce_min3A_360 [1] : vector<128x8192xi32> to vector<128xi32>
    %broadcast_in_dim3A_362 = vector.shape_cast %reduce_min3A_361 : vector<128xi32> to vector<128x1xi32>
    %jit3A_363 = arith.constant 0xFF800000 : f32
    %broadcast_in_dim3A_364 = vector.broadcast %jit3A_363 : f32 to vector<128x8192xf32>
    %select_n3A_365 = arith.select %eq3A_356, %broadcast_in_dim3A_364, %select_n3A_351 : vector<128x8192xi1>, vector<128x8192xf32>
    %reduce_max3A_366 = arith.constant dense<0xFF800000> : vector<128xf32>
    %reduce_max3A_367 = vector.multi_reduction <maximumf>, %select_n3A_365, %reduce_max3A_366 [1] : vector<128x8192xf32> to vector<128xf32>
    %broadcast_in_dim3A_368 = vector.shape_cast %reduce_max3A_367 : vector<128xf32> to vector<128x1xf32>
    %eq3A_369 = vector.broadcast %broadcast_in_dim3A_368 : vector<128x1xf32> to vector<128x8192xf32>
    %eq3A_370 = arith.cmpf oeq, %select_n3A_365, %eq3A_369 : vector<128x8192xf32>
    %jit3A_371 = arith.constant 8192 : i32
    %broadcast_in_dim3A_372 = vector.broadcast %jit3A_371 : i32 to vector<128x8192xi32>
    %select_n3A_373 = arith.select %eq3A_370, %iota3A, %broadcast_in_dim3A_372 : vector<128x8192xi1>, vector<128x8192xi32>
    %reduce_min3A_374 = arith.constant dense<2147483647> : vector<128xi32>
    %reduce_min3A_375 = vector.multi_reduction <minsi>, %select_n3A_373, %reduce_min3A_374 [1] : vector<128x8192xi32> to vector<128xi32>
    %broadcast_in_dim3A_376 = vector.shape_cast %reduce_min3A_375 : vector<128xi32> to vector<128x1xi32>
    %jit3A_377 = arith.constant 0xFF800000 : f32
    %broadcast_in_dim3A_378 = vector.broadcast %jit3A_377 : f32 to vector<128x8192xf32>
    %select_n3A_379 = arith.select %eq3A_370, %broadcast_in_dim3A_378, %select_n3A_365 : vector<128x8192xi1>, vector<128x8192xf32>
    %reduce_max3A_380 = arith.constant dense<0xFF800000> : vector<128xf32>
    %reduce_max3A_381 = vector.multi_reduction <maximumf>, %select_n3A_379, %reduce_max3A_380 [1] : vector<128x8192xf32> to vector<128xf32>
    %broadcast_in_dim3A_382 = vector.shape_cast %reduce_max3A_381 : vector<128xf32> to vector<128x1xf32>
    %eq3A_383 = vector.broadcast %broadcast_in_dim3A_382 : vector<128x1xf32> to vector<128x8192xf32>
    %eq3A_384 = arith.cmpf oeq, %select_n3A_379, %eq3A_383 : vector<128x8192xf32>
    %jit3A_385 = arith.constant 8192 : i32
    %broadcast_in_dim3A_386 = vector.broadcast %jit3A_385 : i32 to vector<128x8192xi32>
    %select_n3A_387 = arith.select %eq3A_384, %iota3A, %broadcast_in_dim3A_386 : vector<128x8192xi1>, vector<128x8192xi32>
    %reduce_min3A_388 = arith.constant dense<2147483647> : vector<128xi32>
    %reduce_min3A_389 = vector.multi_reduction <minsi>, %select_n3A_387, %reduce_min3A_388 [1] : vector<128x8192xi32> to vector<128xi32>
    %broadcast_in_dim3A_390 = vector.shape_cast %reduce_min3A_389 : vector<128xi32> to vector<128x1xi32>
    %jit3A_391 = arith.constant 0xFF800000 : f32
    %broadcast_in_dim3A_392 = vector.broadcast %jit3A_391 : f32 to vector<128x8192xf32>
    %select_n3A_393 = arith.select %eq3A_384, %broadcast_in_dim3A_392, %select_n3A_379 : vector<128x8192xi1>, vector<128x8192xf32>
    %reduce_max3A_394 = arith.constant dense<0xFF800000> : vector<128xf32>
    %reduce_max3A_395 = vector.multi_reduction <maximumf>, %select_n3A_393, %reduce_max3A_394 [1] : vector<128x8192xf32> to vector<128xf32>
    %broadcast_in_dim3A_396 = vector.shape_cast %reduce_max3A_395 : vector<128xf32> to vector<128x1xf32>
    %eq3A_397 = vector.broadcast %broadcast_in_dim3A_396 : vector<128x1xf32> to vector<128x8192xf32>
    %eq3A_398 = arith.cmpf oeq, %select_n3A_393, %eq3A_397 : vector<128x8192xf32>
    %jit3A_399 = arith.constant 8192 : i32
    %broadcast_in_dim3A_400 = vector.broadcast %jit3A_399 : i32 to vector<128x8192xi32>
    %select_n3A_401 = arith.select %eq3A_398, %iota3A, %broadcast_in_dim3A_400 : vector<128x8192xi1>, vector<128x8192xi32>
    %reduce_min3A_402 = arith.constant dense<2147483647> : vector<128xi32>
    %reduce_min3A_403 = vector.multi_reduction <minsi>, %select_n3A_401, %reduce_min3A_402 [1] : vector<128x8192xi32> to vector<128xi32>
    %broadcast_in_dim3A_404 = vector.shape_cast %reduce_min3A_403 : vector<128xi32> to vector<128x1xi32>
    %jit3A_405 = arith.constant 0xFF800000 : f32
    %broadcast_in_dim3A_406 = vector.broadcast %jit3A_405 : f32 to vector<128x8192xf32>
    %select_n3A_407 = arith.select %eq3A_398, %broadcast_in_dim3A_406, %select_n3A_393 : vector<128x8192xi1>, vector<128x8192xf32>
    %reduce_max3A_408 = arith.constant dense<0xFF800000> : vector<128xf32>
    %reduce_max3A_409 = vector.multi_reduction <maximumf>, %select_n3A_407, %reduce_max3A_408 [1] : vector<128x8192xf32> to vector<128xf32>
    %broadcast_in_dim3A_410 = vector.shape_cast %reduce_max3A_409 : vector<128xf32> to vector<128x1xf32>
    %eq3A_411 = vector.broadcast %broadcast_in_dim3A_410 : vector<128x1xf32> to vector<128x8192xf32>
    %eq3A_412 = arith.cmpf oeq, %select_n3A_407, %eq3A_411 : vector<128x8192xf32>
    %jit3A_413 = arith.constant 8192 : i32
    %broadcast_in_dim3A_414 = vector.broadcast %jit3A_413 : i32 to vector<128x8192xi32>
    %select_n3A_415 = arith.select %eq3A_412, %iota3A, %broadcast_in_dim3A_414 : vector<128x8192xi1>, vector<128x8192xi32>
    %reduce_min3A_416 = arith.constant dense<2147483647> : vector<128xi32>
    %reduce_min3A_417 = vector.multi_reduction <minsi>, %select_n3A_415, %reduce_min3A_416 [1] : vector<128x8192xi32> to vector<128xi32>
    %broadcast_in_dim3A_418 = vector.shape_cast %reduce_min3A_417 : vector<128xi32> to vector<128x1xi32>
    %jit3A_419 = arith.constant 0xFF800000 : f32
    %broadcast_in_dim3A_420 = vector.broadcast %jit3A_419 : f32 to vector<128x8192xf32>
    %select_n3A_421 = arith.select %eq3A_412, %broadcast_in_dim3A_420, %select_n3A_407 : vector<128x8192xi1>, vector<128x8192xf32>
    %reduce_max3A_422 = arith.constant dense<0xFF800000> : vector<128xf32>
    %reduce_max3A_423 = vector.multi_reduction <maximumf>, %select_n3A_421, %reduce_max3A_422 [1] : vector<128x8192xf32> to vector<128xf32>
    %broadcast_in_dim3A_424 = vector.shape_cast %reduce_max3A_423 : vector<128xf32> to vector<128x1xf32>
    %eq3A_425 = vector.broadcast %broadcast_in_dim3A_424 : vector<128x1xf32> to vector<128x8192xf32>
    %eq3A_426 = arith.cmpf oeq, %select_n3A_421, %eq3A_425 : vector<128x8192xf32>
    %jit3A_427 = arith.constant 8192 : i32
    %broadcast_in_dim3A_428 = vector.broadcast %jit3A_427 : i32 to vector<128x8192xi32>
    %select_n3A_429 = arith.select %eq3A_426, %iota3A, %broadcast_in_dim3A_428 : vector<128x8192xi1>, vector<128x8192xi32>
    %reduce_min3A_430 = arith.constant dense<2147483647> : vector<128xi32>
    %reduce_min3A_431 = vector.multi_reduction <minsi>, %select_n3A_429, %reduce_min3A_430 [1] : vector<128x8192xi32> to vector<128xi32>
    %broadcast_in_dim3A_432 = vector.shape_cast %reduce_min3A_431 : vector<128xi32> to vector<128x1xi32>
    %jit3A_433 = arith.constant 0xFF800000 : f32
    %broadcast_in_dim3A_434 = vector.broadcast %jit3A_433 : f32 to vector<128x8192xf32>
    %select_n3A_435 = arith.select %eq3A_426, %broadcast_in_dim3A_434, %select_n3A_421 : vector<128x8192xi1>, vector<128x8192xf32>
    %reduce_max3A_436 = arith.constant dense<0xFF800000> : vector<128xf32>
    %reduce_max3A_437 = vector.multi_reduction <maximumf>, %select_n3A_435, %reduce_max3A_436 [1] : vector<128x8192xf32> to vector<128xf32>
    %broadcast_in_dim3A_438 = vector.shape_cast %reduce_max3A_437 : vector<128xf32> to vector<128x1xf32>
    %eq3A_439 = vector.broadcast %broadcast_in_dim3A_438 : vector<128x1xf32> to vector<128x8192xf32>
    %eq3A_440 = arith.cmpf oeq, %select_n3A_435, %eq3A_439 : vector<128x8192xf32>
    %jit3A_441 = arith.constant 8192 : i32
    %broadcast_in_dim3A_442 = vector.broadcast %jit3A_441 : i32 to vector<128x8192xi32>
    %select_n3A_443 = arith.select %eq3A_440, %iota3A, %broadcast_in_dim3A_442 : vector<128x8192xi1>, vector<128x8192xi32>
    %reduce_min3A_444 = arith.constant dense<2147483647> : vector<128xi32>
    %reduce_min3A_445 = vector.multi_reduction <minsi>, %select_n3A_443, %reduce_min3A_444 [1] : vector<128x8192xi32> to vector<128xi32>
    %broadcast_in_dim3A_446 = vector.shape_cast %reduce_min3A_445 : vector<128xi32> to vector<128x1xi32>
    %jit3A_447 = arith.constant 0xFF800000 : f32
    %broadcast_in_dim3A_448 = vector.broadcast %jit3A_447 : f32 to vector<128x8192xf32>
    %select_n3A_449 = arith.select %eq3A_440, %broadcast_in_dim3A_448, %select_n3A_435 : vector<128x8192xi1>, vector<128x8192xf32>
    %reduce_max3A_450 = arith.constant dense<0xFF800000> : vector<128xf32>
    %reduce_max3A_451 = vector.multi_reduction <maximumf>, %select_n3A_449, %reduce_max3A_450 [1] : vector<128x8192xf32> to vector<128xf32>
    %broadcast_in_dim3A_452 = vector.shape_cast %reduce_max3A_451 : vector<128xf32> to vector<128x1xf32>
    %eq3A_453 = vector.broadcast %broadcast_in_dim3A_452 : vector<128x1xf32> to vector<128x8192xf32>
    %eq3A_454 = arith.cmpf oeq, %select_n3A_449, %eq3A_453 : vector<128x8192xf32>
    %jit3A_455 = arith.constant 8192 : i32
    %broadcast_in_dim3A_456 = vector.broadcast %jit3A_455 : i32 to vector<128x8192xi32>
    %select_n3A_457 = arith.select %eq3A_454, %iota3A, %broadcast_in_dim3A_456 : vector<128x8192xi1>, vector<128x8192xi32>
    %reduce_min3A_458 = arith.constant dense<2147483647> : vector<128xi32>
    %reduce_min3A_459 = vector.multi_reduction <minsi>, %select_n3A_457, %reduce_min3A_458 [1] : vector<128x8192xi32> to vector<128xi32>
    %broadcast_in_dim3A_460 = vector.shape_cast %reduce_min3A_459 : vector<128xi32> to vector<128x1xi32>
    %concatenate3A = tpu.concatenate %broadcast_in_dim3A_26, %broadcast_in_dim3A_40, %broadcast_in_dim3A_54, %broadcast_in_dim3A_68, %broadcast_in_dim3A_82, %broadcast_in_dim3A_96, %broadcast_in_dim3A_110, %broadcast_in_dim3A_124, %broadcast_in_dim3A_138, %broadcast_in_dim3A_152, %broadcast_in_dim3A_166, %broadcast_in_dim3A_180, %broadcast_in_dim3A_194, %broadcast_in_dim3A_208, %broadcast_in_dim3A_222, %broadcast_in_dim3A_236, %broadcast_in_dim3A_250, %broadcast_in_dim3A_264, %broadcast_in_dim3A_278, %broadcast_in_dim3A_292, %broadcast_in_dim3A_306, %broadcast_in_dim3A_320, %broadcast_in_dim3A_334, %broadcast_in_dim3A_348, %broadcast_in_dim3A_362, %broadcast_in_dim3A_376, %broadcast_in_dim3A_390, %broadcast_in_dim3A_404, %broadcast_in_dim3A_418, %broadcast_in_dim3A_432, %broadcast_in_dim3A_446, %broadcast_in_dim3A_460 in 1 : vector<128x1xi32>, vector<128x1xi32>, vector<128x1xi32>, vector<128x1xi32>, vector<128x1xi32>, vector<128x1xi32>, vector<128x1xi32>, vector<128x1xi32>, vector<128x1xi32>, vector<128x1xi32>, vector<128x1xi32>, vector<128x1xi32>, vector<128x1xi32>, vector<128x1xi32>, vector<128x1xi32>, vector<128x1xi32>, vector<128x1xi32>, vector<128x1xi32>, vector<128x1xi32>, vector<128x1xi32>, vector<128x1xi32>, vector<128x1xi32>, vector<128x1xi32>, vector<128x1xi32>, vector<128x1xi32>, vector<128x1xi32>, vector<128x1xi32>, vector<128x1xi32>, vector<128x1xi32>, vector<128x1xi32>, vector<128x1xi32>, vector<128x1xi32> -> vector<128x32xi32>
    %swap3A = arith.constant 0 : index
    %swap3A_461 = arith.constant 0 : index
    %swap3A_462 = arith.constant 0 : index
    %swap3A_463 = vector.load %arg4[%swap3A, %swap3A_461, %swap3A_462] : memref<1x128x32xi32, #tpu.memory_space<vmem>>, vector<1x128x32xi32>
    %swap3A_464 = vector.shape_cast %swap3A_463 : vector<1x128x32xi32> to vector<128x32xi32>
    %swap3A_465 = vector.shape_cast %concatenate3A : vector<128x32xi32> to vector<1x128x32xi32>
    tpu.vector_store %arg4[%swap3A, %swap3A_461, %swap3A_462], %swap3A_465 {strides = array<i32>} : memref<1x128x32xi32, #tpu.memory_space<vmem>>, vector<1x128x32xi32>,
    return
  }
  func.func @transform_0(%arg0: i32, %arg1: i32) -> (i32, i32, i32) {
    %c0_i32 = arith.constant 0 : i32
    %c0_i32_0 = arith.constant 0 : i32
    return %arg0, %arg1, %c0_i32 : i32, i32, i32
  }
  func.func @transform_1(%arg0: i32, %arg1: i32) -> (i32, i32, i32) {
    %c0_i32 = arith.constant 0 : i32
    %c0_i32_0 = arith.constant 0 : i32
    %c0_i32_1 = arith.constant 0 : i32
    return %arg0, %c0_i32, %c0_i32_0 : i32, i32, i32
  }
  func.func @transform_2(%arg0: i32, %arg1: i32) -> (i32, i32, i32) {
    %c0_i32 = arith.constant 0 : i32
    %c0_i32_0 = arith.constant 0 : i32
    return %arg0, %arg1, %c0_i32 : i32, i32, i32
  }
}

module attributes {stable_mosaic.version = 14 : i64} {
  func.func @_attn_body(%arg0: i32, %arg1: i32, %arg2: memref<1x32x128x128xf32, #tpu.memory_space<vmem>>, %arg3: memref<1x128x128xf32, #tpu.memory_space<vmem>>, %arg4: memref<64x64xf32, #tpu.memory_space<vmem>>, %arg5: memref<64x128xf32, #tpu.memory_space<vmem>>, %arg6: memref<1x64xf32, #tpu.memory_space<vmem>>, %arg7: memref<1x64xf32, #tpu.memory_space<vmem>>, %arg8: memref<1x128xf32, #tpu.memory_space<vmem>>, %arg9: memref<1x128xf32, #tpu.memory_space<vmem>>, %arg10: memref<8x128xf32, #tpu.memory_space<vmem>>, %arg11: memref<128x128xf32, #tpu.memory_space<vmem>>, %arg12: memref<1x128x128xf32, #tpu.memory_space<vmem>>) attributes {dimension_semantics = [#tpu.dimension_semantics<arbitrary>, #tpu.dimension_semantics<arbitrary>], iteration_bounds = array<i64: 4, 8>, scalar_prefetch = 0 : i64, scratch_operands = 0 : i64, tpu.core_type = #tpu.core_type<tc>, window_params = [{transform_indices = @transform_0, window_bounds = array<i64: 1, 32, 128, 128>}, {transform_indices = @transform_1, window_bounds = array<i64: 1, 128, 128>}, {pipeline_mode = #tpu.pipeline_mode<synchronous>, transform_indices = @transform_2, window_bounds = array<i64: 64, 64>}, {pipeline_mode = #tpu.pipeline_mode<synchronous>, transform_indices = @transform_3, window_bounds = array<i64: 64, 128>}, {pipeline_mode = #tpu.pipeline_mode<synchronous>, transform_indices = @transform_4, window_bounds = array<i64: 1, 64>}, {pipeline_mode = #tpu.pipeline_mode<synchronous>, transform_indices = @transform_5, window_bounds = array<i64: 1, 64>}, {pipeline_mode = #tpu.pipeline_mode<synchronous>, transform_indices = @transform_6, window_bounds = array<i64: 1, 128>}, {pipeline_mode = #tpu.pipeline_mode<synchronous>, transform_indices = @transform_7, window_bounds = array<i64: 1, 128>}, {pipeline_mode = #tpu.pipeline_mode<synchronous>, transform_indices = @transform_8, window_bounds = array<i64: 8, 128>}, {pipeline_mode = #tpu.pipeline_mode<synchronous>, transform_indices = @transform_9, window_bounds = array<i64: 128, 128>}, {transform_indices = @transform_10, window_bounds = array<i64: 1, 128, 128>}]} {
    %get3A = arith.constant 0 : index
    %get3A_0 = arith.constant 0 : index
    %get3A_1 = arith.constant 0 : index
    %get3A_2 = vector.load %arg3[%get3A, %get3A_0, %get3A_1] : memref<1x128x128xf32, #tpu.memory_space<vmem>>, vector<1x128x128xf32>
    %get3A_3 = vector.shape_cast %get3A_2 : vector<1x128x128xf32> to vector<128x128xf32>
    %slice3A = vector.extract_strided_slice %get3A_3 {offsets = [0, 0], sizes = [128, 64], strides = [1, 1]} : vector<128x128xf32> to vector<128x64xf32>
    %slice3A_4 = vector.extract_strided_slice %slice3A {offsets = [0, 0], sizes = [128, 3], strides = [1, 1]} : vector<128x64xf32> to vector<128x3xf32>
    %get3A_5 = arith.constant 0 : index
    %get3A_6 = arith.constant 0 : index
    %get3A_7 = vector.load %arg4[%get3A_5, %get3A_6] : memref<64x64xf32, #tpu.memory_space<vmem>>, vector<64x64xf32>
    %get3A_8 = arith.constant 0 : index
    %get3A_9 = arith.constant 0 : index
    %get3A_10 = vector.load %arg5[%get3A_8, %get3A_9] : memref<64x128xf32, #tpu.memory_space<vmem>>, vector<64x128xf32>
    %get3A_11 = arith.constant 0 : index
    %get3A_12 = arith.constant 0 : index
    %get3A_13 = vector.load %arg6[%get3A_11, %get3A_12] : memref<1x64xf32, #tpu.memory_space<vmem>>, vector<1x64xf32>
    %get3A_14 = arith.constant 0 : index
    %get3A_15 = arith.constant 0 : index
    %get3A_16 = vector.load %arg7[%get3A_14, %get3A_15] : memref<1x64xf32, #tpu.memory_space<vmem>>, vector<1x64xf32>
    %get3A_17 = arith.constant 0 : index
    %get3A_18 = arith.constant 0 : index
    %get3A_19 = vector.load %arg8[%get3A_17, %get3A_18] : memref<1x128xf32, #tpu.memory_space<vmem>>, vector<1x128xf32>
    %get3A_20 = arith.constant 0 : index
    %get3A_21 = arith.constant 0 : index
    %get3A_22 = vector.load %arg9[%get3A_20, %get3A_21] : memref<1x128xf32, #tpu.memory_space<vmem>>, vector<1x128xf32>
    %get3A_23 = arith.constant 0 : index
    %get3A_24 = arith.constant 0 : index
    %get3A_25 = vector.load %arg11[%get3A_23, %get3A_24] : memref<128x128xf32, #tpu.memory_space<vmem>>, vector<128x128xf32>
    %dot_general3A = arith.constant dense<0.000000e+00> : vector<128x64xf32>
    %dot_general3A_26 = tpu.matmul %slice3A, %get3A_7, %dot_general3A {dimension_numbers = #tpu.dot_dimension_numbers<[1], [0], [0], [1], [0, 0, 1, 1], [], []>, transpose_lhs_hint = false} : vector<128x64xf32>, vector<64x64xf32>, vector<128x64xf32> -> vector<128x64xf32>
    %mul3A = vector.broadcast %get3A_13 : vector<1x64xf32> to vector<128x64xf32>
    %mul3A_27 = arith.mulf %dot_general3A_26, %mul3A : vector<128x64xf32>
    %add3A = vector.broadcast %get3A_16 : vector<1x64xf32> to vector<128x64xf32>
    %add3A_28 = arith.addf %mul3A_27, %add3A : vector<128x64xf32>
    %max3A = arith.constant 0.000000e+00 : f32
    %max3A_29 = vector.broadcast %max3A : f32 to vector<128x64xf32>
    %max3A_30 = arith.maximumf %add3A_28, %max3A_29 : vector<128x64xf32>
    %dot_general3A_31 = arith.constant dense<0.000000e+00> : vector<128x128xf32>
    %dot_general3A_32 = tpu.matmul %max3A_30, %get3A_10, %dot_general3A_31 {dimension_numbers = #tpu.dot_dimension_numbers<[1], [0], [0], [1], [0, 0, 1, 1], [], []>, transpose_lhs_hint = false} : vector<128x64xf32>, vector<64x128xf32>, vector<128x128xf32> -> vector<128x128xf32>
    %mul3A_33 = vector.broadcast %get3A_19 : vector<1x128xf32> to vector<128x128xf32>
    %mul3A_34 = arith.mulf %dot_general3A_32, %mul3A_33 : vector<128x128xf32>
    %add3A_35 = vector.broadcast %get3A_22 : vector<1x128xf32> to vector<128x128xf32>
    %add3A_36 = arith.addf %mul3A_34, %add3A_35 : vector<128x128xf32>
    %max3A_37 = arith.constant 0.000000e+00 : f32
    %max3A_38 = vector.broadcast %max3A_37 : f32 to vector<128x128xf32>
    %max3A_39 = arith.maximumf %add3A_36, %max3A_38 : vector<128x128xf32>
    %broadcast_in_dim3A = arith.constant 0.000000e+00 : f32
    %broadcast_in_dim3A_40 = vector.broadcast %broadcast_in_dim3A : f32 to vector<128x61xf32>
    %concatenate3A = tpu.concatenate %slice3A_4, %broadcast_in_dim3A_40 in 1 : vector<128x3xf32>, vector<128x61xf32> -> vector<128x64xf32>
    %get3A_41 = arith.constant 0 : index
    %get3A_42 = arith.constant 0 : index
    %get3A_43 = vector.load %arg10[%get3A_41, %get3A_42] : memref<8x128xf32, #tpu.memory_space<vmem>>, vector<1x128xf32>
    %get3A_44 = arith.constant 1 : index
    %get3A_45 = arith.constant 0 : index
    %get3A_46 = vector.load %arg10[%get3A_44, %get3A_45] : memref<8x128xf32, #tpu.memory_space<vmem>>, vector<1x128xf32>
    %get3A_47 = arith.constant 2 : index
    %get3A_48 = arith.constant 0 : index
    %get3A_49 = vector.load %arg10[%get3A_47, %get3A_48] : memref<8x128xf32, #tpu.memory_space<vmem>>, vector<1x128xf32>
    %get3A_50 = arith.constant 0 : index
    %get3A_51 = arith.constant 0 : index
    %get3A_52 = arith.constant 0 : index
    %get3A_53 = arith.constant 0 : index
    %get3A_54 = vector.load %arg2[%get3A_50, %get3A_51, %get3A_52, %get3A_53] : memref<1x32x128x128xf32, #tpu.memory_space<vmem>>, vector<1x32x128x128xf32>
    %get3A_55 = vector.shape_cast %get3A_54 : vector<1x32x128x128xf32> to vector<32x128x128xf32>
    %slice3A_56 = vector.extract_strided_slice %get3A_55 {offsets = [0, 0, 0], sizes = [32, 128, 64], strides = [1, 1, 1]} : vector<32x128x128xf32> to vector<32x128x64xf32>
    %broadcast_in_dim3A_57 = vector.shape_cast %concatenate3A : vector<128x64xf32> to vector<1x128x64xf32>
    %sub3A = vector.broadcast %broadcast_in_dim3A_57 : vector<1x128x64xf32> to vector<32x128x64xf32>
    %sub3A_58 = arith.subf %slice3A_56, %sub3A : vector<32x128x64xf32>
    %reshape3A = vector.shape_cast %sub3A_58 : vector<32x128x64xf32> to vector<4096x64xf32>
    %dot_general3A_59 = arith.constant dense<0.000000e+00> : vector<4096x64xf32>
    %dot_general3A_60 = tpu.matmul %reshape3A, %get3A_7, %dot_general3A_59 {dimension_numbers = #tpu.dot_dimension_numbers<[1], [0], [0], [1], [0, 0, 1, 1], [], []>, transpose_lhs_hint = false} : vector<4096x64xf32>, vector<64x64xf32>, vector<4096x64xf32> -> vector<4096x64xf32>
    %mul3A_61 = vector.broadcast %get3A_13 : vector<1x64xf32> to vector<4096x64xf32>
    %mul3A_62 = arith.mulf %dot_general3A_60, %mul3A_61 : vector<4096x64xf32>
    %add3A_63 = vector.broadcast %get3A_16 : vector<1x64xf32> to vector<4096x64xf32>
    %add3A_64 = arith.addf %mul3A_62, %add3A_63 : vector<4096x64xf32>
    %max3A_65 = arith.constant 0.000000e+00 : f32
    %max3A_66 = vector.broadcast %max3A_65 : f32 to vector<4096x64xf32>
    %max3A_67 = arith.maximumf %add3A_64, %max3A_66 : vector<4096x64xf32>
    %dot_general3A_68 = arith.constant dense<0.000000e+00> : vector<4096x128xf32>
    %dot_general3A_69 = tpu.matmul %max3A_67, %get3A_10, %dot_general3A_68 {dimension_numbers = #tpu.dot_dimension_numbers<[1], [0], [0], [1], [0, 0, 1, 1], [], []>, transpose_lhs_hint = false} : vector<4096x64xf32>, vector<64x128xf32>, vector<4096x128xf32> -> vector<4096x128xf32>
    %mul3A_70 = vector.broadcast %get3A_19 : vector<1x128xf32> to vector<4096x128xf32>
    %mul3A_71 = arith.mulf %dot_general3A_69, %mul3A_70 : vector<4096x128xf32>
    %add3A_72 = vector.broadcast %get3A_22 : vector<1x128xf32> to vector<4096x128xf32>
    %add3A_73 = arith.addf %mul3A_71, %add3A_72 : vector<4096x128xf32>
    %max3A_74 = arith.constant 0.000000e+00 : f32
    %max3A_75 = vector.broadcast %max3A_74 : f32 to vector<4096x128xf32>
    %max3A_76 = arith.maximumf %add3A_73, %max3A_75 : vector<4096x128xf32>
    %reshape3A_77 = vector.shape_cast %max3A_76 : vector<4096x128xf32> to vector<32x128x128xf32>
    %broadcast_in_dim3A_78 = vector.shape_cast %max3A_39 : vector<128x128xf32> to vector<1x128x128xf32>
    %sub3A_79 = vector.broadcast %broadcast_in_dim3A_78 : vector<1x128x128xf32> to vector<32x128x128xf32>
    %sub3A_80 = arith.subf %sub3A_79, %reshape3A_77 : vector<32x128x128xf32>
    %reshape3A_81 = vector.shape_cast %sub3A_80 : vector<32x128x128xf32> to vector<4096x128xf32>
    %broadcast_in_dim3A_82 = vector.shape_cast %slice3A_4 : vector<128x3xf32> to vector<1x128x3xf32>
    %slice3A_83 = vector.extract_strided_slice %slice3A_56 {offsets = [0, 0, 0], sizes = [32, 128, 3], strides = [1, 1, 1]} : vector<32x128x64xf32> to vector<32x128x3xf32>
    %sub3A_84 = vector.broadcast %broadcast_in_dim3A_82 : vector<1x128x3xf32> to vector<32x128x3xf32>
    %sub3A_85 = arith.subf %sub3A_84, %slice3A_83 : vector<32x128x3xf32>
    %dot_general3A_86 = arith.constant dense<0.000000e+00> : vector<4096x128xf32>
    %dot_general3A_87 = tpu.matmul %reshape3A_81, %get3A_25, %dot_general3A_86 {dimension_numbers = #tpu.dot_dimension_numbers<[1], [0], [0], [1], [0, 0, 1, 1], [], []>, transpose_lhs_hint = false} : vector<4096x128xf32>, vector<128x128xf32>, vector<4096x128xf32> -> vector<4096x128xf32>
    %reshape3A_88 = vector.shape_cast %dot_general3A_87 : vector<4096x128xf32> to vector<32x128x128xf32>
    %slice3A_89 = vector.extract_strided_slice %sub3A_85 {offsets = [0, 0, 0], sizes = [32, 128, 1], strides = [1, 1, 1]} : vector<32x128x3xf32> to vector<32x128x1xf32>
    %broadcast_in_dim3A_90 = vector.shape_cast %get3A_43 : vector<1x128xf32> to vector<1x1x128xf32>
    %mul3A_91 = vector.broadcast %slice3A_89 : vector<32x128x1xf32> to vector<32x128x128xf32>
    %mul3A_92 = vector.broadcast %broadcast_in_dim3A_90 : vector<1x1x128xf32> to vector<32x128x128xf32>
    %mul3A_93 = arith.mulf %mul3A_91, %mul3A_92 : vector<32x128x128xf32>
    %add3A_94 = arith.addf %reshape3A_88, %mul3A_93 : vector<32x128x128xf32>
    %slice3A_95 = vector.extract_strided_slice %sub3A_85 {offsets = [0, 0, 1], sizes = [32, 128, 1], strides = [1, 1, 1]} : vector<32x128x3xf32> to vector<32x128x1xf32>
    %broadcast_in_dim3A_96 = vector.shape_cast %get3A_46 : vector<1x128xf32> to vector<1x1x128xf32>
    %mul3A_97 = vector.broadcast %slice3A_95 : vector<32x128x1xf32> to vector<32x128x128xf32>
    %mul3A_98 = vector.broadcast %broadcast_in_dim3A_96 : vector<1x1x128xf32> to vector<32x128x128xf32>
    %mul3A_99 = arith.mulf %mul3A_97, %mul3A_98 : vector<32x128x128xf32>
    %add3A_100 = arith.addf %add3A_94, %mul3A_99 : vector<32x128x128xf32>
    %slice3A_101 = vector.extract_strided_slice %sub3A_85 {offsets = [0, 0, 2], sizes = [32, 128, 1], strides = [1, 1, 1]} : vector<32x128x3xf32> to vector<32x128x1xf32>
    %broadcast_in_dim3A_102 = vector.shape_cast %get3A_49 : vector<1x128xf32> to vector<1x1x128xf32>
    %mul3A_103 = vector.broadcast %slice3A_101 : vector<32x128x1xf32> to vector<32x128x128xf32>
    %mul3A_104 = vector.broadcast %broadcast_in_dim3A_102 : vector<1x1x128xf32> to vector<32x128x128xf32>
    %mul3A_105 = arith.mulf %mul3A_103, %mul3A_104 : vector<32x128x128xf32>
    %add3A_106 = arith.addf %add3A_100, %mul3A_105 : vector<32x128x128xf32>
    %ge3A = arith.constant 0.000000e+00 : f32
    %ge3A_107 = vector.broadcast %ge3A : f32 to vector<32x128x128xf32>
    %ge3A_108 = arith.cmpf oge, %add3A_106, %ge3A_107 : vector<32x128x128xf32>
    %mul3A_109 = arith.constant 2.000000e-01 : f32
    %mul3A_110 = vector.broadcast %mul3A_109 : f32 to vector<32x128x128xf32>
    %mul3A_111 = arith.mulf %mul3A_110, %add3A_106 : vector<32x128x128xf32>
    %select_n3A = arith.select %ge3A_108, %add3A_106, %mul3A_111 : vector<32x128x128xi1>, vector<32x128x128xf32>
    %reduce_max3A = arith.constant dense<0xFF800000> : vector<128x128xf32>
    %reduce_max3A_112 = vector.multi_reduction <maximumf>, %select_n3A, %reduce_max3A [0] : vector<32x128x128xf32> to vector<128x128xf32>
    %broadcast_in_dim3A_113 = vector.shape_cast %reduce_max3A_112 : vector<128x128xf32> to vector<1x128x128xf32>
    %sub3A_114 = vector.broadcast %broadcast_in_dim3A_113 : vector<1x128x128xf32> to vector<32x128x128xf32>
    %sub3A_115 = arith.subf %select_n3A, %sub3A_114 : vector<32x128x128xf32>
    %exp3A = math.exp %sub3A_115 : vector<32x128x128xf32>
    %reduce_sum3A = arith.constant dense<0.000000e+00> : vector<128x128xf32>
    %reduce_sum3A_116 = vector.multi_reduction <add>, %exp3A, %reduce_sum3A [0] : vector<32x128x128xf32> to vector<128x128xf32>
    %mul3A_117 = arith.mulf %exp3A, %reshape3A_77 : vector<32x128x128xf32>
    %reduce_sum3A_118 = arith.constant dense<0.000000e+00> : vector<128x128xf32>
    %reduce_sum3A_119 = vector.multi_reduction <add>, %mul3A_117, %reduce_sum3A_118 [0] : vector<32x128x128xf32> to vector<128x128xf32>
    %div3A = arith.divf %reduce_sum3A_119, %reduce_sum3A_116 : vector<128x128xf32>
    %swap3A = arith.constant 0 : index
    %swap3A_120 = arith.constant 0 : index
    %swap3A_121 = arith.constant 0 : index
    %swap3A_122 = vector.load %arg12[%swap3A, %swap3A_120, %swap3A_121] : memref<1x128x128xf32, #tpu.memory_space<vmem>>, vector<1x128x128xf32>
    %swap3A_123 = vector.shape_cast %swap3A_122 : vector<1x128x128xf32> to vector<128x128xf32>
    %swap3A_124 = vector.shape_cast %div3A : vector<128x128xf32> to vector<1x128x128xf32>
    tpu.vector_store %arg12[%swap3A, %swap3A_120, %swap3A_121], %swap3A_124 {strides = array<i32>} : memref<1x128x128xf32, #tpu.memory_space<vmem>>, vector<1x128x128xf32>,
    return
  }
  func.func @transform_0(%arg0: i32, %arg1: i32) -> (i32, i32, i32, i32) {
    %c0_i32 = arith.constant 0 : i32
    %c0_i32_0 = arith.constant 0 : i32
    %c0_i32_1 = arith.constant 0 : i32
    return %arg0, %c0_i32, %arg1, %c0_i32_0 : i32, i32, i32, i32
  }
  func.func @transform_1(%arg0: i32, %arg1: i32) -> (i32, i32, i32) {
    %c0_i32 = arith.constant 0 : i32
    %c0_i32_0 = arith.constant 0 : i32
    return %arg0, %arg1, %c0_i32 : i32, i32, i32
  }
  func.func @transform_2(%arg0: i32, %arg1: i32) -> (i32, i32) {
    %c0_i32 = arith.constant 0 : i32
    %c0_i32_0 = arith.constant 0 : i32
    %c0_i32_1 = arith.constant 0 : i32
    return %c0_i32, %c0_i32_0 : i32, i32
  }
  func.func @transform_3(%arg0: i32, %arg1: i32) -> (i32, i32) {
    %c0_i32 = arith.constant 0 : i32
    %c0_i32_0 = arith.constant 0 : i32
    %c0_i32_1 = arith.constant 0 : i32
    return %c0_i32, %c0_i32_0 : i32, i32
  }
  func.func @transform_4(%arg0: i32, %arg1: i32) -> (i32, i32) {
    %c0_i32 = arith.constant 0 : i32
    %c0_i32_0 = arith.constant 0 : i32
    %c0_i32_1 = arith.constant 0 : i32
    return %c0_i32, %c0_i32_0 : i32, i32
  }
  func.func @transform_5(%arg0: i32, %arg1: i32) -> (i32, i32) {
    %c0_i32 = arith.constant 0 : i32
    %c0_i32_0 = arith.constant 0 : i32
    %c0_i32_1 = arith.constant 0 : i32
    return %c0_i32, %c0_i32_0 : i32, i32
  }
  func.func @transform_6(%arg0: i32, %arg1: i32) -> (i32, i32) {
    %c0_i32 = arith.constant 0 : i32
    %c0_i32_0 = arith.constant 0 : i32
    %c0_i32_1 = arith.constant 0 : i32
    return %c0_i32, %c0_i32_0 : i32, i32
  }
  func.func @transform_7(%arg0: i32, %arg1: i32) -> (i32, i32) {
    %c0_i32 = arith.constant 0 : i32
    %c0_i32_0 = arith.constant 0 : i32
    %c0_i32_1 = arith.constant 0 : i32
    return %c0_i32, %c0_i32_0 : i32, i32
  }
  func.func @transform_8(%arg0: i32, %arg1: i32) -> (i32, i32) {
    %c0_i32 = arith.constant 0 : i32
    %c0_i32_0 = arith.constant 0 : i32
    %c0_i32_1 = arith.constant 0 : i32
    return %c0_i32, %c0_i32_0 : i32, i32
  }
  func.func @transform_9(%arg0: i32, %arg1: i32) -> (i32, i32) {
    %c0_i32 = arith.constant 0 : i32
    %c0_i32_0 = arith.constant 0 : i32
    %c0_i32_1 = arith.constant 0 : i32
    return %c0_i32, %c0_i32_0 : i32, i32
  }
  func.func @transform_10(%arg0: i32, %arg1: i32) -> (i32, i32, i32) {
    %c0_i32 = arith.constant 0 : i32
    %c0_i32_0 = arith.constant 0 : i32
    return %arg0, %arg1, %c0_i32 : i32, i32, i32
  }
}

</mosaic_0001>

<sc_bundles>
// kernel: kernel.10.cloned.1.call-start
scs
__scs_entry_jumppad:
0x0: {  	(pc) =	sbr.rel $0x88, $3  }
0x1: {  	(tag) =	ssettag $0x0;
	lr =	simm.s32 $0x1  }
0x2: {  	[smem:$0x3F96] =	sst lr;
	_ =	strace $0xD0000000  }
0x3: {  	_ = 	snop  }
0x4: {  	_ = 	snop  }
0x5: {  	_ = 	snop  }
0x6: {  	_ = 	snop  }
0x7: {  	_ = 	snop  }
__scs_overlays_trampoline_lowered:
0x8: {  	[smem:$0x3FA5] =	sst s0  }
0x9: {  	[smem:$0x3FA6] =	sst s1  }
0xa: {  	[smem:$0x3FA7] =	sst s2  }
0xb: {  	[smem:$0x3FA8] =	sst s3  }
0xc: {  	[smem:$0x3FA9] =	sst s4  }
0xd: {  	[smem:$0x3FAA] =	sst s5  }
0xe: {  	[smem:$0x3FAB] =	sst s6  }
0xf: {  	[smem:$0x3FAC] =	sst s7  }
0x10: {  	[smem:$0x3FAD] =	sst s8  }
0x11: {  	[smem:$0x3FAE] =	sst s9;
	s0 =	simm.s32 @!p0 $0x0  }
0x12: {  	s1 =	sld [smem:$0x3F94];
	s0 =	simm.s32 @p0 $0x1  }
0x13: {  	[smem:$0x3FAF] =	sst s0;
	s0 =	simm.s32 @!p1 $0x0  }
0x14: {  	s2 =	sld [smem:$0x3F93];
	s0 =	simm.s32 @p1 $0x1  }
0x15: {  	[smem:$0x3FB0] =	sst s0;
	s0 =	simm.s32 @!p2 $0x0  }
0x16: {  	s3 =	sld [smem:$0x3FDB];
	s0 =	simm.s32 @p2 $0x1  }
0x17: {  	s4 =	simm.s32 $0x1BF5;
	[smem:$0x3FB2] =	sst s0  }
0x18: {  	s0 =	sld [smem:$0x3F95];
	_ =	swait.ge [sflag:s4], $0x0  }
0x19: {  	s7 =	sld [smem:$0x3F96]  }
0x1a: {  	s8 =	sadd.s32 $0xFFFFE003, lr  }
0x1b: {  	s9 =	sadd.s32 $0xFFFFFEF7, lr;
	s5 =	simm.s32 $0xFFFFFFFF;
	p2 =	slt.u32 s8, $0xFFFFF086  }
0x1c: {  	p1 =	slt.u32 s9, $0xF7A;
	s5 =	simm.s32 @!p2 $0x0  }
0x1d: {  	s5 =	simm.s32 @p1 $0x1;
	p0 =	seq.s32 s7, s2  }
0x1e: {  	s7 =	smul.u32 @!p0 $0xF7A, s2;
	p2 =	seq.s32 @!p0 s5, $0x0  }
0x1f: {  	s9 =	smul.u32 $0xF7A, s1;
	s8 =	simm.s32 @!p0 $0x1BF5;
	p2 =	por !p2, p0  }
0x20: {  	[sflag:s8] =	ssyncset.s32 @!p0 $0xFFFFF086;
	s6 =	sadd.s32 @!p0 s3, s7;
	s7 =	simm.s32 @!p0 $0x108  }
0x21: {  	s3 =	sadd.s32 s3, s9;
	s6 =	sadd.s32 @!p0 $0x88, s6;
	s7 =	simm.s32 @p2 $0x1082  }
0x22: {  	[simem:s7], [sflag:s8] =	dma.local @!p0 [hbm:s6], $0xF7A  }
0x23: {  	s9 =	sor.u32 $0xD0000000, s2;
	s6 =	simm.s32 $0x108;
	_ =	swait.ge @!p0 [sflag:s8], $0x0  }
0x24: {  	s3 =	sadd.s32 $0x88, s3;
	s6 =	simm.s32 @!p1 $0x1082;
	[sflag:s4] =	ssyncset.s32 $0xFFFFF086  }
0x25: {  	[simem:s6], [sflag:s4] =	dma.local [hbm:s3], $0xF7A  }
0x26: {  	[smem:$0x3F96] =	sst s1;
	(tag) =	ssettag s2;
	_ =	strace s9  }
0x27: {  	s1 =	sld [smem:$0x3FA6]  }
0x28: {  	s2 =	sld [smem:$0x3FA7]  }
0x29: {  	s4 =	sld [smem:$0x3FA9]  }
0x2a: {  	p0 =	seq.s32 s5, $0x0;
	s5 =	sld [smem:$0x3FAA]  }
0x2b: {  	s6 =	sld [smem:$0x3FAB]  }
0x2c: {  	s7 =	sld [smem:$0x3FAC]  }
0x2d: {  	s3 =	simm.s32 $0x108;
	s8 =	sld [smem:$0x3FAD]  }
0x2e: {  	s3 =	simm.s32 @!p0 $0x1082;
	s9 =	sld [smem:$0x3FAE]  }
0x2f: {  	lr =	sadd.s32 s0, s3;
	s0 =	sld [smem:$0x3FA5]  }
0x30: {  	s3 =	sld [smem:$0x3FA8]  }
0x31: {  	[smem:$0x3FB1] =	sst s10  }
0x32: {  	s10 =	sld [smem:$0x3FAF];
	_ =	sdelay $0x3  }
0x33: {  	p0 =	seq.s32 s10, $0x1;
	s10 =	sld [smem:$0x3FB1];
	_ =	sdelay $0x3  }
0x34: {  	[smem:$0x3FB1] =	sst s10  }
0x35: {  	s10 =	sld [smem:$0x3FB0];
	_ =	sdelay $0x3  }
0x36: {  	p1 =	seq.s32 s10, $0x1;
	s10 =	sld [smem:$0x3FB1];
	_ =	sdelay $0x3  }
0x37: {  	[smem:$0x3FB1] =	sst s10  }
0x38: {  	s10 =	sld [smem:$0x3FB2]  }
0x39: {  	_ = 	snop;
	(pc) =	sbr.ind lr, $3  }
0x3a: {  	_ = 	snop  }
0x3b: {  	_ = 	snop  }
0x3c: {  	p2 =	seq.s32 s10, $0x1;
	s10 =	sld [smem:$0x3FB1]  }
0x3d: {  	_ =	shalt  }
0x3e: {  	_ =	shalt  }
0x3f: {  	_ =	shalt  }
0x40: {  	_ =	shalt  }
0x41: {  	_ =	shalt  }
0x42: {  	_ =	shalt  }
0x43: {  	_ =	shalt  }
0x44: {  	_ =	shalt  }
0x45: {  	_ =	shalt  }
0x46: {  	_ =	shalt  }
0x47: {  	_ =	shalt  }
0x48: {  	_ =	shalt  }
0x49: {  	_ =	shalt  }
0x4a: {  	_ =	shalt  }
0x4b: {  	_ =	shalt  }
0x4c: {  	_ =	shalt  }
0x4d: {  	_ =	shalt  }
0x4e: {  	_ =	shalt  }
0x4f: {  	_ =	shalt  }
0x50: {  	_ =	shalt  }
0x51: {  	_ =	shalt  }
0x52: {  	_ =	shalt  }
0x53: {  	_ =	shalt  }
0x54: {  	_ =	shalt  }
0x55: {  	_ =	shalt  }
0x56: {  	_ =	shalt  }
0x57: {  	_ =	shalt  }
0x58: {  	_ =	shalt  }
0x59: {  	_ =	shalt  }
0x5a: {  	_ =	shalt  }
0x5b: {  	_ =	shalt  }
0x5c: {  	_ =	shalt  }
0x5d: {  	_ =	shalt  }
0x5e: {  	_ =	shalt  }
0x5f: {  	_ =	shalt  }
0x60: {  	_ =	shalt  }
0x61: {  	_ =	shalt  }
0x62: {  	_ =	shalt  }
0x63: {  	_ =	shalt  }
0x64: {  	_ =	shalt  }
0x65: {  	_ =	shalt  }
0x66: {  	_ =	shalt  }
0x67: {  	_ =	shalt  }
0x68: {  	_ =	shalt  }
0x69: {  	_ =	shalt  }
0x6a: {  	_ =	shalt  }
0x6b: {  	_ =	shalt  }
0x6c: {  	_ =	shalt  }
0x6d: {  	_ =	shalt  }
0x6e: {  	_ =	shalt  }
0x6f: {  	_ =	shalt  }
0x70: {  	_ =	shalt  }
0x71: {  	_ =	shalt  }
0x72: {  	_ =	shalt  }
0x73: {  	_ =	shalt  }
0x74: {  	_ =	shalt  }
0x75: {  	_ =	shalt  }
0x76: {  	_ =	shalt  }
0x77: {  	_ =	shalt  }
0x78: {  	_ =	shalt  }
0x79: {  	_ =	shalt  }
0x7a: {  	_ =	shalt  }
0x7b: {  	_ =	shalt  }
0x7c: {  	_ =	shalt  }
0x7d: {  	_ =	shalt  }
0x7e: {  	_ =	shalt  }
0x7f: {  	_ =	shalt  }
0x80: {  	_ =	shalt  }
0x81: {  	_ =	shalt  }
0x82: {  	_ =	shalt  }
0x83: {  	_ =	shalt  }
0x84: {  	_ =	shalt  }
0x85: {  	_ =	shalt  }
0x86: {  	_ =	shalt  }
0x87: {  	_ =	shalt  }
.Lfunc_end0:
.L_simem_size_0:
called_computation.1_lowered:
.L_overlay_start_0:
0x88: {  	s2 =	sld [smem:$0x3FD9]  }
0x89: {  	s3 =	sld [smem:$0x3FFE];
	_ =	sdelay $0x1  }
0x8a: {  	s1 =	srdreg.scid  }
0x8b: {  	s0 =	sand.u32 $0x1, s1  }
0x8c: {  	s16 =	sshll.u32 s0, $0xA;
	s2 =	sadd.s32 s3, s2  }
0x8d: {  	s2 =	sadd.s32 s2, s16  }
0x8e: {  	[smem:$0x3FBD] =	sst s2  }
0x8f: {  	_ = 	snop  }
0x90: {  	(tm) =	ssettm $0x1  }
0x91: {  	s17 =	sld [smem:$0x3FFB];
	_ =	sdelay $0x3  }
0x92: {  	_ =	strace s17  }
0x93: {  	s2 =	sld [smem:$0x3FFC];
	_ =	sdelay $0x3  }
0x94: {  	_ =	strace s2  }
0x95: {  	s2 =	sld [smem:$0x3FFD];
	_ =	sdelay $0x3  }
0x96: {  	_ =	strace s2  }
0x97: {  	_ =	strace $0x8FFFFFFF  }
0x98: {  	s18 =	sld [smem:$0x3FDB];
	_ =	sdelay $0x1  }
0x99: {  	s19 =	simm.s32 $_scs_section_size  }
0x9a: {  	s4 =	simm.s32 $_size__tile_overlayer_lowered;
	s5 =	simm.s32 $_tile_overlayer_lowered  }
0x9b: {  	s22 =	simm.s32 $0x1BFF;
	s21 =	sshll.u32 s5, $0x1;
	s2 =	sadd.s32 s19, s18  }
0x9c: {  	s6 =	simm.s32 $0x0;
	s20 =	sshll.u32 s4, $0x1;
	s4 =	sadd.s32 s21, s2  }
0x9d: {  	[timem:s6], [sflag:s22] =	dma.local [hbm:s4], s20  }
0x9e: {  	_ =	swait.ge [sflag:s22], s20  }
0x9f: {  	s3 =	ssub.s32 $0x0, s20;
	[sflag:s22] =	ssyncset.done $0x0  }
0xa0: {  	[sflag:s22] =	ssyncadd.s32 s3;
	_ =	sdelay $0x1  }
0xa1: {  	s23 =	simm.s32 $0x1B8B  }
0xa2: {  	_ =	swait.ge [sflag:s23], $0x1  }
0xa3: {  	[sflag:s23] =	ssyncset.done $0x0  }
0xa4: {  	s25 =	simm.s32 $0x1B8E;
	s24 =	sld [smem:$0x3FFE];
	[sflag:s23] =	ssyncadd.s32 $0xFFFFFFFF  }
0xa5: {  	s26 =	simm.s32 $execute0_lowered;
	[smem:$0x3FD2] =	sst s25  }
0xa6: {  	s4 =	sshll.u32 s26, $0x1;
	_ =	strace $0x80000049;
	[dreg:$0x1] =	wrdreg $0xFFFFFFFF  }
0xa7: {  	s28 =	simm.s32 $_size_execute0_lowered;
	s2 =	sadd.s32 s2, s4;
	[dreg:$0x0] =	wrdreg $0x0  }
0xa8: {  	s4 =	sshll.u32 s28, $0x1;
	[dreg:$0x2] =	wrdreg s2  }
0xa9: {  	[dreg:$0x3] =	wrdreg s4  }
0xaa: {  	[dreg:$0x4] =	wrdreg $0xC0  }
0xab: {  	_ =	task [dreg:s6], $0x5FFFF  }
0xac: {  	[dreg:$0x1] =	wrdreg $0xFFFFFFFF  }
0xad: {  	[dreg:$0x0] =	wrdreg $0x60  }
0xae: {  	[dreg:$0x2] =	wrdreg s24  }
0xaf: {  	[dreg:$0x3] =	wrdreg $0x9  }
0xb0: {  	_ =	task.clear_ibuf [dreg:s6], $0x4FFFF;
	_ =	strace $0x90000049  }
0xb1: {  	s29 =	simm.s32 $0x9;
	_ =	strace $0x8000004B  }
0xb2: {  	_ =	swait.ge [sflag:s29], $0x1  }
0xb3: {  	[sflag:s29] =	ssyncadd.s32 $0xFFFFFFFF  }
0xb4: {  	_ =	strace $0x9000004B  }
0xb5: {  	_ =	sfence  }
0xb6: {  	s30 =	sld [smem:$0x0];
	_ =	sdelay $0x2  }
0xb7: {  	s31 =	sshll.u32 s1, $0xD;
	s1 =	sshrl.u32 s1, $0x2  }
0xb8: {  	s3 =	sand.u32 $0x4000, s31;
	s1 =	sadd.s32 s1, s30  }
0xb9: {  	s0 =	sor.u32 s3, s0;
	s1 =	sshll.u32 s1, $0x11  }
0xba: {  	s0 =	sor.u32 s1, s0  }
0xbb: {  	s0 =	sadd.s32 $0x8F2B, s0  }
0xbc: {  	[sflag:s0] =	ssyncadd.remote.s32 $0x1  }
0xbd: {  	_ =	sfence.sel $0xFFFF  }
0xbe: {  	[dreg:$0x0] =	wrdreg $0xFFFFFFFF;
	(pc) =	sbr.abs _section_cstart, $3  }
0xbf: {  	[dreg:$0x1] =	wrdreg $0xFFFFFFFF  }
0xc0: {  	_ =	task.clear_ibuf [dreg:s6], $0x2FFFF;
	_ =	strace $0x9FFFFFFF  }
0xc1: {  	(tm) =	ssettm $0x7FFFFFFF  }
tec
execute0_lowered:
.L_overlay_start_1:
0x0: {  	(tag) =	ssettag $0x1  }
0x1: {  	s4 =	rddreg [dreg:$0x0]  }
0x2: {  	s0 =	rddreg [dreg:$0x1];
	s2 =	simm.s32 $0x0;
	s3 =	srdreg.scid  }
0x3: {  	s1 =	stileid.u32;
	s10 =	simm.s32 $0x1;
	s11 =	simm.s32 $0x0  }
0x4: {  	[smem:$0x7FF] =	sst s2;
	s5 =	sand.u32 $0x1, s3;
	s6 =	sshll.u32 s1, $0xA  }
0x5: {  	s3 =	sadd.s32 $0x82200, s4;
	s8 =	sshll.u32 s1, $0x11;
	_ =	strace $0x8000004A  }
0x6: {  	s7 =	sshll.u32 s5, $0x9;
	s29 =	ssub.s32 $0x2, s5;
	s8 =	sadd.s32 s8, s4  }
0x7: {  	s30 =	sshll.u32 s5, $0x10;
	s6 =	sor.u32 s7, s6;
	s9 =	sshrl.u32 s29, $0x1  }
0x8: {  	s31 =	sadd.s32 s30, s8;
	s8 =	simm.s32 $0x80;
	s6 =	sadd.s32 s6, s4  }
0x9: {  	s7 =	ssub.s32 s29, s9;
	s9 =	simm.s32 $0x1000;
	s4 =	sadd.s32 $0x2200, s6  }
0xa: {  	s5 =	smax.u32 s7, $0x1;
	s6 =	sadd.s32 $0x102200, s31;
	s7 =	simm.s32 $0x2  }
.LBB2_1:
0xb: {  	[tilespmem:s2], [sflag:$0x2] =	stream.linear.gather [hbm4b:s4+s2], $0x1000, $0x38;
	[tilespmem:$0x5000] =	vst v63  }
0xc: {  	_ =	swait.ge [sflag:s7], $0x1000  }
0xd: {  	[sflag:s7] =	ssyncset.done $0x0  }
0xe: {  	s12 =	simm.s32 $0x0;
	[sflag:s7] =	ssyncadd.s32 $0xFFFFF000  }
0xf: {  	[tilespmem:s9], [sflag:$0x1] =	stream.indirect.gather [hbm4b:s3+s8], $0x80, s12, s8, $0xb8;
	[tilespmem:$0x5000] =	vst v63  }
0x10: {  	_ =	swait.ge [sflag:s10], $0x4000  }
0x11: {  	[sflag:s10] =	ssyncset.done $0x0  }
0x12: {  	[sflag:s10] =	ssyncadd.s32 $0xFFFFC000  }
0x13: {  	[hbm4b:s6+s2] =	stream.linear.scatter [tilespmem:s9], [sflag:$0x2], $0x4000, $0x38;
	[tilespmem:$0x5000] =	vst v63  }
0x14: {  	s13 =	simm.s32 $0x200;
	_ =	swait.ge [sflag:s7], $0x4000  }
0x15: {  	s14 =	simm.s32 $0x400;
	s12 =	sadd.s32 $0x800, s6;
	[sflag:s7] =	ssyncset.done $0x0  }
.LBB2_2:
0x16: {  	s15 =	sshra.s32 s13, $0x2  }
0x17: {  	[sflag:s7] =	ssyncadd.s32 $0xFFFFC000;
	s13 =	smov.u32 s14;
	s16 =	sadd.s32 $0x200, s14  }
0x18: {  	[tilespmem:s9], [sflag:$0x1] =	stream.indirect.gather [hbm4b:s3+s8], $0x80, s15, s8, $0xb8;
	[tilespmem:$0x5000] =	vst v63  }
0x19: {  	p0 =	sne.s32 s14, $0x3E00;
	_ =	swait.ge [sflag:s10], $0x4000  }
.Ltmp0:
0x1a: {  	[sflag:s10] =	ssyncset.done $0x0;
	(pc) =	sbr.rel @p0 .LBB2_2-.Ltmp0, $4  }
0x1b: {  	[sflag:s10] =	ssyncadd.s32 $0xFFFFC000  }
0x1c: {  	[hbm4b:s12+s2] =	stream.linear.scatter [tilespmem:s9], [sflag:$0x2], $0x4000, $0x38;
	[tilespmem:$0x5000] =	vst v63  }
0x1d: {  	_ =	swait.ge [sflag:s7], $0x4000  }
0x1e: {  	s14 =	smov.u32 s16;
	s12 =	sadd.s32 $0x800, s12;
	[sflag:s7] =	ssyncset.done $0x0  }
0x1f: {  	s13 =	sshra.s32 s13, $0x2;
	[sflag:s7] =	ssyncadd.s32 $0xFFFFC000  }
0x20: {  	[tilespmem:s9], [sflag:$0x1] =	stream.indirect.gather [hbm4b:s3+s8], $0x80, s13, s8, $0xb8;
	[tilespmem:$0x5000] =	vst v63  }
0x21: {  	s11 =	sadd.s32 $0x1, s11;
	_ =	swait.ge [sflag:s10], $0x4000  }
0x22: {  	p0 =	sne.s32 s11, s5;
	[sflag:s10] =	ssyncset.done $0x0  }
.Ltmp1:
0x23: {  	[sflag:s10] =	ssyncadd.s32 $0xFFFFC000;
	(pc) =	sbr.rel @p0 .LBB2_1-.Ltmp1, $4  }
0x24: {  	[hbm4b:s12+s2] =	stream.linear.scatter [tilespmem:s9], [sflag:$0x2], $0x4000, $0x38;
	[tilespmem:$0x5000] =	vst v63  }
0x25: {  	_ =	swait.ge [sflag:s7], $0x4000  }
0x26: {  	[sflag:s7] =	ssyncset.done $0x0  }
0x27: {  	[sflag:s7] =	ssyncadd.s32 $0xFFFFC000  }
0x28: {  	_ =	sfence.sel $0x180000  }
0x29: {  	[bflag:$0x0] =	sbarrier.arrive $0xFFFF  }
0x2a: {  	p0 =	sne.s32 s1, $0x0;
	_ =	strace $0x9000004A  }
0x2b: {  	s0 =	sadd.s32 @!p0 $0x100000, s0;
	[bflag:$0x2] =	sbarrier.arrive $0xFFFF  }
0x2c: {  	[sflag:s0] =	ssyncadd.tile.s32 @!p0 $0x1;
	_ =	shalt  }
.Lfunc_end2:
_tile_overlayer_lowered:
.L_overlay_start_2:
0x2d: {  	(tag) =	ssettag $0x2  }
0x2e: {  	s0 =	rddreg [dreg:$0x0];
	s2 =	stileid.u32  }
0x2f: {  	s1 =	rddreg [dreg:$0x1];
	p0 =	sne.s32 s2, $0x0  }
0x30: {  	s3 =	rddreg [dreg:$0x2];
	[bflag:$0x3] =	sbarrier.arrive $0xFFFF;
	s2 =	simm.s32 @!p0 $0x1C02  }
0x31: {  	[timem:s3], [sflag:s2] =	dma.local @!p0 [hbm:s0], s1  }
0x32: {  	s0 =	simm.s32 @!p0 $0x2  }
0x33: {  	_ =	swait.ge @!p0 [sflag:s0], s1  }
0x34: {  	s1 =	ssub.s32 @!p0 $0x0, s1;
	[sflag:s0] =	ssyncset.done @!p0 $0x0  }
0x35: {  	[sflag:s0] =	ssyncadd.s32 @!p0 s1  }
0x36: {  	[bflag:$0x3] =	sbarrier.arrive $0xFFFF  }
0x37: {  	_ =	shalt  }

// kernel: kernel.7.cloned.1.call-start
scs
__scs_entry_jumppad:
0x0: {  	(pc) =	sbr.rel $0x88, $3  }
0x1: {  	(tag) =	ssettag $0x0;
	lr =	simm.s32 $0x1  }
0x2: {  	[smem:$0x3F96] =	sst lr;
	_ =	strace $0xD0000000  }
0x3: {  	_ = 	snop  }
0x4: {  	_ = 	snop  }
0x5: {  	_ = 	snop  }
0x6: {  	_ = 	snop  }
0x7: {  	_ = 	snop  }
__scs_overlays_trampoline_lowered:
0x8: {  	[smem:$0x3FA5] =	sst s0  }
0x9: {  	[smem:$0x3FA6] =	sst s1  }
0xa: {  	[smem:$0x3FA7] =	sst s2  }
0xb: {  	[smem:$0x3FA8] =	sst s3  }
0xc: {  	[smem:$0x3FA9] =	sst s4  }
0xd: {  	[smem:$0x3FAA] =	sst s5  }
0xe: {  	[smem:$0x3FAB] =	sst s6  }
0xf: {  	[smem:$0x3FAC] =	sst s7  }
0x10: {  	[smem:$0x3FAD] =	sst s8  }
0x11: {  	[smem:$0x3FAE] =	sst s9;
	s0 =	simm.s32 @!p0 $0x0  }
0x12: {  	s1 =	sld [smem:$0x3F94];
	s0 =	simm.s32 @p0 $0x1  }
0x13: {  	[smem:$0x3FAF] =	sst s0;
	s0 =	simm.s32 @!p1 $0x0  }
0x14: {  	s2 =	sld [smem:$0x3F93];
	s0 =	simm.s32 @p1 $0x1  }
0x15: {  	[smem:$0x3FB0] =	sst s0;
	s0 =	simm.s32 @!p2 $0x0  }
0x16: {  	s3 =	sld [smem:$0x3FDB];
	s0 =	simm.s32 @p2 $0x1  }
0x17: {  	s4 =	simm.s32 $0x1BF5;
	[smem:$0x3FB2] =	sst s0  }
0x18: {  	s0 =	sld [smem:$0x3F95];
	_ =	swait.ge [sflag:s4], $0x0  }
0x19: {  	s7 =	sld [smem:$0x3F96]  }
0x1a: {  	s8 =	sadd.s32 $0xFFFFE003, lr  }
0x1b: {  	s9 =	sadd.s32 $0xFFFFFEF7, lr;
	s5 =	simm.s32 $0xFFFFFFFF;
	p2 =	slt.u32 s8, $0xFFFFF086  }
0x1c: {  	p1 =	slt.u32 s9, $0xF7A;
	s5 =	simm.s32 @!p2 $0x0  }
0x1d: {  	s5 =	simm.s32 @p1 $0x1;
	p0 =	seq.s32 s7, s2  }
0x1e: {  	s7 =	smul.u32 @!p0 $0xF7A, s2;
	p2 =	seq.s32 @!p0 s5, $0x0  }
0x1f: {  	s9 =	smul.u32 $0xF7A, s1;
	s8 =	simm.s32 @!p0 $0x1BF5;
	p2 =	por !p2, p0  }
0x20: {  	[sflag:s8] =	ssyncset.s32 @!p0 $0xFFFFF086;
	s6 =	sadd.s32 @!p0 s3, s7;
	s7 =	simm.s32 @!p0 $0x108  }
0x21: {  	s3 =	sadd.s32 s3, s9;
	s6 =	sadd.s32 @!p0 $0x88, s6;
	s7 =	simm.s32 @p2 $0x1082  }
0x22: {  	[simem:s7], [sflag:s8] =	dma.local @!p0 [hbm:s6], $0xF7A  }
0x23: {  	s9 =	sor.u32 $0xD0000000, s2;
	s6 =	simm.s32 $0x108;
	_ =	swait.ge @!p0 [sflag:s8], $0x0  }
0x24: {  	s3 =	sadd.s32 $0x88, s3;
	s6 =	simm.s32 @!p1 $0x1082;
	[sflag:s4] =	ssyncset.s32 $0xFFFFF086  }
0x25: {  	[simem:s6], [sflag:s4] =	dma.local [hbm:s3], $0xF7A  }
0x26: {  	[smem:$0x3F96] =	sst s1;
	(tag) =	ssettag s2;
	_ =	strace s9  }
0x27: {  	s1 =	sld [smem:$0x3FA6]  }
0x28: {  	s2 =	sld [smem:$0x3FA7]  }
0x29: {  	s4 =	sld [smem:$0x3FA9]  }
0x2a: {  	p0 =	seq.s32 s5, $0x0;
	s5 =	sld [smem:$0x3FAA]  }
0x2b: {  	s6 =	sld [smem:$0x3FAB]  }
0x2c: {  	s7 =	sld [smem:$0x3FAC]  }
0x2d: {  	s3 =	simm.s32 $0x108;
	s8 =	sld [smem:$0x3FAD]  }
0x2e: {  	s3 =	simm.s32 @!p0 $0x1082;
	s9 =	sld [smem:$0x3FAE]  }
0x2f: {  	lr =	sadd.s32 s0, s3;
	s0 =	sld [smem:$0x3FA5]  }
0x30: {  	s3 =	sld [smem:$0x3FA8]  }
0x31: {  	[smem:$0x3FB1] =	sst s10  }
0x32: {  	s10 =	sld [smem:$0x3FAF];
	_ =	sdelay $0x3  }
0x33: {  	p0 =	seq.s32 s10, $0x1;
	s10 =	sld [smem:$0x3FB1];
	_ =	sdelay $0x3  }
0x34: {  	[smem:$0x3FB1] =	sst s10  }
0x35: {  	s10 =	sld [smem:$0x3FB0];
	_ =	sdelay $0x3  }
0x36: {  	p1 =	seq.s32 s10, $0x1;
	s10 =	sld [smem:$0x3FB1];
	_ =	sdelay $0x3  }
0x37: {  	[smem:$0x3FB1] =	sst s10  }
0x38: {  	s10 =	sld [smem:$0x3FB2]  }
0x39: {  	_ = 	snop;
	(pc) =	sbr.ind lr, $3  }
0x3a: {  	_ = 	snop  }
0x3b: {  	_ = 	snop  }
0x3c: {  	p2 =	seq.s32 s10, $0x1;
	s10 =	sld [smem:$0x3FB1]  }
0x3d: {  	_ =	shalt  }
0x3e: {  	_ =	shalt  }
0x3f: {  	_ =	shalt  }
0x40: {  	_ =	shalt  }
0x41: {  	_ =	shalt  }
0x42: {  	_ =	shalt  }
0x43: {  	_ =	shalt  }
0x44: {  	_ =	shalt  }
0x45: {  	_ =	shalt  }
0x46: {  	_ =	shalt  }
0x47: {  	_ =	shalt  }
0x48: {  	_ =	shalt  }
0x49: {  	_ =	shalt  }
0x4a: {  	_ =	shalt  }
0x4b: {  	_ =	shalt  }
0x4c: {  	_ =	shalt  }
0x4d: {  	_ =	shalt  }
0x4e: {  	_ =	shalt  }
0x4f: {  	_ =	shalt  }
0x50: {  	_ =	shalt  }
0x51: {  	_ =	shalt  }
0x52: {  	_ =	shalt  }
0x53: {  	_ =	shalt  }
0x54: {  	_ =	shalt  }
0x55: {  	_ =	shalt  }
0x56: {  	_ =	shalt  }
0x57: {  	_ =	shalt  }
0x58: {  	_ =	shalt  }
0x59: {  	_ =	shalt  }
0x5a: {  	_ =	shalt  }
0x5b: {  	_ =	shalt  }
0x5c: {  	_ =	shalt  }
0x5d: {  	_ =	shalt  }
0x5e: {  	_ =	shalt  }
0x5f: {  	_ =	shalt  }
0x60: {  	_ =	shalt  }
0x61: {  	_ =	shalt  }
0x62: {  	_ =	shalt  }
0x63: {  	_ =	shalt  }
0x64: {  	_ =	shalt  }
0x65: {  	_ =	shalt  }
0x66: {  	_ =	shalt  }
0x67: {  	_ =	shalt  }
0x68: {  	_ =	shalt  }
0x69: {  	_ =	shalt  }
0x6a: {  	_ =	shalt  }
0x6b: {  	_ =	shalt  }
0x6c: {  	_ =	shalt  }
0x6d: {  	_ =	shalt  }
0x6e: {  	_ =	shalt  }
0x6f: {  	_ =	shalt  }
0x70: {  	_ =	shalt  }
0x71: {  	_ =	shalt  }
0x72: {  	_ =	shalt  }
0x73: {  	_ =	shalt  }
0x74: {  	_ =	shalt  }
0x75: {  	_ =	shalt  }
0x76: {  	_ =	shalt  }
0x77: {  	_ =	shalt  }
0x78: {  	_ =	shalt  }
0x79: {  	_ =	shalt  }
0x7a: {  	_ =	shalt  }
0x7b: {  	_ =	shalt  }
0x7c: {  	_ =	shalt  }
0x7d: {  	_ =	shalt  }
0x7e: {  	_ =	shalt  }
0x7f: {  	_ =	shalt  }
0x80: {  	_ =	shalt  }
0x81: {  	_ =	shalt  }
0x82: {  	_ =	shalt  }
0x83: {  	_ =	shalt  }
0x84: {  	_ =	shalt  }
0x85: {  	_ =	shalt  }
0x86: {  	_ =	shalt  }
0x87: {  	_ =	shalt  }
.Lfunc_end0:
.L_simem_size_0:
called_computation_lowered:
.L_overlay_start_0:
0x88: {  	s2 =	sld [smem:$0x3FD9]  }
0x89: {  	s3 =	sld [smem:$0x3FFE];
	_ =	sdelay $0x1  }
0x8a: {  	s1 =	srdreg.scid  }
0x8b: {  	s0 =	sand.u32 $0x1, s1  }
0x8c: {  	s14 =	sshll.u32 s0, $0xA;
	s2 =	sadd.s32 s3, s2  }
0x8d: {  	s2 =	sadd.s32 s2, s14  }
0x8e: {  	[smem:$0x3FBD] =	sst s2  }
0x8f: {  	_ = 	snop  }
0x90: {  	s2 =	sld [smem:$0x3FD0];
	_ =	sdelay $0x2  }
0x91: {  	s15 =	simm.s32 $0xA;
	s4 =	simm.s32 $0x10  }
0x92: {  	[smem:s4], [sflag:s15] =	dma.local [hbm:s2], $0x1  }
0x93: {  	_ =	swait.eq [sflag:s15], $0x1  }
0x94: {  	[sflag:s15] =	ssyncset.done $0x0  }
0x95: {  	s16 =	sld [smem:$0x10];
	[sflag:s15] =	ssyncadd.s32 $0xFFFFFFFF  }
0x96: {  	s17 =	sld [smem:$0x11];
	(tm) =	ssettm $0x1  }
0x97: {  	s18 =	sld [smem:$0x3FFB];
	_ =	sdelay $0x3  }
0x98: {  	_ =	strace s18  }
0x99: {  	s4 =	sld [smem:$0x3FFC];
	_ =	sdelay $0x3  }
0x9a: {  	_ =	strace s4  }
0x9b: {  	s4 =	sld [smem:$0x3FFD];
	_ =	sdelay $0x3  }
0x9c: {  	_ =	strace s4  }
0x9d: {  	_ =	strace $0x8FFFFFFF  }
0x9e: {  	s19 =	sld [smem:$0x3FDB];
	_ =	sdelay $0x1  }
0x9f: {  	s5 =	simm.s32 $_scs_section_size  }
0xa0: {  	s6 =	simm.s32 $_size__tile_overlayer_lowered;
	s7 =	simm.s32 $_tile_overlayer_lowered  }
0xa1: {  	s22 =	simm.s32 $0x1BFF;
	s21 =	sshll.u32 s7, $0x1;
	s4 =	sadd.s32 s5, s19  }
0xa2: {  	s8 =	simm.s32 $0x0;
	s20 =	sshll.u32 s6, $0x1;
	s6 =	sadd.s32 s21, s4  }
0xa3: {  	[timem:s8], [sflag:s22] =	dma.local [hbm:s6], s20  }
0xa4: {  	_ =	swait.ge [sflag:s22], s20  }
0xa5: {  	s5 =	ssub.s32 $0x0, s20;
	[sflag:s22] =	ssyncset.done $0x0  }
0xa6: {  	[sflag:s22] =	ssyncadd.s32 s5;
	_ =	sdelay $0x1  }
0xa7: {  	s23 =	simm.s32 $0x1B8B  }
0xa8: {  	_ =	swait.ge [sflag:s23], $0x1  }
0xa9: {  	[sflag:s23] =	ssyncset.done $0x0  }
0xaa: {  	s25 =	simm.s32 $0x1B8E;
	s24 =	sld [smem:$0x3FFE];
	[sflag:s23] =	ssyncadd.s32 $0xFFFFFFFF  }
0xab: {  	s26 =	simm.s32 $execute0_lowered;
	[smem:$0x3FD2] =	sst s25  }
0xac: {  	s6 =	sshll.u32 s26, $0x1;
	_ =	strace $0x80000046;
	[dreg:$0x1] =	wrdreg $0xFFFFFFFF  }
0xad: {  	s28 =	simm.s32 $_size_execute0_lowered;
	s4 =	sadd.s32 s4, s6;
	[dreg:$0x0] =	wrdreg $0x0  }
0xae: {  	s6 =	sshll.u32 s28, $0x1;
	[dreg:$0x2] =	wrdreg s4  }
0xaf: {  	[dreg:$0x3] =	wrdreg s6  }
0xb0: {  	[dreg:$0x4] =	wrdreg $0xC0  }
0xb1: {  	_ =	task [dreg:s8], $0x5FFFF  }
0xb2: {  	[dreg:$0x1] =	wrdreg $0xFFFFFFFF  }
0xb3: {  	[dreg:$0x0] =	wrdreg $0x60  }
0xb4: {  	[dreg:$0x2] =	wrdreg s24  }
0xb5: {  	[dreg:$0x3] =	wrdreg s16  }
0xb6: {  	[dreg:$0x4] =	wrdreg s17  }
0xb7: {  	[dreg:$0x5] =	wrdreg $0x9  }
0xb8: {  	_ =	task.clear_ibuf [dreg:s8], $0x6FFFF;
	_ =	strace $0x90000046  }
0xb9: {  	s29 =	simm.s32 $0x9;
	_ =	strace $0x80000048  }
0xba: {  	_ =	swait.ge [sflag:s29], $0x1  }
0xbb: {  	[sflag:s29] =	ssyncadd.s32 $0xFFFFFFFF  }
0xbc: {  	_ =	strace $0x90000048  }
0xbd: {  	_ =	sfence  }
0xbe: {  	s30 =	sld [smem:$0x0];
	_ =	sdelay $0x2  }
0xbf: {  	s31 =	sshll.u32 s1, $0xD;
	s1 =	sshrl.u32 s1, $0x2  }
0xc0: {  	s3 =	sand.u32 $0x4000, s31;
	s1 =	sadd.s32 s1, s30  }
0xc1: {  	s0 =	sor.u32 s3, s0;
	s1 =	sshll.u32 s1, $0x11  }
0xc2: {  	s0 =	sor.u32 s1, s0  }
0xc3: {  	s0 =	sadd.s32 $0x8F2B, s0  }
0xc4: {  	[sflag:s0] =	ssyncadd.remote.s32 $0x1  }
0xc5: {  	_ =	sfence.sel $0xFFFF  }
0xc6: {  	[dreg:$0x0] =	wrdreg $0xFFFFFFFF;
	(pc) =	sbr.abs _section_cstart, $3  }
0xc7: {  	[dreg:$0x1] =	wrdreg $0xFFFFFFFF  }
0xc8: {  	_ =	task.clear_ibuf [dreg:s8], $0x2FFFF;
	_ =	strace $0x9FFFFFFF  }
0xc9: {  	(tm) =	ssettm $0x7FFFFFFF  }
tec
execute0_lowered:
.L_overlay_start_1:
0x0: {  	(tag) =	ssettag $0x1  }
0x1: {  	s5 =	rddreg [dreg:$0x0]  }
0x2: {  	s3 =	rddreg [dreg:$0x1];
	s1 =	srdreg.scid  }
0x3: {  	s0 =	stileid.u32;
	s8 =	rddreg [dreg:$0x2]  }
0x4: {  	s2 =	simm.s32 $0x0;
	s6 =	sand.u32 $0x1, s1;
	s4 =	sshll.u32 s0, $0x1  }
0x5: {  	[smem:$0x7FF] =	sst s2;
	s9 =	sor.u32 s6, s4  }
0x6: {  	s1 =	rddreg [dreg:$0x3];
	_ =	strace $0x80000047;
	s4 =	sshll.u32 s9, $0x4  }
0x7: {  	s10 =	ssub.s32 $0x2, s6;
	s4 =	sadd.s32 s3, s4;
	s3 =	simm.s32 $0x2  }
0x8: {  	[tilespmem:s2], [sflag:$0x2] =	stream.linear.gather [hbm4b:s4+s2], $0x80, $0x38;
	[tilespmem:$0x4080] =	vst v63  }
0x9: {  	s7 =	simm.s32 $0x1;
	s11 =	sshrl.u32 s10, $0x1;
	_ =	swait.ge [sflag:s3], $0x80  }
0xa: {  	s5 =	sadd.s32 $0x82200, s5;
	s10 =	ssub.s32 s10, s11;
	[sflag:s3] =	ssyncset.done $0x0  }
0xb: {  	s6 =	simm.s32 $0x80;
	s31 =	smax.u32 s10, $0x1;
	[sflag:s3] =	ssyncadd.s32 $0xFFFFFF80  }
0xc: {  	[tilespmem:s6], [sflag:$0x1] =	stream.indirect.gather [hbm4b:s5+s6], $0x80, s2, s6, $0xb8;
	[tilespmem:$0x4080] =	vst v63  }
0xd: {  	p0 =	sne.s32 s31, $0x1;
	_ =	swait.ge [sflag:s7], $0x4000  }
.Ltmp0:
0xe: {  	s9 =	sshll.u32 s9, $0xB;
	[sflag:s7] =	ssyncset.done $0x0;
	(pc) =	sbr.rel @!p0 .LBB2_2-.Ltmp0, $4  }
0xf: {  	s8 =	sadd.s32 s8, s9;
	[sflag:s7] =	ssyncadd.s32 $0xFFFFC000  }
0x10: {  	[hbm4b:s8+s2] =	stream.linear.scatter [tilespmem:s6], [sflag:$0x2], $0x4000, $0x38;
	[tilespmem:$0x4080] =	vst v63  }
0x11: {  	_ =	swait.ge [sflag:s3], $0x4000  }
0x12: {  	s9 =	sadd.s32 $0xFFFFFFFF, s31;
	[sflag:s3] =	ssyncset.done $0x0  }
.LBB2_1:
0x13: {  	p0 =	sne.s32 s9, $0x1;
	s9 =	sadd.s32 $0xFFFFFFFF, s9;
	[sflag:s3] =	ssyncadd.s32 $0xFFFFC000  }
0x14: {  	[tilespmem:s2], [sflag:$0x2] =	stream.linear.gather [hbm4b:s4+s2], $0x80, $0x38;
	[tilespmem:$0x4080] =	vst v63  }
0x15: {  	_ =	swait.ge [sflag:s3], $0x80  }
0x16: {  	[sflag:s3] =	ssyncset.done $0x0  }
0x17: {  	[sflag:s3] =	ssyncadd.s32 $0xFFFFFF80  }
0x18: {  	[tilespmem:s6], [sflag:$0x1] =	stream.indirect.gather [hbm4b:s5+s6], $0x80, s2, s6, $0xb8;
	[tilespmem:$0x4080] =	vst v63  }
0x19: {  	_ =	swait.ge [sflag:s7], $0x4000  }
.Ltmp1:
0x1a: {  	[sflag:s7] =	ssyncset.done $0x0;
	(pc) =	sbr.rel @p0 .LBB2_1-.Ltmp1, $4  }
0x1b: {  	[sflag:s7] =	ssyncadd.s32 $0xFFFFC000  }
0x1c: {  	[hbm4b:s8+s2] =	stream.linear.scatter [tilespmem:s6], [sflag:$0x2], $0x4000, $0x38;
	[tilespmem:$0x4080] =	vst v63  }
0x1d: {  	_ =	swait.ge [sflag:s3], $0x4000  }
0x1e: {  	[sflag:s3] =	ssyncset.done $0x0  }
.LBB2_2:
0x1f: {  	[sflag:s3] =	ssyncadd.s32 $0xFFFFC000  }
0x20: {  	_ =	sfence.sel $0x180000  }
0x21: {  	[bflag:$0x0] =	sbarrier.arrive $0xFFFF  }
0x22: {  	p0 =	sne.s32 s0, $0x0;
	_ =	strace $0x90000047  }
0x23: {  	s0 =	sadd.s32 @!p0 $0x100000, s1;
	[bflag:$0x2] =	sbarrier.arrive $0xFFFF  }
0x24: {  	[sflag:s0] =	ssyncadd.tile.s32 @!p0 $0x1;
	_ =	shalt  }
.Lfunc_end2:
_tile_overlayer_lowered:
.L_overlay_start_2:
0x25: {  	(tag) =	ssettag $0x2  }
0x26: {  	s0 =	rddreg [dreg:$0x0];
	s2 =	stileid.u32  }
0x27: {  	s1 =	rddreg [dreg:$0x1];
	p0 =	sne.s32 s2, $0x0  }
0x28: {  	s3 =	rddreg [dreg:$0x2];
	[bflag:$0x3] =	sbarrier.arrive $0xFFFF;
	s2 =	simm.s32 @!p0 $0x1C02  }
0x29: {  	[timem:s3], [sflag:s2] =	dma.local @!p0 [hbm:s0], s1  }
0x2a: {  	s0 =	simm.s32 @!p0 $0x2  }
0x2b: {  	_ =	swait.ge @!p0 [sflag:s0], s1  }
0x2c: {  	s1 =	ssub.s32 @!p0 $0x0, s1;
	[sflag:s0] =	ssyncset.done @!p0 $0x0  }
0x2d: {  	[sflag:s0] =	ssyncadd.s32 @!p0 s1  }
0x2e: {  	[bflag:$0x3] =	sbarrier.arrive $0xFFFF  }
0x2f: {  	_ =	shalt  }

</sc_bundles>
